<compile_context>
chip_gen: v7x
topology: tpu7x:2x2x1
jax: 0.10.2.dev20260603
libtpu: 0.0.44.dev20260713+nightly
codegen_flags: <defaults>
</compile_context>

<pallas_src>
import functools

import jax
import jax.numpy as jnp
from jax import lax
from jax.experimental import pallas as pl
from jax.experimental.pallas import tpu as pltpu
from jax.experimental.pallas import tpu_sc as plsc

_T = 4096


def _vq_body(zr_ref, emb_ref, e2_ref, idx_ref, perp_ref, md_ref,
             counts_ref, szacc_ref, z2acc_ref, *, nb, nj, n_tokens, k):
    bi = pl.program_id(0)
    ji = pl.program_id(1)

    @pl.when((bi == 0) & (ji == 0))
    def _init():
        counts_ref[...] = jnp.zeros_like(counts_ref)
        szacc_ref[...] = jnp.zeros_like(szacc_ref)
        z2acc_ref[0, 0] = 0.0

    zt = zr_ref[0]
    c, t = zt.shape
    scores = jnp.dot(emb_ref[...], zt, preferred_element_type=jnp.float32)
    z2 = jnp.sum(zt * zt, axis=0, keepdims=True)
    v = (z2 - 2.0 * scores) + e2_ref[...]

    accm = v[0:8, :]
    accr = jnp.zeros((8, t), jnp.int32)
    for r in range(1, k // 8):
        vr = v[8 * r:8 * r + 8, :]
        lt = vr < accm
        accm = jnp.where(lt, vr, accm)
        accr = jnp.where(lt, r, accr)
    acck = accr * 8 + jax.lax.broadcasted_iota(jnp.int32, (8, t), 0)
    m = jnp.min(accm, axis=0, keepdims=True)
    idx = jnp.min(jnp.where(accm == m, acck, k), axis=0)
    idx_ref[0, 0, :] = idx

    kiota = jax.lax.broadcasted_iota(jnp.int32, (k, 128), 0)
    for g in range(t // 128):
        lo, hi = g * 128, (g + 1) * 128
        counts_ref[...] += (kiota == idx[lo:hi][None, :]).astype(jnp.float32)
        szacc_ref[...] += zt[:, lo:hi]
    z2acc_ref[0, 0] += jnp.sum(zt * zt)

    @pl.when((bi == nb - 1) & (ji == nj - 1))
    def _fini():
        cnt = jnp.sum(counts_ref[...], axis=1, keepdims=True)
        e_mean = cnt * (1.0 / n_tokens)
        ent = jnp.sum(e_mean * jnp.log(e_mean + 1e-10))
        perp_ref[0, 0] = jnp.exp(-ent)
        e = emb_ref[...]
        sum_e2 = jnp.sum(e2_ref[...])
        sz = jnp.sum(szacc_ref[...], axis=1, keepdims=True)
        se = jnp.sum(e, axis=0, keepdims=True)
        cross = jnp.sum(se * sz.T)
        tot = (k * z2acc_ref[0, 0] + n_tokens * sum_e2 - 2.0 * cross)
        md_ref[0, 0] = tot * (1.0 / (n_tokens * k))


def _tc_quantize(zr, embedding, e2):
    b, c, hwd = zr.shape
    k = embedding.shape[0]
    n_tokens = b * hwd
    t = _T
    nj = hwd // t

    grid = (b, nj)
    out_shapes = (
        jax.ShapeDtypeStruct((b * nj, 1, t), jnp.int32),
        jax.ShapeDtypeStruct((1, 1), jnp.float32),
        jax.ShapeDtypeStruct((1, 1), jnp.float32),
    )
    in_specs = [
        pl.BlockSpec((1, c, t), lambda bi, ji: (bi, 0, ji)),
        pl.BlockSpec((k, c), lambda bi, ji: (0, 0)),
        pl.BlockSpec((k, 1), lambda bi, ji: (0, 0)),
    ]
    out_specs = (
        pl.BlockSpec((1, 1, t), lambda bi, ji: (bi * nj + ji, 0, 0)),
        pl.BlockSpec(memory_space=pltpu.SMEM),
        pl.BlockSpec(memory_space=pltpu.SMEM),
    )
    body = functools.partial(_vq_body, nb=b, nj=nj, n_tokens=n_tokens, k=k)
    return pl.pallas_call(
        body,
        grid=grid,
        in_specs=in_specs,
        out_specs=out_specs,
        out_shape=out_shapes,
        scratch_shapes=[
            pltpu.VMEM((k, 128), jnp.float32),
            pltpu.VMEM((c, 128), jnp.float32),
            pltpu.SMEM((1, 1), jnp.float32),
        ],
    )(zr, embedding, e2)


def _sc_gather(embT, idx_flat, b, c, hwd):
    n_tokens = b * hwd
    ncg = 8
    cpg = c // ncg
    ntr = 32 // ncg
    tpr = n_tokens // ntr
    mesh = plsc.VectorSubcoreMesh(core_axis_name="c", subcore_axis_name="s")

    @functools.partial(
        pl.kernel, mesh=mesh,
        compiler_params=pltpu.CompilerParams(needs_layout_passes=False),
        out_type=jax.ShapeDtypeStruct((b, c, hwd), jnp.float32),
        scratch_types=[
            pltpu.VMEM((cpg * 1024,), jnp.float32),
            pltpu.VMEM((tpr,), jnp.int32),
            pltpu.VMEM((cpg, tpr), jnp.float32),
        ],
    )
    def k(embT_hbm, idx_hbm, out_hbm, embt_v, idx_v, out_v):
        wid = lax.axis_index("s") * 2 + lax.axis_index("c")
        cg = wid % ncg
        tr = wid // ncg
        pltpu.sync_copy(embT_hbm.at[pl.ds(cg * cpg * 1024, cpg * 1024)],
                        embt_v)
        pltpu.sync_copy(idx_hbm.at[pl.ds(tr * tpr, tpr)], idx_v)

        @plsc.parallel_loop(0, tpr // 16, unroll=8)
        def body(g):
            iv = idx_v[pl.ds(g * 16, 16)]
            for ch in range(cpg):
                out_v[ch, pl.ds(g * 16, 16)] = plsc.load_gather(
                    embt_v, [iv + (ch * 1024)])
        pltpu.sync_copy(out_v, out_hbm.at[tr, pl.ds(cg * cpg, cpg), :])

    return k(embT, idx_flat)


def kernel(z, embedding):
    b, c, h, w, d = z.shape
    k = embedding.shape[0]
    hwd = h * w * d

    zr = z.reshape(b, c, hwd)
    e2 = jnp.sum(embedding ** 2, axis=1, keepdims=True)
    embT = embedding.T.reshape(c * k)

    idx, perp, md = _tc_quantize(zr, embedding, e2)
    idx_flat = idx.reshape(b * hwd)
    zq = _sc_gather(embT, idx_flat, b, c, hwd)

    z_q = zq.reshape(b, c, h, w, d)
    indices = idx.reshape(b, h, w, d)
    loss = jnp.zeros((), z.dtype)
    return (z_q, loss, perp[0, 0], indices, md[0, 0])

# --- scband reference (transcript-rebuilt; emitter-appended) ---
"""Pipeline reference for scband-emaquantizer-55722905699288 (READ-ONLY COPY).

The authoritative reference and input builder live on the scoring server;
editing this copy changes nothing except your own understanding.
"""

import jax, jax.numpy as jnp
import numpy as np

CODEBOOK_SIZE = 1024
EMB_DIM = 64


def setup_inputs(seed: int = 0) -> dict:
    key = jax.random.key(seed)
    k1, k2 = jax.random.split(key)
    z = jax.random.normal(k1, (4, EMB_DIM, 32, 32, 8), dtype=jnp.float32)
    # learned codebook buffer: original builds torch.randn(emb_dim, codebook_size).t() -> [K, D]
    embedding = jax.random.normal(k2, (CODEBOOK_SIZE, EMB_DIM), dtype=jnp.float32)
    return {"z": z, "embedding": embedding}


def reference(z, embedding):
    b, c, h, w, d = z.shape
    codebook_size = embedding.shape[0]
    z_flattened = jnp.transpose(z, (0, 2, 3, 4, 1)).reshape(-1, c)
    dist = (jnp.sum(z_flattened ** 2, axis=1, keepdims=True)
            - 2.0 * z_flattened @ embedding.T
            + jnp.sum(embedding ** 2, axis=1, keepdims=True).T)
    min_encoding_indices = jnp.argmax(-dist, axis=1)
    min_encodings = jax.nn.one_hot(min_encoding_indices, codebook_size, dtype=z_flattened.dtype)
    z_q = min_encodings @ embedding
    z_q = z_q.reshape(b, h, w, d, c)
    z_q = jnp.transpose(z_q, (0, 4, 1, 2, 3))
    # straight-through estimator
    z_q = z + jax.lax.stop_gradient(z_q - z)
    e_mean = jnp.mean(min_encodings, axis=0)
    perplexity = jnp.exp(-jnp.sum(e_mean * jnp.log(e_mean + 1e-10)))
    loss = jnp.array(0.0, dtype=z.dtype)
    mean_distance = jnp.mean(dist)
    return (z_q, loss, perplexity, min_encoding_indices.reshape(b, h, w, d), mean_distance)

if __name__ == "__main__":
    import jax
    _d = setup_inputs()
    print(jax.jit(kernel)(*tuple(_d.values())))

</pallas_src>

<mosaic_0001>
#map = affine_map<(d0, d1) -> (0)>
#map1 = affine_map<(d0, d1) -> (0, 0, 0)>
module attributes {stable_mosaic.version = 14 : i64} {
  func.func @k(%arg0: i32, %arg1: i32, %arg2: memref<65536xf32, #tpu.memory_space<hbm>>, %arg3: memref<32768xi32, #tpu.memory_space<hbm>>, %arg4: memref<4x64x8192xf32, #tpu.memory_space<hbm>>, %arg5: memref<8192xf32, #tpu.memory_space<vmem>>, %arg6: memref<8192xi32, #tpu.memory_space<vmem>>, %arg7: memref<8x8192xf32, #tpu.memory_space<vmem>>) attributes {dimension_semantics = [#tpu.dimension_semantics<core_parallel>, #tpu.dimension_semantics<subcore_parallel>], iteration_bounds = array<i64: 2, 16>, scalar_prefetch = 0 : i64, scratch_operands = 3 : i64, tpu.core_type = #tpu.core_type<sc_vector_subcore>, window_params = [{transform_indices = #map}, {transform_indices = #map}, {transform_indices = #map1}]} {
    %mul3A = arith.constant 2 : i32
    %mul3A_0 = arith.muli %arg1, %mul3A : i32
    %add3A = arith.addi %mul3A_0, %arg0 : i32
    %jit3A = arith.constant 8 : i32
    %eq3A = arith.constant 0 : i32
    %eq3A_1 = arith.cmpi eq, %jit3A, %eq3A : i32
    %jit3A_2 = arith.constant 1 : i32
    %select_n3A = arith.select %eq3A_1, %jit3A_2, %jit3A : i32
    %rem3A = arith.remsi %add3A, %select_n3A : i32
    %ne3A = arith.constant 0 : i32
    %ne3A_3 = arith.cmpi ne, %rem3A, %ne3A : i32
    %lt3A = arith.constant 0 : i32
    %lt3A_4 = arith.cmpi slt, %rem3A, %lt3A : i32
    %lt3A_5 = arith.constant 0 : i32
    %lt3A_6 = arith.cmpi slt, %select_n3A, %lt3A_5 : i32
    %ne3A_7 = arith.xori %lt3A_4, %lt3A_6 : i1
    %and3A = arith.andi %ne3A_7, %ne3A_3 : i1
    %add3A_8 = arith.addi %rem3A, %select_n3A : i32
    %select_n3A_9 = arith.select %and3A, %add3A_8, %rem3A : i32
    %jit3A_10 = arith.constant 8 : i32
    %div3A = arith.divsi %add3A, %jit3A_10 : i32
    %sign3A = arith.constant 0 : i32
    %sign3A_11 = arith.cmpi sgt, %add3A, %sign3A : i32
    %sign3A_12 = arith.extui %sign3A_11 : i1 to i32
    %sign3A_13 = arith.constant 0 : i32
    %sign3A_14 = arith.cmpi slt, %add3A, %sign3A_13 : i32
    %sign3A_15 = arith.extui %sign3A_14 : i1 to i32
    %sign3A_16 = arith.subi %sign3A_12, %sign3A_15 : i32
    %sign3A_17 = arith.constant 0 : i32
    %sign3A_18 = arith.cmpi sgt, %jit3A_10, %sign3A_17 : i32
    %sign3A_19 = arith.extui %sign3A_18 : i1 to i32
    %sign3A_20 = arith.constant 0 : i32
    %sign3A_21 = arith.cmpi slt, %jit3A_10, %sign3A_20 : i32
    %sign3A_22 = arith.extui %sign3A_21 : i1 to i32
    %sign3A_23 = arith.subi %sign3A_19, %sign3A_22 : i32
    %ne3A_24 = arith.cmpi ne, %sign3A_16, %sign3A_23 : i32
    %rem3A_25 = arith.remsi %add3A, %jit3A_10 : i32
    %ne3A_26 = arith.constant 0 : i32
    %ne3A_27 = arith.cmpi ne, %rem3A_25, %ne3A_26 : i32
    %and3A_28 = arith.andi %ne3A_24, %ne3A_27 : i1
    %sub3A = arith.constant 1 : i32
    %sub3A_29 = arith.subi %div3A, %sub3A : i32
    %select_n3A_30 = arith.select %and3A_28, %sub3A_29, %div3A : i32
    %mul3A_31 = arith.constant 8 : i32
    %mul3A_32 = arith.muli %select_n3A_9, %mul3A_31 : i32
    %mul3A_33 = arith.constant 1024 : i32
    %mul3A_34 = arith.muli %mul3A_32, %mul3A_33 : i32
    "tpu.region"() ({
      %run_scoped3A = tpu.sem_alloc : memref<!tpu.dma_semaphore, #tpu.memory_space<semaphore_mem>>
      %dma_start3A = tpu.memref_slice %arg2[%mul3A_34] : memref<65536xf32, #tpu.memory_space<hbm>> -> memref<8192xf32, #tpu.memory_space<hbm>>
      %dma_start3A_41 = tpu.memref_slice %arg2[%mul3A_34] : memref<65536xf32, #tpu.memory_space<hbm>> -> memref<8192xf32, #tpu.memory_space<hbm>>
      tpu.enqueue_dma source(%dma_start3A_41 : memref<8192xf32, #tpu.memory_space<hbm>>) target(%arg5 : memref<8192xf32, #tpu.memory_space<vmem>>) target_semaphore(%run_scoped3A : memref<!tpu.dma_semaphore, #tpu.memory_space<semaphore_mem>>)
      %dma_wait3A = tpu.memref_slice %arg2[%mul3A_34] : memref<65536xf32, #tpu.memory_space<hbm>> -> memref<8192xf32, #tpu.memory_space<hbm>>
      %dma_wait3A_42 = tpu.memref_slice %arg2[%mul3A_34] : memref<65536xf32, #tpu.memory_space<hbm>> -> memref<8192xf32, #tpu.memory_space<hbm>>
      tpu.wait_dma2 semaphore(%run_scoped3A : memref<!tpu.dma_semaphore, #tpu.memory_space<semaphore_mem>>) src(%dma_wait3A_42 : memref<8192xf32, #tpu.memory_space<hbm>>) dst(%arg5 : memref<8192xf32, #tpu.memory_space<vmem>>)
      tpu.yield
    }) : () -> ()
    %mul3A_35 = arith.constant 8192 : i32
    %mul3A_36 = arith.muli %select_n3A_30, %mul3A_35 : i32
    "tpu.region"() ({
      %run_scoped3A = tpu.sem_alloc : memref<!tpu.dma_semaphore, #tpu.memory_space<semaphore_mem>>
      %dma_start3A = tpu.memref_slice %arg3[%mul3A_36] : memref<32768xi32, #tpu.memory_space<hbm>> -> memref<8192xi32, #tpu.memory_space<hbm>>
      %dma_start3A_41 = tpu.memref_slice %arg3[%mul3A_36] : memref<32768xi32, #tpu.memory_space<hbm>> -> memref<8192xi32, #tpu.memory_space<hbm>>
      tpu.enqueue_dma source(%dma_start3A_41 : memref<8192xi32, #tpu.memory_space<hbm>>) target(%arg6 : memref<8192xi32, #tpu.memory_space<vmem>>) target_semaphore(%run_scoped3A : memref<!tpu.dma_semaphore, #tpu.memory_space<semaphore_mem>>)
      %dma_wait3A = tpu.memref_slice %arg3[%mul3A_36] : memref<32768xi32, #tpu.memory_space<hbm>> -> memref<8192xi32, #tpu.memory_space<hbm>>
      %dma_wait3A_42 = tpu.memref_slice %arg3[%mul3A_36] : memref<32768xi32, #tpu.memory_space<hbm>> -> memref<8192xi32, #tpu.memory_space<hbm>>
      tpu.wait_dma2 semaphore(%run_scoped3A : memref<!tpu.dma_semaphore, #tpu.memory_space<semaphore_mem>>) src(%dma_wait3A_42 : memref<8192xi32, #tpu.memory_space<hbm>>) dst(%arg6 : memref<8192xi32, #tpu.memory_space<vmem>>)
      tpu.yield
    }) : () -> ()
    %parallel_loop3A = arith.constant 0 : i32
    %parallel_loop3A_37 = arith.constant 512 : i32
    %parallel_loop3A_38 = arith.constant 1 : i32
    scf.for %parallel_loop3A_41 = %parallel_loop3A to %parallel_loop3A_37 step %parallel_loop3A_38  : i32 {
      %parallel_loop3A_42 = arith.constant 16 : i32
      %parallel_loop3A_43 = arith.muli %parallel_loop3A_41, %parallel_loop3A_42 : i32
      %parallel_loop3A_44 = arith.index_cast %parallel_loop3A_43 : i32 to index
      %parallel_loop3A_45 = tpu.vector_load %arg6[%parallel_loop3A_44] {strides = array<i32>} : memref<8192xi32, #tpu.memory_space<vmem>>, vector<16xi32>,
      %parallel_loop3A_46 = arith.constant 0 : i32
      %parallel_loop3A_47 = vector.broadcast %parallel_loop3A_46 : i32 to vector<16xi32>
      %parallel_loop3A_48 = arith.addi %parallel_loop3A_45, %parallel_loop3A_47 : vector<16xi32>
      %parallel_loop3A_49 = tpu.vector_load_idx %arg5[%parallel_loop3A_48] : memref<8192xf32, #tpu.memory_space<vmem>>[vector<16xi32>], vector<16xf32>,
      %parallel_loop3A_50 = arith.constant 16 : i32
      %parallel_loop3A_51 = arith.muli %parallel_loop3A_41, %parallel_loop3A_50 : i32
      %parallel_loop3A_52 = arith.constant 0 : i32
      %parallel_loop3A_53 = arith.index_cast %parallel_loop3A_52 : i32 to index
      %parallel_loop3A_54 = arith.index_cast %parallel_loop3A_51 : i32 to index
      %parallel_loop3A_55 = tpu.vector_load %arg7[%parallel_loop3A_53, %parallel_loop3A_54] {strides = array<i32>} : memref<8x8192xf32, #tpu.memory_space<vmem>>, vector<16xf32>,
      tpu.vector_store %arg7[%parallel_loop3A_53, %parallel_loop3A_54], %parallel_loop3A_49 {strides = array<i32>} : memref<8x8192xf32, #tpu.memory_space<vmem>>, vector<16xf32>,
      %parallel_loop3A_56 = arith.constant 1024 : i32
      %parallel_loop3A_57 = vector.broadcast %parallel_loop3A_56 : i32 to vector<16xi32>
      %parallel_loop3A_58 = arith.addi %parallel_loop3A_45, %parallel_loop3A_57 : vector<16xi32>
      %parallel_loop3A_59 = tpu.vector_load_idx %arg5[%parallel_loop3A_58] : memref<8192xf32, #tpu.memory_space<vmem>>[vector<16xi32>], vector<16xf32>,
      %parallel_loop3A_60 = arith.constant 16 : i32
      %parallel_loop3A_61 = arith.muli %parallel_loop3A_41, %parallel_loop3A_60 : i32
      %parallel_loop3A_62 = arith.constant 1 : i32
      %parallel_loop3A_63 = arith.index_cast %parallel_loop3A_62 : i32 to index
      %parallel_loop3A_64 = arith.index_cast %parallel_loop3A_61 : i32 to index
      %parallel_loop3A_65 = tpu.vector_load %arg7[%parallel_loop3A_63, %parallel_loop3A_64] {strides = array<i32>} : memref<8x8192xf32, #tpu.memory_space<vmem>>, vector<16xf32>,
      tpu.vector_store %arg7[%parallel_loop3A_63, %parallel_loop3A_64], %parallel_loop3A_59 {strides = array<i32>} : memref<8x8192xf32, #tpu.memory_space<vmem>>, vector<16xf32>,
      %parallel_loop3A_66 = arith.constant 2048 : i32
      %parallel_loop3A_67 = vector.broadcast %parallel_loop3A_66 : i32 to vector<16xi32>
      %parallel_loop3A_68 = arith.addi %parallel_loop3A_45, %parallel_loop3A_67 : vector<16xi32>
      %parallel_loop3A_69 = tpu.vector_load_idx %arg5[%parallel_loop3A_68] : memref<8192xf32, #tpu.memory_space<vmem>>[vector<16xi32>], vector<16xf32>,
      %parallel_loop3A_70 = arith.constant 16 : i32
      %parallel_loop3A_71 = arith.muli %parallel_loop3A_41, %parallel_loop3A_70 : i32
      %parallel_loop3A_72 = arith.constant 2 : i32
      %parallel_loop3A_73 = arith.index_cast %parallel_loop3A_72 : i32 to index
      %parallel_loop3A_74 = arith.index_cast %parallel_loop3A_71 : i32 to index
      %parallel_loop3A_75 = tpu.vector_load %arg7[%parallel_loop3A_73, %parallel_loop3A_74] {strides = array<i32>} : memref<8x8192xf32, #tpu.memory_space<vmem>>, vector<16xf32>,
      tpu.vector_store %arg7[%parallel_loop3A_73, %parallel_loop3A_74], %parallel_loop3A_69 {strides = array<i32>} : memref<8x8192xf32, #tpu.memory_space<vmem>>, vector<16xf32>,
      %parallel_loop3A_76 = arith.constant 3072 : i32
      %parallel_loop3A_77 = vector.broadcast %parallel_loop3A_76 : i32 to vector<16xi32>
      %parallel_loop3A_78 = arith.addi %parallel_loop3A_45, %parallel_loop3A_77 : vector<16xi32>
      %parallel_loop3A_79 = tpu.vector_load_idx %arg5[%parallel_loop3A_78] : memref<8192xf32, #tpu.memory_space<vmem>>[vector<16xi32>], vector<16xf32>,
      %parallel_loop3A_80 = arith.constant 16 : i32
      %parallel_loop3A_81 = arith.muli %parallel_loop3A_41, %parallel_loop3A_80 : i32
      %parallel_loop3A_82 = arith.constant 3 : i32
      %parallel_loop3A_83 = arith.index_cast %parallel_loop3A_82 : i32 to index
      %parallel_loop3A_84 = arith.index_cast %parallel_loop3A_81 : i32 to index
      %parallel_loop3A_85 = tpu.vector_load %arg7[%parallel_loop3A_83, %parallel_loop3A_84] {strides = array<i32>} : memref<8x8192xf32, #tpu.memory_space<vmem>>, vector<16xf32>,
      tpu.vector_store %arg7[%parallel_loop3A_83, %parallel_loop3A_84], %parallel_loop3A_79 {strides = array<i32>} : memref<8x8192xf32, #tpu.memory_space<vmem>>, vector<16xf32>,
      %parallel_loop3A_86 = arith.constant 4096 : i32
      %parallel_loop3A_87 = vector.broadcast %parallel_loop3A_86 : i32 to vector<16xi32>
      %parallel_loop3A_88 = arith.addi %parallel_loop3A_45, %parallel_loop3A_87 : vector<16xi32>
      %parallel_loop3A_89 = tpu.vector_load_idx %arg5[%parallel_loop3A_88] : memref<8192xf32, #tpu.memory_space<vmem>>[vector<16xi32>], vector<16xf32>,
      %parallel_loop3A_90 = arith.constant 16 : i32
      %parallel_loop3A_91 = arith.muli %parallel_loop3A_41, %parallel_loop3A_90 : i32
      %parallel_loop3A_92 = arith.constant 4 : i32
      %parallel_loop3A_93 = arith.index_cast %parallel_loop3A_92 : i32 to index
      %parallel_loop3A_94 = arith.index_cast %parallel_loop3A_91 : i32 to index
      %parallel_loop3A_95 = tpu.vector_load %arg7[%parallel_loop3A_93, %parallel_loop3A_94] {strides = array<i32>} : memref<8x8192xf32, #tpu.memory_space<vmem>>, vector<16xf32>,
      tpu.vector_store %arg7[%parallel_loop3A_93, %parallel_loop3A_94], %parallel_loop3A_89 {strides = array<i32>} : memref<8x8192xf32, #tpu.memory_space<vmem>>, vector<16xf32>,
      %parallel_loop3A_96 = arith.constant 5120 : i32
      %parallel_loop3A_97 = vector.broadcast %parallel_loop3A_96 : i32 to vector<16xi32>
      %parallel_loop3A_98 = arith.addi %parallel_loop3A_45, %parallel_loop3A_97 : vector<16xi32>
      %parallel_loop3A_99 = tpu.vector_load_idx %arg5[%parallel_loop3A_98] : memref<8192xf32, #tpu.memory_space<vmem>>[vector<16xi32>], vector<16xf32>,
      %parallel_loop3A_100 = arith.constant 16 : i32
      %parallel_loop3A_101 = arith.muli %parallel_loop3A_41, %parallel_loop3A_100 : i32
      %parallel_loop3A_102 = arith.constant 5 : i32
      %parallel_loop3A_103 = arith.index_cast %parallel_loop3A_102 : i32 to index
      %parallel_loop3A_104 = arith.index_cast %parallel_loop3A_101 : i32 to index
      %parallel_loop3A_105 = tpu.vector_load %arg7[%parallel_loop3A_103, %parallel_loop3A_104] {strides = array<i32>} : memref<8x8192xf32, #tpu.memory_space<vmem>>, vector<16xf32>,
      tpu.vector_store %arg7[%parallel_loop3A_103, %parallel_loop3A_104], %parallel_loop3A_99 {strides = array<i32>} : memref<8x8192xf32, #tpu.memory_space<vmem>>, vector<16xf32>,
      %parallel_loop3A_106 = arith.constant 6144 : i32
      %parallel_loop3A_107 = vector.broadcast %parallel_loop3A_106 : i32 to vector<16xi32>
      %parallel_loop3A_108 = arith.addi %parallel_loop3A_45, %parallel_loop3A_107 : vector<16xi32>
      %parallel_loop3A_109 = tpu.vector_load_idx %arg5[%parallel_loop3A_108] : memref<8192xf32, #tpu.memory_space<vmem>>[vector<16xi32>], vector<16xf32>,
      %parallel_loop3A_110 = arith.constant 16 : i32
      %parallel_loop3A_111 = arith.muli %parallel_loop3A_41, %parallel_loop3A_110 : i32
      %parallel_loop3A_112 = arith.constant 6 : i32
      %parallel_loop3A_113 = arith.index_cast %parallel_loop3A_112 : i32 to index
      %parallel_loop3A_114 = arith.index_cast %parallel_loop3A_111 : i32 to index
      %parallel_loop3A_115 = tpu.vector_load %arg7[%parallel_loop3A_113, %parallel_loop3A_114] {strides = array<i32>} : memref<8x8192xf32, #tpu.memory_space<vmem>>, vector<16xf32>,
      tpu.vector_store %arg7[%parallel_loop3A_113, %parallel_loop3A_114], %parallel_loop3A_109 {strides = array<i32>} : memref<8x8192xf32, #tpu.memory_space<vmem>>, vector<16xf32>,
      %parallel_loop3A_116 = arith.constant 7168 : i32
      %parallel_loop3A_117 = vector.broadcast %parallel_loop3A_116 : i32 to vector<16xi32>
      %parallel_loop3A_118 = arith.addi %parallel_loop3A_45, %parallel_loop3A_117 : vector<16xi32>
      %parallel_loop3A_119 = tpu.vector_load_idx %arg5[%parallel_loop3A_118] : memref<8192xf32, #tpu.memory_space<vmem>>[vector<16xi32>], vector<16xf32>,
      %parallel_loop3A_120 = arith.constant 16 : i32
      %parallel_loop3A_121 = arith.muli %parallel_loop3A_41, %parallel_loop3A_120 : i32
      %parallel_loop3A_122 = arith.constant 7 : i32
      %parallel_loop3A_123 = arith.index_cast %parallel_loop3A_122 : i32 to index
      %parallel_loop3A_124 = arith.index_cast %parallel_loop3A_121 : i32 to index
      %parallel_loop3A_125 = tpu.vector_load %arg7[%parallel_loop3A_123, %parallel_loop3A_124] {strides = array<i32>} : memref<8x8192xf32, #tpu.memory_space<vmem>>, vector<16xf32>,
      tpu.vector_store %arg7[%parallel_loop3A_123, %parallel_loop3A_124], %parallel_loop3A_119 {strides = array<i32>} : memref<8x8192xf32, #tpu.memory_space<vmem>>, vector<16xf32>,
    } {sc.loop_unroll_factor = 8 : i64, sc.parallel_access}
    %mul3A_39 = arith.constant 8 : i32
    %mul3A_40 = arith.muli %select_n3A_9, %mul3A_39 : i32
    "tpu.region"() ({
      %run_scoped3A = tpu.sem_alloc : memref<!tpu.dma_semaphore, #tpu.memory_space<semaphore_mem>>
      %dma_start3A = arith.constant 0 : i32
      %dma_start3A_41 = tpu.memref_slice %arg4[%select_n3A_30, %mul3A_40, %dma_start3A] : memref<4x64x8192xf32, #tpu.memory_space<hbm>> -> memref<1x8x8192xf32, #tpu.memory_space<hbm>>
      %dma_start3A_42 = tpu.memref_squeeze %dma_start3A_41 : memref<1x8x8192xf32, #tpu.memory_space<hbm>> -> memref<8x8192xf32, #tpu.memory_space<hbm>>
      %dma_start3A_43 = arith.constant 0 : i32
      %dma_start3A_44 = tpu.memref_slice %arg4[%select_n3A_30, %mul3A_40, %dma_start3A_43] : memref<4x64x8192xf32, #tpu.memory_space<hbm>> -> memref<1x8x8192xf32, #tpu.memory_space<hbm>>
      %dma_start3A_45 = tpu.memref_squeeze %dma_start3A_44 : memref<1x8x8192xf32, #tpu.memory_space<hbm>> -> memref<8x8192xf32, #tpu.memory_space<hbm>>
      tpu.enqueue_dma source(%arg7 : memref<8x8192xf32, #tpu.memory_space<vmem>>) target(%dma_start3A_45 : memref<8x8192xf32, #tpu.memory_space<hbm>>) target_semaphore(%run_scoped3A : memref<!tpu.dma_semaphore, #tpu.memory_space<semaphore_mem>>)
      %dma_wait3A = arith.constant 0 : i32
      %dma_wait3A_46 = tpu.memref_slice %arg4[%select_n3A_30, %mul3A_40, %dma_wait3A] : memref<4x64x8192xf32, #tpu.memory_space<hbm>> -> memref<1x8x8192xf32, #tpu.memory_space<hbm>>
      %dma_wait3A_47 = tpu.memref_squeeze %dma_wait3A_46 : memref<1x8x8192xf32, #tpu.memory_space<hbm>> -> memref<8x8192xf32, #tpu.memory_space<hbm>>
      %dma_wait3A_48 = arith.constant 0 : i32
      %dma_wait3A_49 = tpu.memref_slice %arg4[%select_n3A_30, %mul3A_40, %dma_wait3A_48] : memref<4x64x8192xf32, #tpu.memory_space<hbm>> -> memref<1x8x8192xf32, #tpu.memory_space<hbm>>
      %dma_wait3A_50 = tpu.memref_squeeze %dma_wait3A_49 : memref<1x8x8192xf32, #tpu.memory_space<hbm>> -> memref<8x8192xf32, #tpu.memory_space<hbm>>
      tpu.wait_dma2 semaphore(%run_scoped3A : memref<!tpu.dma_semaphore, #tpu.memory_space<semaphore_mem>>) src(%arg7 : memref<8x8192xf32, #tpu.memory_space<vmem>>) dst(%dma_wait3A_50 : memref<8x8192xf32, #tpu.memory_space<hbm>>)
      tpu.yield
    }) : () -> ()
    return
  }
}

module attributes {stable_mosaic.version = 14 : i64} {
  func.func @_vq_body(%arg0: i32, %arg1: i32, %arg2: memref<1x64x4096xf32, #tpu.memory_space<vmem>>, %arg3: memref<1024x64xf32, #tpu.memory_space<vmem>>, %arg4: memref<1024x1xf32, #tpu.memory_space<vmem>>, %arg5: memref<1x1x4096xi32, #tpu.memory_space<vmem>>, %arg6: memref<1x1xf32, #tpu.memory_space<smem>>, %arg7: memref<1x1xf32, #tpu.memory_space<smem>>, %arg8: memref<1024x128xf32, #tpu.memory_space<vmem>>, %arg9: memref<64x128xf32, #tpu.memory_space<vmem>>, %arg10: memref<1x1xf32, #tpu.memory_space<smem>>) attributes {dimension_semantics = [#tpu.dimension_semantics<arbitrary>, #tpu.dimension_semantics<arbitrary>], iteration_bounds = array<i64: 4, 2>, scalar_prefetch = 0 : i64, scratch_operands = 3 : i64, tpu.core_type = #tpu.core_type<tc>, window_params = [{transform_indices = @transform_0, window_bounds = array<i64: 1, 64, 4096>}, {pipeline_mode = #tpu.pipeline_mode<synchronous>, transform_indices = @transform_1, window_bounds = array<i64: 1024, 64>}, {pipeline_mode = #tpu.pipeline_mode<synchronous>, transform_indices = @transform_2, window_bounds = array<i64: 1024, 1>}, {transform_indices = @transform_3, window_bounds = array<i64: 1, 1, 4096>}, {transform_indices = @transform_4, window_bounds = array<i64: 1, 1>}, {transform_indices = @transform_5, window_bounds = array<i64: 1, 1>}]} {
    %eq3A = arith.constant 0 : i32
    %eq3A_0 = arith.cmpi eq, %arg0, %eq3A : i32
    %eq3A_1 = arith.constant 0 : i32
    %eq3A_2 = arith.cmpi eq, %arg1, %eq3A_1 : i32
    %and3A = arith.andi %eq3A_0, %eq3A_2 : i1
    %convert_element_type3A = arith.extui %and3A : i1 to i32
    %cond3A = arith.constant 0 : i32
    %cond3A_3 = arith.cmpi ne, %convert_element_type3A, %cond3A : i32
    scf.if %cond3A_3 {
      %broadcast_in_dim3A_1494 = arith.constant 0.000000e+00 : f32
      %broadcast_in_dim3A_1495 = vector.broadcast %broadcast_in_dim3A_1494 : f32 to vector<1024x128xf32>
      %swap3A_1496 = arith.constant 0 : index
      %swap3A_1497 = arith.constant 0 : index
      %swap3A_1498 = vector.load %arg8[%swap3A_1496, %swap3A_1497] : memref<1024x128xf32, #tpu.memory_space<vmem>>, vector<1024x128xf32>
      tpu.vector_store %arg8[%swap3A_1496, %swap3A_1497], %broadcast_in_dim3A_1495 {strides = array<i32>} : memref<1024x128xf32, #tpu.memory_space<vmem>>, vector<1024x128xf32>,
      %broadcast_in_dim3A_1499 = arith.constant 0.000000e+00 : f32
      %broadcast_in_dim3A_1500 = vector.broadcast %broadcast_in_dim3A_1499 : f32 to vector<64x128xf32>
      %swap3A_1501 = arith.constant 0 : index
      %swap3A_1502 = arith.constant 0 : index
      %swap3A_1503 = vector.load %arg9[%swap3A_1501, %swap3A_1502] : memref<64x128xf32, #tpu.memory_space<vmem>>, vector<64x128xf32>
      tpu.vector_store %arg9[%swap3A_1501, %swap3A_1502], %broadcast_in_dim3A_1500 {strides = array<i32>} : memref<64x128xf32, #tpu.memory_space<vmem>>, vector<64x128xf32>,
      %swap3A_1504 = arith.constant 0.000000e+00 : f32
      %swap3A_1505 = arith.constant 0 : index
      %swap3A_1506 = arith.constant 0 : index
      %swap3A_1507 = memref.load %arg10[%swap3A_1505, %swap3A_1506] : memref<1x1xf32, #tpu.memory_space<smem>>
      memref.store %swap3A_1504, %arg10[%swap3A_1505, %swap3A_1506] : memref<1x1xf32, #tpu.memory_space<smem>>
    } else {
    }
    %get3A = arith.constant 0 : index
    %get3A_4 = arith.constant 0 : index
    %get3A_5 = arith.constant 0 : index
    %get3A_6 = vector.load %arg2[%get3A, %get3A_4, %get3A_5] : memref<1x64x4096xf32, #tpu.memory_space<vmem>>, vector<1x64x4096xf32>
    %get3A_7 = vector.shape_cast %get3A_6 : vector<1x64x4096xf32> to vector<64x4096xf32>
    %get3A_8 = arith.constant 0 : index
    %get3A_9 = arith.constant 0 : index
    %get3A_10 = vector.load %arg3[%get3A_8, %get3A_9] : memref<1024x64xf32, #tpu.memory_space<vmem>>, vector<1024x64xf32>
    %dot_general3A = arith.constant dense<0.000000e+00> : vector<1024x4096xf32>
    %dot_general3A_11 = tpu.matmul %get3A_10, %get3A_7, %dot_general3A {dimension_numbers = #tpu.dot_dimension_numbers<[1], [0], [0], [1], [0, 0, 1, 1], [], []>, transpose_lhs_hint = false} : vector<1024x64xf32>, vector<64x4096xf32>, vector<1024x4096xf32> -> vector<1024x4096xf32>
    %mul3A = arith.mulf %get3A_7, %get3A_7 : vector<64x4096xf32>
    %reduce_sum3A = arith.constant dense<0.000000e+00> : vector<4096xf32>
    %reduce_sum3A_12 = vector.multi_reduction <add>, %mul3A, %reduce_sum3A [0] : vector<64x4096xf32> to vector<4096xf32>
    %broadcast_in_dim3A = vector.shape_cast %reduce_sum3A_12 : vector<4096xf32> to vector<1x4096xf32>
    %mul3A_13 = arith.constant 2.000000e+00 : f32
    %mul3A_14 = vector.broadcast %mul3A_13 : f32 to vector<1024x4096xf32>
    %mul3A_15 = arith.mulf %mul3A_14, %dot_general3A_11 : vector<1024x4096xf32>
    %sub3A = vector.broadcast %broadcast_in_dim3A : vector<1x4096xf32> to vector<1024x4096xf32>
    %sub3A_16 = arith.subf %sub3A, %mul3A_15 : vector<1024x4096xf32>
    %get3A_17 = arith.constant 0 : index
    %get3A_18 = arith.constant 0 : index
    %get3A_19 = vector.load %arg4[%get3A_17, %get3A_18] : memref<1024x1xf32, #tpu.memory_space<vmem>>, vector<1024x1xf32>
    %add3A = vector.broadcast %get3A_19 : vector<1024x1xf32> to vector<1024x4096xf32>
    %add3A_20 = arith.addf %sub3A_16, %add3A : vector<1024x4096xf32>
    %slice3A = vector.extract_strided_slice %add3A_20 {offsets = [0, 0], sizes = [8, 4096], strides = [1, 1]} : vector<1024x4096xf32> to vector<8x4096xf32>
    %broadcast_in_dim3A_21 = arith.constant 0 : i32
    %broadcast_in_dim3A_22 = vector.broadcast %broadcast_in_dim3A_21 : i32 to vector<8x4096xi32>
    %slice3A_23 = vector.extract_strided_slice %add3A_20 {offsets = [8, 0], sizes = [8, 4096], strides = [1, 1]} : vector<1024x4096xf32> to vector<8x4096xf32>
    %lt3A = arith.cmpf olt, %slice3A_23, %slice3A : vector<8x4096xf32>
    %select_n3A = arith.select %lt3A, %slice3A_23, %slice3A : vector<8x4096xi1>, vector<8x4096xf32>
    %jit3A = arith.constant 1 : i32
    %broadcast_in_dim3A_24 = vector.broadcast %jit3A : i32 to vector<8x4096xi32>
    %select_n3A_25 = arith.select %lt3A, %broadcast_in_dim3A_24, %broadcast_in_dim3A_22 : vector<8x4096xi1>, vector<8x4096xi32>
    %slice3A_26 = vector.extract_strided_slice %add3A_20 {offsets = [16, 0], sizes = [8, 4096], strides = [1, 1]} : vector<1024x4096xf32> to vector<8x4096xf32>
    %lt3A_27 = arith.cmpf olt, %slice3A_26, %select_n3A : vector<8x4096xf32>
    %select_n3A_28 = arith.select %lt3A_27, %slice3A_26, %select_n3A : vector<8x4096xi1>, vector<8x4096xf32>
    %jit3A_29 = arith.constant 2 : i32
    %broadcast_in_dim3A_30 = vector.broadcast %jit3A_29 : i32 to vector<8x4096xi32>
    %select_n3A_31 = arith.select %lt3A_27, %broadcast_in_dim3A_30, %select_n3A_25 : vector<8x4096xi1>, vector<8x4096xi32>
    %slice3A_32 = vector.extract_strided_slice %add3A_20 {offsets = [24, 0], sizes = [8, 4096], strides = [1, 1]} : vector<1024x4096xf32> to vector<8x4096xf32>
    %lt3A_33 = arith.cmpf olt, %slice3A_32, %select_n3A_28 : vector<8x4096xf32>
    %select_n3A_34 = arith.select %lt3A_33, %slice3A_32, %select_n3A_28 : vector<8x4096xi1>, vector<8x4096xf32>
    %jit3A_35 = arith.constant 3 : i32
    %broadcast_in_dim3A_36 = vector.broadcast %jit3A_35 : i32 to vector<8x4096xi32>
    %select_n3A_37 = arith.select %lt3A_33, %broadcast_in_dim3A_36, %select_n3A_31 : vector<8x4096xi1>, vector<8x4096xi32>
    %slice3A_38 = vector.extract_strided_slice %add3A_20 {offsets = [32, 0], sizes = [8, 4096], strides = [1, 1]} : vector<1024x4096xf32> to vector<8x4096xf32>
    %lt3A_39 = arith.cmpf olt, %slice3A_38, %select_n3A_34 : vector<8x4096xf32>
    %select_n3A_40 = arith.select %lt3A_39, %slice3A_38, %select_n3A_34 : vector<8x4096xi1>, vector<8x4096xf32>
    %jit3A_41 = arith.constant 4 : i32
    %broadcast_in_dim3A_42 = vector.broadcast %jit3A_41 : i32 to vector<8x4096xi32>
    %select_n3A_43 = arith.select %lt3A_39, %broadcast_in_dim3A_42, %select_n3A_37 : vector<8x4096xi1>, vector<8x4096xi32>
    %slice3A_44 = vector.extract_strided_slice %add3A_20 {offsets = [40, 0], sizes = [8, 4096], strides = [1, 1]} : vector<1024x4096xf32> to vector<8x4096xf32>
    %lt3A_45 = arith.cmpf olt, %slice3A_44, %select_n3A_40 : vector<8x4096xf32>
    %select_n3A_46 = arith.select %lt3A_45, %slice3A_44, %select_n3A_40 : vector<8x4096xi1>, vector<8x4096xf32>
    %jit3A_47 = arith.constant 5 : i32
    %broadcast_in_dim3A_48 = vector.broadcast %jit3A_47 : i32 to vector<8x4096xi32>
    %select_n3A_49 = arith.select %lt3A_45, %broadcast_in_dim3A_48, %select_n3A_43 : vector<8x4096xi1>, vector<8x4096xi32>
    %slice3A_50 = vector.extract_strided_slice %add3A_20 {offsets = [48, 0], sizes = [8, 4096], strides = [1, 1]} : vector<1024x4096xf32> to vector<8x4096xf32>
    %lt3A_51 = arith.cmpf olt, %slice3A_50, %select_n3A_46 : vector<8x4096xf32>
    %select_n3A_52 = arith.select %lt3A_51, %slice3A_50, %select_n3A_46 : vector<8x4096xi1>, vector<8x4096xf32>
    %jit3A_53 = arith.constant 6 : i32
    %broadcast_in_dim3A_54 = vector.broadcast %jit3A_53 : i32 to vector<8x4096xi32>
    %select_n3A_55 = arith.select %lt3A_51, %broadcast_in_dim3A_54, %select_n3A_49 : vector<8x4096xi1>, vector<8x4096xi32>
    %slice3A_56 = vector.extract_strided_slice %add3A_20 {offsets = [56, 0], sizes = [8, 4096], strides = [1, 1]} : vector<1024x4096xf32> to vector<8x4096xf32>
    %lt3A_57 = arith.cmpf olt, %slice3A_56, %select_n3A_52 : vector<8x4096xf32>
    %select_n3A_58 = arith.select %lt3A_57, %slice3A_56, %select_n3A_52 : vector<8x4096xi1>, vector<8x4096xf32>
    %jit3A_59 = arith.constant 7 : i32
    %broadcast_in_dim3A_60 = vector.broadcast %jit3A_59 : i32 to vector<8x4096xi32>
    %select_n3A_61 = arith.select %lt3A_57, %broadcast_in_dim3A_60, %select_n3A_55 : vector<8x4096xi1>, vector<8x4096xi32>
    %slice3A_62 = vector.extract_strided_slice %add3A_20 {offsets = [64, 0], sizes = [8, 4096], strides = [1, 1]} : vector<1024x4096xf32> to vector<8x4096xf32>
    %lt3A_63 = arith.cmpf olt, %slice3A_62, %select_n3A_58 : vector<8x4096xf32>
    %select_n3A_64 = arith.select %lt3A_63, %slice3A_62, %select_n3A_58 : vector<8x4096xi1>, vector<8x4096xf32>
    %jit3A_65 = arith.constant 8 : i32
    %broadcast_in_dim3A_66 = vector.broadcast %jit3A_65 : i32 to vector<8x4096xi32>
    %select_n3A_67 = arith.select %lt3A_63, %broadcast_in_dim3A_66, %select_n3A_61 : vector<8x4096xi1>, vector<8x4096xi32>
    %slice3A_68 = vector.extract_strided_slice %add3A_20 {offsets = [72, 0], sizes = [8, 4096], strides = [1, 1]} : vector<1024x4096xf32> to vector<8x4096xf32>
    %lt3A_69 = arith.cmpf olt, %slice3A_68, %select_n3A_64 : vector<8x4096xf32>
    %select_n3A_70 = arith.select %lt3A_69, %slice3A_68, %select_n3A_64 : vector<8x4096xi1>, vector<8x4096xf32>
    %jit3A_71 = arith.constant 9 : i32
    %broadcast_in_dim3A_72 = vector.broadcast %jit3A_71 : i32 to vector<8x4096xi32>
    %select_n3A_73 = arith.select %lt3A_69, %broadcast_in_dim3A_72, %select_n3A_67 : vector<8x4096xi1>, vector<8x4096xi32>
    %slice3A_74 = vector.extract_strided_slice %add3A_20 {offsets = [80, 0], sizes = [8, 4096], strides = [1, 1]} : vector<1024x4096xf32> to vector<8x4096xf32>
    %lt3A_75 = arith.cmpf olt, %slice3A_74, %select_n3A_70 : vector<8x4096xf32>
    %select_n3A_76 = arith.select %lt3A_75, %slice3A_74, %select_n3A_70 : vector<8x4096xi1>, vector<8x4096xf32>
    %jit3A_77 = arith.constant 10 : i32
    %broadcast_in_dim3A_78 = vector.broadcast %jit3A_77 : i32 to vector<8x4096xi32>
    %select_n3A_79 = arith.select %lt3A_75, %broadcast_in_dim3A_78, %select_n3A_73 : vector<8x4096xi1>, vector<8x4096xi32>
    %slice3A_80 = vector.extract_strided_slice %add3A_20 {offsets = [88, 0], sizes = [8, 4096], strides = [1, 1]} : vector<1024x4096xf32> to vector<8x4096xf32>
    %lt3A_81 = arith.cmpf olt, %slice3A_80, %select_n3A_76 : vector<8x4096xf32>
    %select_n3A_82 = arith.select %lt3A_81, %slice3A_80, %select_n3A_76 : vector<8x4096xi1>, vector<8x4096xf32>
    %jit3A_83 = arith.constant 11 : i32
    %broadcast_in_dim3A_84 = vector.broadcast %jit3A_83 : i32 to vector<8x4096xi32>
    %select_n3A_85 = arith.select %lt3A_81, %broadcast_in_dim3A_84, %select_n3A_79 : vector<8x4096xi1>, vector<8x4096xi32>
    %slice3A_86 = vector.extract_strided_slice %add3A_20 {offsets = [96, 0], sizes = [8, 4096], strides = [1, 1]} : vector<1024x4096xf32> to vector<8x4096xf32>
    %lt3A_87 = arith.cmpf olt, %slice3A_86, %select_n3A_82 : vector<8x4096xf32>
    %select_n3A_88 = arith.select %lt3A_87, %slice3A_86, %select_n3A_82 : vector<8x4096xi1>, vector<8x4096xf32>
    %jit3A_89 = arith.constant 12 : i32
    %broadcast_in_dim3A_90 = vector.broadcast %jit3A_89 : i32 to vector<8x4096xi32>
    %select_n3A_91 = arith.select %lt3A_87, %broadcast_in_dim3A_90, %select_n3A_85 : vector<8x4096xi1>, vector<8x4096xi32>
    %slice3A_92 = vector.extract_strided_slice %add3A_20 {offsets = [104, 0], sizes = [8, 4096], strides = [1, 1]} : vector<1024x4096xf32> to vector<8x4096xf32>
    %lt3A_93 = arith.cmpf olt, %slice3A_92, %select_n3A_88 : vector<8x4096xf32>
    %select_n3A_94 = arith.select %lt3A_93, %slice3A_92, %select_n3A_88 : vector<8x4096xi1>, vector<8x4096xf32>
    %jit3A_95 = arith.constant 13 : i32
    %broadcast_in_dim3A_96 = vector.broadcast %jit3A_95 : i32 to vector<8x4096xi32>
    %select_n3A_97 = arith.select %lt3A_93, %broadcast_in_dim3A_96, %select_n3A_91 : vector<8x4096xi1>, vector<8x4096xi32>
    %slice3A_98 = vector.extract_strided_slice %add3A_20 {offsets = [112, 0], sizes = [8, 4096], strides = [1, 1]} : vector<1024x4096xf32> to vector<8x4096xf32>
    %lt3A_99 = arith.cmpf olt, %slice3A_98, %select_n3A_94 : vector<8x4096xf32>
    %select_n3A_100 = arith.select %lt3A_99, %slice3A_98, %select_n3A_94 : vector<8x4096xi1>, vector<8x4096xf32>
    %jit3A_101 = arith.constant 14 : i32
    %broadcast_in_dim3A_102 = vector.broadcast %jit3A_101 : i32 to vector<8x4096xi32>
    %select_n3A_103 = arith.select %lt3A_99, %broadcast_in_dim3A_102, %select_n3A_97 : vector<8x4096xi1>, vector<8x4096xi32>
    %slice3A_104 = vector.extract_strided_slice %add3A_20 {offsets = [120, 0], sizes = [8, 4096], strides = [1, 1]} : vector<1024x4096xf32> to vector<8x4096xf32>
    %lt3A_105 = arith.cmpf olt, %slice3A_104, %select_n3A_100 : vector<8x4096xf32>
    %select_n3A_106 = arith.select %lt3A_105, %slice3A_104, %select_n3A_100 : vector<8x4096xi1>, vector<8x4096xf32>
    %jit3A_107 = arith.constant 15 : i32
    %broadcast_in_dim3A_108 = vector.broadcast %jit3A_107 : i32 to vector<8x4096xi32>
    %select_n3A_109 = arith.select %lt3A_105, %broadcast_in_dim3A_108, %select_n3A_103 : vector<8x4096xi1>, vector<8x4096xi32>
    %slice3A_110 = vector.extract_strided_slice %add3A_20 {offsets = [128, 0], sizes = [8, 4096], strides = [1, 1]} : vector<1024x4096xf32> to vector<8x4096xf32>
    %lt3A_111 = arith.cmpf olt, %slice3A_110, %select_n3A_106 : vector<8x4096xf32>
    %select_n3A_112 = arith.select %lt3A_111, %slice3A_110, %select_n3A_106 : vector<8x4096xi1>, vector<8x4096xf32>
    %jit3A_113 = arith.constant 16 : i32
    %broadcast_in_dim3A_114 = vector.broadcast %jit3A_113 : i32 to vector<8x4096xi32>
    %select_n3A_115 = arith.select %lt3A_111, %broadcast_in_dim3A_114, %select_n3A_109 : vector<8x4096xi1>, vector<8x4096xi32>
    %slice3A_116 = vector.extract_strided_slice %add3A_20 {offsets = [136, 0], sizes = [8, 4096], strides = [1, 1]} : vector<1024x4096xf32> to vector<8x4096xf32>
    %lt3A_117 = arith.cmpf olt, %slice3A_116, %select_n3A_112 : vector<8x4096xf32>
    %select_n3A_118 = arith.select %lt3A_117, %slice3A_116, %select_n3A_112 : vector<8x4096xi1>, vector<8x4096xf32>
    %jit3A_119 = arith.constant 17 : i32
    %broadcast_in_dim3A_120 = vector.broadcast %jit3A_119 : i32 to vector<8x4096xi32>
    %select_n3A_121 = arith.select %lt3A_117, %broadcast_in_dim3A_120, %select_n3A_115 : vector<8x4096xi1>, vector<8x4096xi32>
    %slice3A_122 = vector.extract_strided_slice %add3A_20 {offsets = [144, 0], sizes = [8, 4096], strides = [1, 1]} : vector<1024x4096xf32> to vector<8x4096xf32>
    %lt3A_123 = arith.cmpf olt, %slice3A_122, %select_n3A_118 : vector<8x4096xf32>
    %select_n3A_124 = arith.select %lt3A_123, %slice3A_122, %select_n3A_118 : vector<8x4096xi1>, vector<8x4096xf32>
    %jit3A_125 = arith.constant 18 : i32
    %broadcast_in_dim3A_126 = vector.broadcast %jit3A_125 : i32 to vector<8x4096xi32>
    %select_n3A_127 = arith.select %lt3A_123, %broadcast_in_dim3A_126, %select_n3A_121 : vector<8x4096xi1>, vector<8x4096xi32>
    %slice3A_128 = vector.extract_strided_slice %add3A_20 {offsets = [152, 0], sizes = [8, 4096], strides = [1, 1]} : vector<1024x4096xf32> to vector<8x4096xf32>
    %lt3A_129 = arith.cmpf olt, %slice3A_128, %select_n3A_124 : vector<8x4096xf32>
    %select_n3A_130 = arith.select %lt3A_129, %slice3A_128, %select_n3A_124 : vector<8x4096xi1>, vector<8x4096xf32>
    %jit3A_131 = arith.constant 19 : i32
    %broadcast_in_dim3A_132 = vector.broadcast %jit3A_131 : i32 to vector<8x4096xi32>
    %select_n3A_133 = arith.select %lt3A_129, %broadcast_in_dim3A_132, %select_n3A_127 : vector<8x4096xi1>, vector<8x4096xi32>
    %slice3A_134 = vector.extract_strided_slice %add3A_20 {offsets = [160, 0], sizes = [8, 4096], strides = [1, 1]} : vector<1024x4096xf32> to vector<8x4096xf32>
    %lt3A_135 = arith.cmpf olt, %slice3A_134, %select_n3A_130 : vector<8x4096xf32>
    %select_n3A_136 = arith.select %lt3A_135, %slice3A_134, %select_n3A_130 : vector<8x4096xi1>, vector<8x4096xf32>
    %jit3A_137 = arith.constant 20 : i32
    %broadcast_in_dim3A_138 = vector.broadcast %jit3A_137 : i32 to vector<8x4096xi32>
    %select_n3A_139 = arith.select %lt3A_135, %broadcast_in_dim3A_138, %select_n3A_133 : vector<8x4096xi1>, vector<8x4096xi32>
    %slice3A_140 = vector.extract_strided_slice %add3A_20 {offsets = [168, 0], sizes = [8, 4096], strides = [1, 1]} : vector<1024x4096xf32> to vector<8x4096xf32>
    %lt3A_141 = arith.cmpf olt, %slice3A_140, %select_n3A_136 : vector<8x4096xf32>
    %select_n3A_142 = arith.select %lt3A_141, %slice3A_140, %select_n3A_136 : vector<8x4096xi1>, vector<8x4096xf32>
    %jit3A_143 = arith.constant 21 : i32
    %broadcast_in_dim3A_144 = vector.broadcast %jit3A_143 : i32 to vector<8x4096xi32>
    %select_n3A_145 = arith.select %lt3A_141, %broadcast_in_dim3A_144, %select_n3A_139 : vector<8x4096xi1>, vector<8x4096xi32>
    %slice3A_146 = vector.extract_strided_slice %add3A_20 {offsets = [176, 0], sizes = [8, 4096], strides = [1, 1]} : vector<1024x4096xf32> to vector<8x4096xf32>
    %lt3A_147 = arith.cmpf olt, %slice3A_146, %select_n3A_142 : vector<8x4096xf32>
    %select_n3A_148 = arith.select %lt3A_147, %slice3A_146, %select_n3A_142 : vector<8x4096xi1>, vector<8x4096xf32>
    %jit3A_149 = arith.constant 22 : i32
    %broadcast_in_dim3A_150 = vector.broadcast %jit3A_149 : i32 to vector<8x4096xi32>
    %select_n3A_151 = arith.select %lt3A_147, %broadcast_in_dim3A_150, %select_n3A_145 : vector<8x4096xi1>, vector<8x4096xi32>
    %slice3A_152 = vector.extract_strided_slice %add3A_20 {offsets = [184, 0], sizes = [8, 4096], strides = [1, 1]} : vector<1024x4096xf32> to vector<8x4096xf32>
    %lt3A_153 = arith.cmpf olt, %slice3A_152, %select_n3A_148 : vector<8x4096xf32>
    %select_n3A_154 = arith.select %lt3A_153, %slice3A_152, %select_n3A_148 : vector<8x4096xi1>, vector<8x4096xf32>
    %jit3A_155 = arith.constant 23 : i32
    %broadcast_in_dim3A_156 = vector.broadcast %jit3A_155 : i32 to vector<8x4096xi32>
    %select_n3A_157 = arith.select %lt3A_153, %broadcast_in_dim3A_156, %select_n3A_151 : vector<8x4096xi1>, vector<8x4096xi32>
    %slice3A_158 = vector.extract_strided_slice %add3A_20 {offsets = [192, 0], sizes = [8, 4096], strides = [1, 1]} : vector<1024x4096xf32> to vector<8x4096xf32>
    %lt3A_159 = arith.cmpf olt, %slice3A_158, %select_n3A_154 : vector<8x4096xf32>
    %select_n3A_160 = arith.select %lt3A_159, %slice3A_158, %select_n3A_154 : vector<8x4096xi1>, vector<8x4096xf32>
    %jit3A_161 = arith.constant 24 : i32
    %broadcast_in_dim3A_162 = vector.broadcast %jit3A_161 : i32 to vector<8x4096xi32>
    %select_n3A_163 = arith.select %lt3A_159, %broadcast_in_dim3A_162, %select_n3A_157 : vector<8x4096xi1>, vector<8x4096xi32>
    %slice3A_164 = vector.extract_strided_slice %add3A_20 {offsets = [200, 0], sizes = [8, 4096], strides = [1, 1]} : vector<1024x4096xf32> to vector<8x4096xf32>
    %lt3A_165 = arith.cmpf olt, %slice3A_164, %select_n3A_160 : vector<8x4096xf32>
    %select_n3A_166 = arith.select %lt3A_165, %slice3A_164, %select_n3A_160 : vector<8x4096xi1>, vector<8x4096xf32>
    %jit3A_167 = arith.constant 25 : i32
    %broadcast_in_dim3A_168 = vector.broadcast %jit3A_167 : i32 to vector<8x4096xi32>
    %select_n3A_169 = arith.select %lt3A_165, %broadcast_in_dim3A_168, %select_n3A_163 : vector<8x4096xi1>, vector<8x4096xi32>
    %slice3A_170 = vector.extract_strided_slice %add3A_20 {offsets = [208, 0], sizes = [8, 4096], strides = [1, 1]} : vector<1024x4096xf32> to vector<8x4096xf32>
    %lt3A_171 = arith.cmpf olt, %slice3A_170, %select_n3A_166 : vector<8x4096xf32>
    %select_n3A_172 = arith.select %lt3A_171, %slice3A_170, %select_n3A_166 : vector<8x4096xi1>, vector<8x4096xf32>
    %jit3A_173 = arith.constant 26 : i32
    %broadcast_in_dim3A_174 = vector.broadcast %jit3A_173 : i32 to vector<8x4096xi32>
    %select_n3A_175 = arith.select %lt3A_171, %broadcast_in_dim3A_174, %select_n3A_169 : vector<8x4096xi1>, vector<8x4096xi32>
    %slice3A_176 = vector.extract_strided_slice %add3A_20 {offsets = [216, 0], sizes = [8, 4096], strides = [1, 1]} : vector<1024x4096xf32> to vector<8x4096xf32>
    %lt3A_177 = arith.cmpf olt, %slice3A_176, %select_n3A_172 : vector<8x4096xf32>
    %select_n3A_178 = arith.select %lt3A_177, %slice3A_176, %select_n3A_172 : vector<8x4096xi1>, vector<8x4096xf32>
    %jit3A_179 = arith.constant 27 : i32
    %broadcast_in_dim3A_180 = vector.broadcast %jit3A_179 : i32 to vector<8x4096xi32>
    %select_n3A_181 = arith.select %lt3A_177, %broadcast_in_dim3A_180, %select_n3A_175 : vector<8x4096xi1>, vector<8x4096xi32>
    %slice3A_182 = vector.extract_strided_slice %add3A_20 {offsets = [224, 0], sizes = [8, 4096], strides = [1, 1]} : vector<1024x4096xf32> to vector<8x4096xf32>
    %lt3A_183 = arith.cmpf olt, %slice3A_182, %select_n3A_178 : vector<8x4096xf32>
    %select_n3A_184 = arith.select %lt3A_183, %slice3A_182, %select_n3A_178 : vector<8x4096xi1>, vector<8x4096xf32>
    %jit3A_185 = arith.constant 28 : i32
    %broadcast_in_dim3A_186 = vector.broadcast %jit3A_185 : i32 to vector<8x4096xi32>
    %select_n3A_187 = arith.select %lt3A_183, %broadcast_in_dim3A_186, %select_n3A_181 : vector<8x4096xi1>, vector<8x4096xi32>
    %slice3A_188 = vector.extract_strided_slice %add3A_20 {offsets = [232, 0], sizes = [8, 4096], strides = [1, 1]} : vector<1024x4096xf32> to vector<8x4096xf32>
    %lt3A_189 = arith.cmpf olt, %slice3A_188, %select_n3A_184 : vector<8x4096xf32>
    %select_n3A_190 = arith.select %lt3A_189, %slice3A_188, %select_n3A_184 : vector<8x4096xi1>, vector<8x4096xf32>
    %jit3A_191 = arith.constant 29 : i32
    %broadcast_in_dim3A_192 = vector.broadcast %jit3A_191 : i32 to vector<8x4096xi32>
    %select_n3A_193 = arith.select %lt3A_189, %broadcast_in_dim3A_192, %select_n3A_187 : vector<8x4096xi1>, vector<8x4096xi32>
    %slice3A_194 = vector.extract_strided_slice %add3A_20 {offsets = [240, 0], sizes = [8, 4096], strides = [1, 1]} : vector<1024x4096xf32> to vector<8x4096xf32>
    %lt3A_195 = arith.cmpf olt, %slice3A_194, %select_n3A_190 : vector<8x4096xf32>
    %select_n3A_196 = arith.select %lt3A_195, %slice3A_194, %select_n3A_190 : vector<8x4096xi1>, vector<8x4096xf32>
    %jit3A_197 = arith.constant 30 : i32
    %broadcast_in_dim3A_198 = vector.broadcast %jit3A_197 : i32 to vector<8x4096xi32>
    %select_n3A_199 = arith.select %lt3A_195, %broadcast_in_dim3A_198, %select_n3A_193 : vector<8x4096xi1>, vector<8x4096xi32>
    %slice3A_200 = vector.extract_strided_slice %add3A_20 {offsets = [248, 0], sizes = [8, 4096], strides = [1, 1]} : vector<1024x4096xf32> to vector<8x4096xf32>
    %lt3A_201 = arith.cmpf olt, %slice3A_200, %select_n3A_196 : vector<8x4096xf32>
    %select_n3A_202 = arith.select %lt3A_201, %slice3A_200, %select_n3A_196 : vector<8x4096xi1>, vector<8x4096xf32>
    %jit3A_203 = arith.constant 31 : i32
    %broadcast_in_dim3A_204 = vector.broadcast %jit3A_203 : i32 to vector<8x4096xi32>
    %select_n3A_205 = arith.select %lt3A_201, %broadcast_in_dim3A_204, %select_n3A_199 : vector<8x4096xi1>, vector<8x4096xi32>
    %slice3A_206 = vector.extract_strided_slice %add3A_20 {offsets = [256, 0], sizes = [8, 4096], strides = [1, 1]} : vector<1024x4096xf32> to vector<8x4096xf32>
    %lt3A_207 = arith.cmpf olt, %slice3A_206, %select_n3A_202 : vector<8x4096xf32>
    %select_n3A_208 = arith.select %lt3A_207, %slice3A_206, %select_n3A_202 : vector<8x4096xi1>, vector<8x4096xf32>
    %jit3A_209 = arith.constant 32 : i32
    %broadcast_in_dim3A_210 = vector.broadcast %jit3A_209 : i32 to vector<8x4096xi32>
    %select_n3A_211 = arith.select %lt3A_207, %broadcast_in_dim3A_210, %select_n3A_205 : vector<8x4096xi1>, vector<8x4096xi32>
    %slice3A_212 = vector.extract_strided_slice %add3A_20 {offsets = [264, 0], sizes = [8, 4096], strides = [1, 1]} : vector<1024x4096xf32> to vector<8x4096xf32>
    %lt3A_213 = arith.cmpf olt, %slice3A_212, %select_n3A_208 : vector<8x4096xf32>
    %select_n3A_214 = arith.select %lt3A_213, %slice3A_212, %select_n3A_208 : vector<8x4096xi1>, vector<8x4096xf32>
    %jit3A_215 = arith.constant 33 : i32
    %broadcast_in_dim3A_216 = vector.broadcast %jit3A_215 : i32 to vector<8x4096xi32>
    %select_n3A_217 = arith.select %lt3A_213, %broadcast_in_dim3A_216, %select_n3A_211 : vector<8x4096xi1>, vector<8x4096xi32>
    %slice3A_218 = vector.extract_strided_slice %add3A_20 {offsets = [272, 0], sizes = [8, 4096], strides = [1, 1]} : vector<1024x4096xf32> to vector<8x4096xf32>
    %lt3A_219 = arith.cmpf olt, %slice3A_218, %select_n3A_214 : vector<8x4096xf32>
    %select_n3A_220 = arith.select %lt3A_219, %slice3A_218, %select_n3A_214 : vector<8x4096xi1>, vector<8x4096xf32>
    %jit3A_221 = arith.constant 34 : i32
    %broadcast_in_dim3A_222 = vector.broadcast %jit3A_221 : i32 to vector<8x4096xi32>
    %select_n3A_223 = arith.select %lt3A_219, %broadcast_in_dim3A_222, %select_n3A_217 : vector<8x4096xi1>, vector<8x4096xi32>
    %slice3A_224 = vector.extract_strided_slice %add3A_20 {offsets = [280, 0], sizes = [8, 4096], strides = [1, 1]} : vector<1024x4096xf32> to vector<8x4096xf32>
    %lt3A_225 = arith.cmpf olt, %slice3A_224, %select_n3A_220 : vector<8x4096xf32>
    %select_n3A_226 = arith.select %lt3A_225, %slice3A_224, %select_n3A_220 : vector<8x4096xi1>, vector<8x4096xf32>
    %jit3A_227 = arith.constant 35 : i32
    %broadcast_in_dim3A_228 = vector.broadcast %jit3A_227 : i32 to vector<8x4096xi32>
    %select_n3A_229 = arith.select %lt3A_225, %broadcast_in_dim3A_228, %select_n3A_223 : vector<8x4096xi1>, vector<8x4096xi32>
    %slice3A_230 = vector.extract_strided_slice %add3A_20 {offsets = [288, 0], sizes = [8, 4096], strides = [1, 1]} : vector<1024x4096xf32> to vector<8x4096xf32>
    %lt3A_231 = arith.cmpf olt, %slice3A_230, %select_n3A_226 : vector<8x4096xf32>
    %select_n3A_232 = arith.select %lt3A_231, %slice3A_230, %select_n3A_226 : vector<8x4096xi1>, vector<8x4096xf32>
    %jit3A_233 = arith.constant 36 : i32
    %broadcast_in_dim3A_234 = vector.broadcast %jit3A_233 : i32 to vector<8x4096xi32>
    %select_n3A_235 = arith.select %lt3A_231, %broadcast_in_dim3A_234, %select_n3A_229 : vector<8x4096xi1>, vector<8x4096xi32>
    %slice3A_236 = vector.extract_strided_slice %add3A_20 {offsets = [296, 0], sizes = [8, 4096], strides = [1, 1]} : vector<1024x4096xf32> to vector<8x4096xf32>
    %lt3A_237 = arith.cmpf olt, %slice3A_236, %select_n3A_232 : vector<8x4096xf32>
    %select_n3A_238 = arith.select %lt3A_237, %slice3A_236, %select_n3A_232 : vector<8x4096xi1>, vector<8x4096xf32>
    %jit3A_239 = arith.constant 37 : i32
    %broadcast_in_dim3A_240 = vector.broadcast %jit3A_239 : i32 to vector<8x4096xi32>
    %select_n3A_241 = arith.select %lt3A_237, %broadcast_in_dim3A_240, %select_n3A_235 : vector<8x4096xi1>, vector<8x4096xi32>
    %slice3A_242 = vector.extract_strided_slice %add3A_20 {offsets = [304, 0], sizes = [8, 4096], strides = [1, 1]} : vector<1024x4096xf32> to vector<8x4096xf32>
    %lt3A_243 = arith.cmpf olt, %slice3A_242, %select_n3A_238 : vector<8x4096xf32>
    %select_n3A_244 = arith.select %lt3A_243, %slice3A_242, %select_n3A_238 : vector<8x4096xi1>, vector<8x4096xf32>
    %jit3A_245 = arith.constant 38 : i32
    %broadcast_in_dim3A_246 = vector.broadcast %jit3A_245 : i32 to vector<8x4096xi32>
    %select_n3A_247 = arith.select %lt3A_243, %broadcast_in_dim3A_246, %select_n3A_241 : vector<8x4096xi1>, vector<8x4096xi32>
    %slice3A_248 = vector.extract_strided_slice %add3A_20 {offsets = [312, 0], sizes = [8, 4096], strides = [1, 1]} : vector<1024x4096xf32> to vector<8x4096xf32>
    %lt3A_249 = arith.cmpf olt, %slice3A_248, %select_n3A_244 : vector<8x4096xf32>
    %select_n3A_250 = arith.select %lt3A_249, %slice3A_248, %select_n3A_244 : vector<8x4096xi1>, vector<8x4096xf32>
    %jit3A_251 = arith.constant 39 : i32
    %broadcast_in_dim3A_252 = vector.broadcast %jit3A_251 : i32 to vector<8x4096xi32>
    %select_n3A_253 = arith.select %lt3A_249, %broadcast_in_dim3A_252, %select_n3A_247 : vector<8x4096xi1>, vector<8x4096xi32>
    %slice3A_254 = vector.extract_strided_slice %add3A_20 {offsets = [320, 0], sizes = [8, 4096], strides = [1, 1]} : vector<1024x4096xf32> to vector<8x4096xf32>
    %lt3A_255 = arith.cmpf olt, %slice3A_254, %select_n3A_250 : vector<8x4096xf32>
    %select_n3A_256 = arith.select %lt3A_255, %slice3A_254, %select_n3A_250 : vector<8x4096xi1>, vector<8x4096xf32>
    %jit3A_257 = arith.constant 40 : i32
    %broadcast_in_dim3A_258 = vector.broadcast %jit3A_257 : i32 to vector<8x4096xi32>
    %select_n3A_259 = arith.select %lt3A_255, %broadcast_in_dim3A_258, %select_n3A_253 : vector<8x4096xi1>, vector<8x4096xi32>
    %slice3A_260 = vector.extract_strided_slice %add3A_20 {offsets = [328, 0], sizes = [8, 4096], strides = [1, 1]} : vector<1024x4096xf32> to vector<8x4096xf32>
    %lt3A_261 = arith.cmpf olt, %slice3A_260, %select_n3A_256 : vector<8x4096xf32>
    %select_n3A_262 = arith.select %lt3A_261, %slice3A_260, %select_n3A_256 : vector<8x4096xi1>, vector<8x4096xf32>
    %jit3A_263 = arith.constant 41 : i32
    %broadcast_in_dim3A_264 = vector.broadcast %jit3A_263 : i32 to vector<8x4096xi32>
    %select_n3A_265 = arith.select %lt3A_261, %broadcast_in_dim3A_264, %select_n3A_259 : vector<8x4096xi1>, vector<8x4096xi32>
    %slice3A_266 = vector.extract_strided_slice %add3A_20 {offsets = [336, 0], sizes = [8, 4096], strides = [1, 1]} : vector<1024x4096xf32> to vector<8x4096xf32>
    %lt3A_267 = arith.cmpf olt, %slice3A_266, %select_n3A_262 : vector<8x4096xf32>
    %select_n3A_268 = arith.select %lt3A_267, %slice3A_266, %select_n3A_262 : vector<8x4096xi1>, vector<8x4096xf32>
    %jit3A_269 = arith.constant 42 : i32
    %broadcast_in_dim3A_270 = vector.broadcast %jit3A_269 : i32 to vector<8x4096xi32>
    %select_n3A_271 = arith.select %lt3A_267, %broadcast_in_dim3A_270, %select_n3A_265 : vector<8x4096xi1>, vector<8x4096xi32>
    %slice3A_272 = vector.extract_strided_slice %add3A_20 {offsets = [344, 0], sizes = [8, 4096], strides = [1, 1]} : vector<1024x4096xf32> to vector<8x4096xf32>
    %lt3A_273 = arith.cmpf olt, %slice3A_272, %select_n3A_268 : vector<8x4096xf32>
    %select_n3A_274 = arith.select %lt3A_273, %slice3A_272, %select_n3A_268 : vector<8x4096xi1>, vector<8x4096xf32>
    %jit3A_275 = arith.constant 43 : i32
    %broadcast_in_dim3A_276 = vector.broadcast %jit3A_275 : i32 to vector<8x4096xi32>
    %select_n3A_277 = arith.select %lt3A_273, %broadcast_in_dim3A_276, %select_n3A_271 : vector<8x4096xi1>, vector<8x4096xi32>
    %slice3A_278 = vector.extract_strided_slice %add3A_20 {offsets = [352, 0], sizes = [8, 4096], strides = [1, 1]} : vector<1024x4096xf32> to vector<8x4096xf32>
    %lt3A_279 = arith.cmpf olt, %slice3A_278, %select_n3A_274 : vector<8x4096xf32>
    %select_n3A_280 = arith.select %lt3A_279, %slice3A_278, %select_n3A_274 : vector<8x4096xi1>, vector<8x4096xf32>
    %jit3A_281 = arith.constant 44 : i32
    %broadcast_in_dim3A_282 = vector.broadcast %jit3A_281 : i32 to vector<8x4096xi32>
    %select_n3A_283 = arith.select %lt3A_279, %broadcast_in_dim3A_282, %select_n3A_277 : vector<8x4096xi1>, vector<8x4096xi32>
    %slice3A_284 = vector.extract_strided_slice %add3A_20 {offsets = [360, 0], sizes = [8, 4096], strides = [1, 1]} : vector<1024x4096xf32> to vector<8x4096xf32>
    %lt3A_285 = arith.cmpf olt, %slice3A_284, %select_n3A_280 : vector<8x4096xf32>
    %select_n3A_286 = arith.select %lt3A_285, %slice3A_284, %select_n3A_280 : vector<8x4096xi1>, vector<8x4096xf32>
    %jit3A_287 = arith.constant 45 : i32
    %broadcast_in_dim3A_288 = vector.broadcast %jit3A_287 : i32 to vector<8x4096xi32>
    %select_n3A_289 = arith.select %lt3A_285, %broadcast_in_dim3A_288, %select_n3A_283 : vector<8x4096xi1>, vector<8x4096xi32>
    %slice3A_290 = vector.extract_strided_slice %add3A_20 {offsets = [368, 0], sizes = [8, 4096], strides = [1, 1]} : vector<1024x4096xf32> to vector<8x4096xf32>
    %lt3A_291 = arith.cmpf olt, %slice3A_290, %select_n3A_286 : vector<8x4096xf32>
    %select_n3A_292 = arith.select %lt3A_291, %slice3A_290, %select_n3A_286 : vector<8x4096xi1>, vector<8x4096xf32>
    %jit3A_293 = arith.constant 46 : i32
    %broadcast_in_dim3A_294 = vector.broadcast %jit3A_293 : i32 to vector<8x4096xi32>
    %select_n3A_295 = arith.select %lt3A_291, %broadcast_in_dim3A_294, %select_n3A_289 : vector<8x4096xi1>, vector<8x4096xi32>
    %slice3A_296 = vector.extract_strided_slice %add3A_20 {offsets = [376, 0], sizes = [8, 4096], strides = [1, 1]} : vector<1024x4096xf32> to vector<8x4096xf32>
    %lt3A_297 = arith.cmpf olt, %slice3A_296, %select_n3A_292 : vector<8x4096xf32>
    %select_n3A_298 = arith.select %lt3A_297, %slice3A_296, %select_n3A_292 : vector<8x4096xi1>, vector<8x4096xf32>
    %jit3A_299 = arith.constant 47 : i32
    %broadcast_in_dim3A_300 = vector.broadcast %jit3A_299 : i32 to vector<8x4096xi32>
    %select_n3A_301 = arith.select %lt3A_297, %broadcast_in_dim3A_300, %select_n3A_295 : vector<8x4096xi1>, vector<8x4096xi32>
    %slice3A_302 = vector.extract_strided_slice %add3A_20 {offsets = [384, 0], sizes = [8, 4096], strides = [1, 1]} : vector<1024x4096xf32> to vector<8x4096xf32>
    %lt3A_303 = arith.cmpf olt, %slice3A_302, %select_n3A_298 : vector<8x4096xf32>
    %select_n3A_304 = arith.select %lt3A_303, %slice3A_302, %select_n3A_298 : vector<8x4096xi1>, vector<8x4096xf32>
    %jit3A_305 = arith.constant 48 : i32
    %broadcast_in_dim3A_306 = vector.broadcast %jit3A_305 : i32 to vector<8x4096xi32>
    %select_n3A_307 = arith.select %lt3A_303, %broadcast_in_dim3A_306, %select_n3A_301 : vector<8x4096xi1>, vector<8x4096xi32>
    %slice3A_308 = vector.extract_strided_slice %add3A_20 {offsets = [392, 0], sizes = [8, 4096], strides = [1, 1]} : vector<1024x4096xf32> to vector<8x4096xf32>
    %lt3A_309 = arith.cmpf olt, %slice3A_308, %select_n3A_304 : vector<8x4096xf32>
    %select_n3A_310 = arith.select %lt3A_309, %slice3A_308, %select_n3A_304 : vector<8x4096xi1>, vector<8x4096xf32>
    %jit3A_311 = arith.constant 49 : i32
    %broadcast_in_dim3A_312 = vector.broadcast %jit3A_311 : i32 to vector<8x4096xi32>
    %select_n3A_313 = arith.select %lt3A_309, %broadcast_in_dim3A_312, %select_n3A_307 : vector<8x4096xi1>, vector<8x4096xi32>
    %slice3A_314 = vector.extract_strided_slice %add3A_20 {offsets = [400, 0], sizes = [8, 4096], strides = [1, 1]} : vector<1024x4096xf32> to vector<8x4096xf32>
    %lt3A_315 = arith.cmpf olt, %slice3A_314, %select_n3A_310 : vector<8x4096xf32>
    %select_n3A_316 = arith.select %lt3A_315, %slice3A_314, %select_n3A_310 : vector<8x4096xi1>, vector<8x4096xf32>
    %jit3A_317 = arith.constant 50 : i32
    %broadcast_in_dim3A_318 = vector.broadcast %jit3A_317 : i32 to vector<8x4096xi32>
    %select_n3A_319 = arith.select %lt3A_315, %broadcast_in_dim3A_318, %select_n3A_313 : vector<8x4096xi1>, vector<8x4096xi32>
    %slice3A_320 = vector.extract_strided_slice %add3A_20 {offsets = [408, 0], sizes = [8, 4096], strides = [1, 1]} : vector<1024x4096xf32> to vector<8x4096xf32>
    %lt3A_321 = arith.cmpf olt, %slice3A_320, %select_n3A_316 : vector<8x4096xf32>
    %select_n3A_322 = arith.select %lt3A_321, %slice3A_320, %select_n3A_316 : vector<8x4096xi1>, vector<8x4096xf32>
    %jit3A_323 = arith.constant 51 : i32
    %broadcast_in_dim3A_324 = vector.broadcast %jit3A_323 : i32 to vector<8x4096xi32>
    %select_n3A_325 = arith.select %lt3A_321, %broadcast_in_dim3A_324, %select_n3A_319 : vector<8x4096xi1>, vector<8x4096xi32>
    %slice3A_326 = vector.extract_strided_slice %add3A_20 {offsets = [416, 0], sizes = [8, 4096], strides = [1, 1]} : vector<1024x4096xf32> to vector<8x4096xf32>
    %lt3A_327 = arith.cmpf olt, %slice3A_326, %select_n3A_322 : vector<8x4096xf32>
    %select_n3A_328 = arith.select %lt3A_327, %slice3A_326, %select_n3A_322 : vector<8x4096xi1>, vector<8x4096xf32>
    %jit3A_329 = arith.constant 52 : i32
    %broadcast_in_dim3A_330 = vector.broadcast %jit3A_329 : i32 to vector<8x4096xi32>
    %select_n3A_331 = arith.select %lt3A_327, %broadcast_in_dim3A_330, %select_n3A_325 : vector<8x4096xi1>, vector<8x4096xi32>
    %slice3A_332 = vector.extract_strided_slice %add3A_20 {offsets = [424, 0], sizes = [8, 4096], strides = [1, 1]} : vector<1024x4096xf32> to vector<8x4096xf32>
    %lt3A_333 = arith.cmpf olt, %slice3A_332, %select_n3A_328 : vector<8x4096xf32>
    %select_n3A_334 = arith.select %lt3A_333, %slice3A_332, %select_n3A_328 : vector<8x4096xi1>, vector<8x4096xf32>
    %jit3A_335 = arith.constant 53 : i32
    %broadcast_in_dim3A_336 = vector.broadcast %jit3A_335 : i32 to vector<8x4096xi32>
    %select_n3A_337 = arith.select %lt3A_333, %broadcast_in_dim3A_336, %select_n3A_331 : vector<8x4096xi1>, vector<8x4096xi32>
    %slice3A_338 = vector.extract_strided_slice %add3A_20 {offsets = [432, 0], sizes = [8, 4096], strides = [1, 1]} : vector<1024x4096xf32> to vector<8x4096xf32>
    %lt3A_339 = arith.cmpf olt, %slice3A_338, %select_n3A_334 : vector<8x4096xf32>
    %select_n3A_340 = arith.select %lt3A_339, %slice3A_338, %select_n3A_334 : vector<8x4096xi1>, vector<8x4096xf32>
    %jit3A_341 = arith.constant 54 : i32
    %broadcast_in_dim3A_342 = vector.broadcast %jit3A_341 : i32 to vector<8x4096xi32>
    %select_n3A_343 = arith.select %lt3A_339, %broadcast_in_dim3A_342, %select_n3A_337 : vector<8x4096xi1>, vector<8x4096xi32>
    %slice3A_344 = vector.extract_strided_slice %add3A_20 {offsets = [440, 0], sizes = [8, 4096], strides = [1, 1]} : vector<1024x4096xf32> to vector<8x4096xf32>
    %lt3A_345 = arith.cmpf olt, %slice3A_344, %select_n3A_340 : vector<8x4096xf32>
    %select_n3A_346 = arith.select %lt3A_345, %slice3A_344, %select_n3A_340 : vector<8x4096xi1>, vector<8x4096xf32>
    %jit3A_347 = arith.constant 55 : i32
    %broadcast_in_dim3A_348 = vector.broadcast %jit3A_347 : i32 to vector<8x4096xi32>
    %select_n3A_349 = arith.select %lt3A_345, %broadcast_in_dim3A_348, %select_n3A_343 : vector<8x4096xi1>, vector<8x4096xi32>
    %slice3A_350 = vector.extract_strided_slice %add3A_20 {offsets = [448, 0], sizes = [8, 4096], strides = [1, 1]} : vector<1024x4096xf32> to vector<8x4096xf32>
    %lt3A_351 = arith.cmpf olt, %slice3A_350, %select_n3A_346 : vector<8x4096xf32>
    %select_n3A_352 = arith.select %lt3A_351, %slice3A_350, %select_n3A_346 : vector<8x4096xi1>, vector<8x4096xf32>
    %jit3A_353 = arith.constant 56 : i32
    %broadcast_in_dim3A_354 = vector.broadcast %jit3A_353 : i32 to vector<8x4096xi32>
    %select_n3A_355 = arith.select %lt3A_351, %broadcast_in_dim3A_354, %select_n3A_349 : vector<8x4096xi1>, vector<8x4096xi32>
    %slice3A_356 = vector.extract_strided_slice %add3A_20 {offsets = [456, 0], sizes = [8, 4096], strides = [1, 1]} : vector<1024x4096xf32> to vector<8x4096xf32>
    %lt3A_357 = arith.cmpf olt, %slice3A_356, %select_n3A_352 : vector<8x4096xf32>
    %select_n3A_358 = arith.select %lt3A_357, %slice3A_356, %select_n3A_352 : vector<8x4096xi1>, vector<8x4096xf32>
    %jit3A_359 = arith.constant 57 : i32
    %broadcast_in_dim3A_360 = vector.broadcast %jit3A_359 : i32 to vector<8x4096xi32>
    %select_n3A_361 = arith.select %lt3A_357, %broadcast_in_dim3A_360, %select_n3A_355 : vector<8x4096xi1>, vector<8x4096xi32>
    %slice3A_362 = vector.extract_strided_slice %add3A_20 {offsets = [464, 0], sizes = [8, 4096], strides = [1, 1]} : vector<1024x4096xf32> to vector<8x4096xf32>
    %lt3A_363 = arith.cmpf olt, %slice3A_362, %select_n3A_358 : vector<8x4096xf32>
    %select_n3A_364 = arith.select %lt3A_363, %slice3A_362, %select_n3A_358 : vector<8x4096xi1>, vector<8x4096xf32>
    %jit3A_365 = arith.constant 58 : i32
    %broadcast_in_dim3A_366 = vector.broadcast %jit3A_365 : i32 to vector<8x4096xi32>
    %select_n3A_367 = arith.select %lt3A_363, %broadcast_in_dim3A_366, %select_n3A_361 : vector<8x4096xi1>, vector<8x4096xi32>
    %slice3A_368 = vector.extract_strided_slice %add3A_20 {offsets = [472, 0], sizes = [8, 4096], strides = [1, 1]} : vector<1024x4096xf32> to vector<8x4096xf32>
    %lt3A_369 = arith.cmpf olt, %slice3A_368, %select_n3A_364 : vector<8x4096xf32>
    %select_n3A_370 = arith.select %lt3A_369, %slice3A_368, %select_n3A_364 : vector<8x4096xi1>, vector<8x4096xf32>
    %jit3A_371 = arith.constant 59 : i32
    %broadcast_in_dim3A_372 = vector.broadcast %jit3A_371 : i32 to vector<8x4096xi32>
    %select_n3A_373 = arith.select %lt3A_369, %broadcast_in_dim3A_372, %select_n3A_367 : vector<8x4096xi1>, vector<8x4096xi32>
    %slice3A_374 = vector.extract_strided_slice %add3A_20 {offsets = [480, 0], sizes = [8, 4096], strides = [1, 1]} : vector<1024x4096xf32> to vector<8x4096xf32>
    %lt3A_375 = arith.cmpf olt, %slice3A_374, %select_n3A_370 : vector<8x4096xf32>
    %select_n3A_376 = arith.select %lt3A_375, %slice3A_374, %select_n3A_370 : vector<8x4096xi1>, vector<8x4096xf32>
    %jit3A_377 = arith.constant 60 : i32
    %broadcast_in_dim3A_378 = vector.broadcast %jit3A_377 : i32 to vector<8x4096xi32>
    %select_n3A_379 = arith.select %lt3A_375, %broadcast_in_dim3A_378, %select_n3A_373 : vector<8x4096xi1>, vector<8x4096xi32>
    %slice3A_380 = vector.extract_strided_slice %add3A_20 {offsets = [488, 0], sizes = [8, 4096], strides = [1, 1]} : vector<1024x4096xf32> to vector<8x4096xf32>
    %lt3A_381 = arith.cmpf olt, %slice3A_380, %select_n3A_376 : vector<8x4096xf32>
    %select_n3A_382 = arith.select %lt3A_381, %slice3A_380, %select_n3A_376 : vector<8x4096xi1>, vector<8x4096xf32>
    %jit3A_383 = arith.constant 61 : i32
    %broadcast_in_dim3A_384 = vector.broadcast %jit3A_383 : i32 to vector<8x4096xi32>
    %select_n3A_385 = arith.select %lt3A_381, %broadcast_in_dim3A_384, %select_n3A_379 : vector<8x4096xi1>, vector<8x4096xi32>
    %slice3A_386 = vector.extract_strided_slice %add3A_20 {offsets = [496, 0], sizes = [8, 4096], strides = [1, 1]} : vector<1024x4096xf32> to vector<8x4096xf32>
    %lt3A_387 = arith.cmpf olt, %slice3A_386, %select_n3A_382 : vector<8x4096xf32>
    %select_n3A_388 = arith.select %lt3A_387, %slice3A_386, %select_n3A_382 : vector<8x4096xi1>, vector<8x4096xf32>
    %jit3A_389 = arith.constant 62 : i32
    %broadcast_in_dim3A_390 = vector.broadcast %jit3A_389 : i32 to vector<8x4096xi32>
    %select_n3A_391 = arith.select %lt3A_387, %broadcast_in_dim3A_390, %select_n3A_385 : vector<8x4096xi1>, vector<8x4096xi32>
    %slice3A_392 = vector.extract_strided_slice %add3A_20 {offsets = [504, 0], sizes = [8, 4096], strides = [1, 1]} : vector<1024x4096xf32> to vector<8x4096xf32>
    %lt3A_393 = arith.cmpf olt, %slice3A_392, %select_n3A_388 : vector<8x4096xf32>
    %select_n3A_394 = arith.select %lt3A_393, %slice3A_392, %select_n3A_388 : vector<8x4096xi1>, vector<8x4096xf32>
    %jit3A_395 = arith.constant 63 : i32
    %broadcast_in_dim3A_396 = vector.broadcast %jit3A_395 : i32 to vector<8x4096xi32>
    %select_n3A_397 = arith.select %lt3A_393, %broadcast_in_dim3A_396, %select_n3A_391 : vector<8x4096xi1>, vector<8x4096xi32>
    %slice3A_398 = vector.extract_strided_slice %add3A_20 {offsets = [512, 0], sizes = [8, 4096], strides = [1, 1]} : vector<1024x4096xf32> to vector<8x4096xf32>
    %lt3A_399 = arith.cmpf olt, %slice3A_398, %select_n3A_394 : vector<8x4096xf32>
    %select_n3A_400 = arith.select %lt3A_399, %slice3A_398, %select_n3A_394 : vector<8x4096xi1>, vector<8x4096xf32>
    %jit3A_401 = arith.constant 64 : i32
    %broadcast_in_dim3A_402 = vector.broadcast %jit3A_401 : i32 to vector<8x4096xi32>
    %select_n3A_403 = arith.select %lt3A_399, %broadcast_in_dim3A_402, %select_n3A_397 : vector<8x4096xi1>, vector<8x4096xi32>
    %slice3A_404 = vector.extract_strided_slice %add3A_20 {offsets = [520, 0], sizes = [8, 4096], strides = [1, 1]} : vector<1024x4096xf32> to vector<8x4096xf32>
    %lt3A_405 = arith.cmpf olt, %slice3A_404, %select_n3A_400 : vector<8x4096xf32>
    %select_n3A_406 = arith.select %lt3A_405, %slice3A_404, %select_n3A_400 : vector<8x4096xi1>, vector<8x4096xf32>
    %jit3A_407 = arith.constant 65 : i32
    %broadcast_in_dim3A_408 = vector.broadcast %jit3A_407 : i32 to vector<8x4096xi32>
    %select_n3A_409 = arith.select %lt3A_405, %broadcast_in_dim3A_408, %select_n3A_403 : vector<8x4096xi1>, vector<8x4096xi32>
    %slice3A_410 = vector.extract_strided_slice %add3A_20 {offsets = [528, 0], sizes = [8, 4096], strides = [1, 1]} : vector<1024x4096xf32> to vector<8x4096xf32>
    %lt3A_411 = arith.cmpf olt, %slice3A_410, %select_n3A_406 : vector<8x4096xf32>
    %select_n3A_412 = arith.select %lt3A_411, %slice3A_410, %select_n3A_406 : vector<8x4096xi1>, vector<8x4096xf32>
    %jit3A_413 = arith.constant 66 : i32
    %broadcast_in_dim3A_414 = vector.broadcast %jit3A_413 : i32 to vector<8x4096xi32>
    %select_n3A_415 = arith.select %lt3A_411, %broadcast_in_dim3A_414, %select_n3A_409 : vector<8x4096xi1>, vector<8x4096xi32>
    %slice3A_416 = vector.extract_strided_slice %add3A_20 {offsets = [536, 0], sizes = [8, 4096], strides = [1, 1]} : vector<1024x4096xf32> to vector<8x4096xf32>
    %lt3A_417 = arith.cmpf olt, %slice3A_416, %select_n3A_412 : vector<8x4096xf32>
    %select_n3A_418 = arith.select %lt3A_417, %slice3A_416, %select_n3A_412 : vector<8x4096xi1>, vector<8x4096xf32>
    %jit3A_419 = arith.constant 67 : i32
    %broadcast_in_dim3A_420 = vector.broadcast %jit3A_419 : i32 to vector<8x4096xi32>
    %select_n3A_421 = arith.select %lt3A_417, %broadcast_in_dim3A_420, %select_n3A_415 : vector<8x4096xi1>, vector<8x4096xi32>
    %slice3A_422 = vector.extract_strided_slice %add3A_20 {offsets = [544, 0], sizes = [8, 4096], strides = [1, 1]} : vector<1024x4096xf32> to vector<8x4096xf32>
    %lt3A_423 = arith.cmpf olt, %slice3A_422, %select_n3A_418 : vector<8x4096xf32>
    %select_n3A_424 = arith.select %lt3A_423, %slice3A_422, %select_n3A_418 : vector<8x4096xi1>, vector<8x4096xf32>
    %jit3A_425 = arith.constant 68 : i32
    %broadcast_in_dim3A_426 = vector.broadcast %jit3A_425 : i32 to vector<8x4096xi32>
    %select_n3A_427 = arith.select %lt3A_423, %broadcast_in_dim3A_426, %select_n3A_421 : vector<8x4096xi1>, vector<8x4096xi32>
    %slice3A_428 = vector.extract_strided_slice %add3A_20 {offsets = [552, 0], sizes = [8, 4096], strides = [1, 1]} : vector<1024x4096xf32> to vector<8x4096xf32>
    %lt3A_429 = arith.cmpf olt, %slice3A_428, %select_n3A_424 : vector<8x4096xf32>
    %select_n3A_430 = arith.select %lt3A_429, %slice3A_428, %select_n3A_424 : vector<8x4096xi1>, vector<8x4096xf32>
    %jit3A_431 = arith.constant 69 : i32
    %broadcast_in_dim3A_432 = vector.broadcast %jit3A_431 : i32 to vector<8x4096xi32>
    %select_n3A_433 = arith.select %lt3A_429, %broadcast_in_dim3A_432, %select_n3A_427 : vector<8x4096xi1>, vector<8x4096xi32>
    %slice3A_434 = vector.extract_strided_slice %add3A_20 {offsets = [560, 0], sizes = [8, 4096], strides = [1, 1]} : vector<1024x4096xf32> to vector<8x4096xf32>
    %lt3A_435 = arith.cmpf olt, %slice3A_434, %select_n3A_430 : vector<8x4096xf32>
    %select_n3A_436 = arith.select %lt3A_435, %slice3A_434, %select_n3A_430 : vector<8x4096xi1>, vector<8x4096xf32>
    %jit3A_437 = arith.constant 70 : i32
    %broadcast_in_dim3A_438 = vector.broadcast %jit3A_437 : i32 to vector<8x4096xi32>
    %select_n3A_439 = arith.select %lt3A_435, %broadcast_in_dim3A_438, %select_n3A_433 : vector<8x4096xi1>, vector<8x4096xi32>
    %slice3A_440 = vector.extract_strided_slice %add3A_20 {offsets = [568, 0], sizes = [8, 4096], strides = [1, 1]} : vector<1024x4096xf32> to vector<8x4096xf32>
    %lt3A_441 = arith.cmpf olt, %slice3A_440, %select_n3A_436 : vector<8x4096xf32>
    %select_n3A_442 = arith.select %lt3A_441, %slice3A_440, %select_n3A_436 : vector<8x4096xi1>, vector<8x4096xf32>
    %jit3A_443 = arith.constant 71 : i32
    %broadcast_in_dim3A_444 = vector.broadcast %jit3A_443 : i32 to vector<8x4096xi32>
    %select_n3A_445 = arith.select %lt3A_441, %broadcast_in_dim3A_444, %select_n3A_439 : vector<8x4096xi1>, vector<8x4096xi32>
    %slice3A_446 = vector.extract_strided_slice %add3A_20 {offsets = [576, 0], sizes = [8, 4096], strides = [1, 1]} : vector<1024x4096xf32> to vector<8x4096xf32>
    %lt3A_447 = arith.cmpf olt, %slice3A_446, %select_n3A_442 : vector<8x4096xf32>
    %select_n3A_448 = arith.select %lt3A_447, %slice3A_446, %select_n3A_442 : vector<8x4096xi1>, vector<8x4096xf32>
    %jit3A_449 = arith.constant 72 : i32
    %broadcast_in_dim3A_450 = vector.broadcast %jit3A_449 : i32 to vector<8x4096xi32>
    %select_n3A_451 = arith.select %lt3A_447, %broadcast_in_dim3A_450, %select_n3A_445 : vector<8x4096xi1>, vector<8x4096xi32>
    %slice3A_452 = vector.extract_strided_slice %add3A_20 {offsets = [584, 0], sizes = [8, 4096], strides = [1, 1]} : vector<1024x4096xf32> to vector<8x4096xf32>
    %lt3A_453 = arith.cmpf olt, %slice3A_452, %select_n3A_448 : vector<8x4096xf32>
    %select_n3A_454 = arith.select %lt3A_453, %slice3A_452, %select_n3A_448 : vector<8x4096xi1>, vector<8x4096xf32>
    %jit3A_455 = arith.constant 73 : i32
    %broadcast_in_dim3A_456 = vector.broadcast %jit3A_455 : i32 to vector<8x4096xi32>
    %select_n3A_457 = arith.select %lt3A_453, %broadcast_in_dim3A_456, %select_n3A_451 : vector<8x4096xi1>, vector<8x4096xi32>
    %slice3A_458 = vector.extract_strided_slice %add3A_20 {offsets = [592, 0], sizes = [8, 4096], strides = [1, 1]} : vector<1024x4096xf32> to vector<8x4096xf32>
    %lt3A_459 = arith.cmpf olt, %slice3A_458, %select_n3A_454 : vector<8x4096xf32>
    %select_n3A_460 = arith.select %lt3A_459, %slice3A_458, %select_n3A_454 : vector<8x4096xi1>, vector<8x4096xf32>
    %jit3A_461 = arith.constant 74 : i32
    %broadcast_in_dim3A_462 = vector.broadcast %jit3A_461 : i32 to vector<8x4096xi32>
    %select_n3A_463 = arith.select %lt3A_459, %broadcast_in_dim3A_462, %select_n3A_457 : vector<8x4096xi1>, vector<8x4096xi32>
    %slice3A_464 = vector.extract_strided_slice %add3A_20 {offsets = [600, 0], sizes = [8, 4096], strides = [1, 1]} : vector<1024x4096xf32> to vector<8x4096xf32>
    %lt3A_465 = arith.cmpf olt, %slice3A_464, %select_n3A_460 : vector<8x4096xf32>
    %select_n3A_466 = arith.select %lt3A_465, %slice3A_464, %select_n3A_460 : vector<8x4096xi1>, vector<8x4096xf32>
    %jit3A_467 = arith.constant 75 : i32
    %broadcast_in_dim3A_468 = vector.broadcast %jit3A_467 : i32 to vector<8x4096xi32>
    %select_n3A_469 = arith.select %lt3A_465, %broadcast_in_dim3A_468, %select_n3A_463 : vector<8x4096xi1>, vector<8x4096xi32>
    %slice3A_470 = vector.extract_strided_slice %add3A_20 {offsets = [608, 0], sizes = [8, 4096], strides = [1, 1]} : vector<1024x4096xf32> to vector<8x4096xf32>
    %lt3A_471 = arith.cmpf olt, %slice3A_470, %select_n3A_466 : vector<8x4096xf32>
    %select_n3A_472 = arith.select %lt3A_471, %slice3A_470, %select_n3A_466 : vector<8x4096xi1>, vector<8x4096xf32>
    %jit3A_473 = arith.constant 76 : i32
    %broadcast_in_dim3A_474 = vector.broadcast %jit3A_473 : i32 to vector<8x4096xi32>
    %select_n3A_475 = arith.select %lt3A_471, %broadcast_in_dim3A_474, %select_n3A_469 : vector<8x4096xi1>, vector<8x4096xi32>
    %slice3A_476 = vector.extract_strided_slice %add3A_20 {offsets = [616, 0], sizes = [8, 4096], strides = [1, 1]} : vector<1024x4096xf32> to vector<8x4096xf32>
    %lt3A_477 = arith.cmpf olt, %slice3A_476, %select_n3A_472 : vector<8x4096xf32>
    %select_n3A_478 = arith.select %lt3A_477, %slice3A_476, %select_n3A_472 : vector<8x4096xi1>, vector<8x4096xf32>
    %jit3A_479 = arith.constant 77 : i32
    %broadcast_in_dim3A_480 = vector.broadcast %jit3A_479 : i32 to vector<8x4096xi32>
    %select_n3A_481 = arith.select %lt3A_477, %broadcast_in_dim3A_480, %select_n3A_475 : vector<8x4096xi1>, vector<8x4096xi32>
    %slice3A_482 = vector.extract_strided_slice %add3A_20 {offsets = [624, 0], sizes = [8, 4096], strides = [1, 1]} : vector<1024x4096xf32> to vector<8x4096xf32>
    %lt3A_483 = arith.cmpf olt, %slice3A_482, %select_n3A_478 : vector<8x4096xf32>
    %select_n3A_484 = arith.select %lt3A_483, %slice3A_482, %select_n3A_478 : vector<8x4096xi1>, vector<8x4096xf32>
    %jit3A_485 = arith.constant 78 : i32
    %broadcast_in_dim3A_486 = vector.broadcast %jit3A_485 : i32 to vector<8x4096xi32>
    %select_n3A_487 = arith.select %lt3A_483, %broadcast_in_dim3A_486, %select_n3A_481 : vector<8x4096xi1>, vector<8x4096xi32>
    %slice3A_488 = vector.extract_strided_slice %add3A_20 {offsets = [632, 0], sizes = [8, 4096], strides = [1, 1]} : vector<1024x4096xf32> to vector<8x4096xf32>
    %lt3A_489 = arith.cmpf olt, %slice3A_488, %select_n3A_484 : vector<8x4096xf32>
    %select_n3A_490 = arith.select %lt3A_489, %slice3A_488, %select_n3A_484 : vector<8x4096xi1>, vector<8x4096xf32>
    %jit3A_491 = arith.constant 79 : i32
    %broadcast_in_dim3A_492 = vector.broadcast %jit3A_491 : i32 to vector<8x4096xi32>
    %select_n3A_493 = arith.select %lt3A_489, %broadcast_in_dim3A_492, %select_n3A_487 : vector<8x4096xi1>, vector<8x4096xi32>
    %slice3A_494 = vector.extract_strided_slice %add3A_20 {offsets = [640, 0], sizes = [8, 4096], strides = [1, 1]} : vector<1024x4096xf32> to vector<8x4096xf32>
    %lt3A_495 = arith.cmpf olt, %slice3A_494, %select_n3A_490 : vector<8x4096xf32>
    %select_n3A_496 = arith.select %lt3A_495, %slice3A_494, %select_n3A_490 : vector<8x4096xi1>, vector<8x4096xf32>
    %jit3A_497 = arith.constant 80 : i32
    %broadcast_in_dim3A_498 = vector.broadcast %jit3A_497 : i32 to vector<8x4096xi32>
    %select_n3A_499 = arith.select %lt3A_495, %broadcast_in_dim3A_498, %select_n3A_493 : vector<8x4096xi1>, vector<8x4096xi32>
    %slice3A_500 = vector.extract_strided_slice %add3A_20 {offsets = [648, 0], sizes = [8, 4096], strides = [1, 1]} : vector<1024x4096xf32> to vector<8x4096xf32>
    %lt3A_501 = arith.cmpf olt, %slice3A_500, %select_n3A_496 : vector<8x4096xf32>
    %select_n3A_502 = arith.select %lt3A_501, %slice3A_500, %select_n3A_496 : vector<8x4096xi1>, vector<8x4096xf32>
    %jit3A_503 = arith.constant 81 : i32
    %broadcast_in_dim3A_504 = vector.broadcast %jit3A_503 : i32 to vector<8x4096xi32>
    %select_n3A_505 = arith.select %lt3A_501, %broadcast_in_dim3A_504, %select_n3A_499 : vector<8x4096xi1>, vector<8x4096xi32>
    %slice3A_506 = vector.extract_strided_slice %add3A_20 {offsets = [656, 0], sizes = [8, 4096], strides = [1, 1]} : vector<1024x4096xf32> to vector<8x4096xf32>
    %lt3A_507 = arith.cmpf olt, %slice3A_506, %select_n3A_502 : vector<8x4096xf32>
    %select_n3A_508 = arith.select %lt3A_507, %slice3A_506, %select_n3A_502 : vector<8x4096xi1>, vector<8x4096xf32>
    %jit3A_509 = arith.constant 82 : i32
    %broadcast_in_dim3A_510 = vector.broadcast %jit3A_509 : i32 to vector<8x4096xi32>
    %select_n3A_511 = arith.select %lt3A_507, %broadcast_in_dim3A_510, %select_n3A_505 : vector<8x4096xi1>, vector<8x4096xi32>
    %slice3A_512 = vector.extract_strided_slice %add3A_20 {offsets = [664, 0], sizes = [8, 4096], strides = [1, 1]} : vector<1024x4096xf32> to vector<8x4096xf32>
    %lt3A_513 = arith.cmpf olt, %slice3A_512, %select_n3A_508 : vector<8x4096xf32>
    %select_n3A_514 = arith.select %lt3A_513, %slice3A_512, %select_n3A_508 : vector<8x4096xi1>, vector<8x4096xf32>
    %jit3A_515 = arith.constant 83 : i32
    %broadcast_in_dim3A_516 = vector.broadcast %jit3A_515 : i32 to vector<8x4096xi32>
    %select_n3A_517 = arith.select %lt3A_513, %broadcast_in_dim3A_516, %select_n3A_511 : vector<8x4096xi1>, vector<8x4096xi32>
    %slice3A_518 = vector.extract_strided_slice %add3A_20 {offsets = [672, 0], sizes = [8, 4096], strides = [1, 1]} : vector<1024x4096xf32> to vector<8x4096xf32>
    %lt3A_519 = arith.cmpf olt, %slice3A_518, %select_n3A_514 : vector<8x4096xf32>
    %select_n3A_520 = arith.select %lt3A_519, %slice3A_518, %select_n3A_514 : vector<8x4096xi1>, vector<8x4096xf32>
    %jit3A_521 = arith.constant 84 : i32
    %broadcast_in_dim3A_522 = vector.broadcast %jit3A_521 : i32 to vector<8x4096xi32>
    %select_n3A_523 = arith.select %lt3A_519, %broadcast_in_dim3A_522, %select_n3A_517 : vector<8x4096xi1>, vector<8x4096xi32>
    %slice3A_524 = vector.extract_strided_slice %add3A_20 {offsets = [680, 0], sizes = [8, 4096], strides = [1, 1]} : vector<1024x4096xf32> to vector<8x4096xf32>
    %lt3A_525 = arith.cmpf olt, %slice3A_524, %select_n3A_520 : vector<8x4096xf32>
    %select_n3A_526 = arith.select %lt3A_525, %slice3A_524, %select_n3A_520 : vector<8x4096xi1>, vector<8x4096xf32>
    %jit3A_527 = arith.constant 85 : i32
    %broadcast_in_dim3A_528 = vector.broadcast %jit3A_527 : i32 to vector<8x4096xi32>
    %select_n3A_529 = arith.select %lt3A_525, %broadcast_in_dim3A_528, %select_n3A_523 : vector<8x4096xi1>, vector<8x4096xi32>
    %slice3A_530 = vector.extract_strided_slice %add3A_20 {offsets = [688, 0], sizes = [8, 4096], strides = [1, 1]} : vector<1024x4096xf32> to vector<8x4096xf32>
    %lt3A_531 = arith.cmpf olt, %slice3A_530, %select_n3A_526 : vector<8x4096xf32>
    %select_n3A_532 = arith.select %lt3A_531, %slice3A_530, %select_n3A_526 : vector<8x4096xi1>, vector<8x4096xf32>
    %jit3A_533 = arith.constant 86 : i32
    %broadcast_in_dim3A_534 = vector.broadcast %jit3A_533 : i32 to vector<8x4096xi32>
    %select_n3A_535 = arith.select %lt3A_531, %broadcast_in_dim3A_534, %select_n3A_529 : vector<8x4096xi1>, vector<8x4096xi32>
    %slice3A_536 = vector.extract_strided_slice %add3A_20 {offsets = [696, 0], sizes = [8, 4096], strides = [1, 1]} : vector<1024x4096xf32> to vector<8x4096xf32>
    %lt3A_537 = arith.cmpf olt, %slice3A_536, %select_n3A_532 : vector<8x4096xf32>
    %select_n3A_538 = arith.select %lt3A_537, %slice3A_536, %select_n3A_532 : vector<8x4096xi1>, vector<8x4096xf32>
    %jit3A_539 = arith.constant 87 : i32
    %broadcast_in_dim3A_540 = vector.broadcast %jit3A_539 : i32 to vector<8x4096xi32>
    %select_n3A_541 = arith.select %lt3A_537, %broadcast_in_dim3A_540, %select_n3A_535 : vector<8x4096xi1>, vector<8x4096xi32>
    %slice3A_542 = vector.extract_strided_slice %add3A_20 {offsets = [704, 0], sizes = [8, 4096], strides = [1, 1]} : vector<1024x4096xf32> to vector<8x4096xf32>
    %lt3A_543 = arith.cmpf olt, %slice3A_542, %select_n3A_538 : vector<8x4096xf32>
    %select_n3A_544 = arith.select %lt3A_543, %slice3A_542, %select_n3A_538 : vector<8x4096xi1>, vector<8x4096xf32>
    %jit3A_545 = arith.constant 88 : i32
    %broadcast_in_dim3A_546 = vector.broadcast %jit3A_545 : i32 to vector<8x4096xi32>
    %select_n3A_547 = arith.select %lt3A_543, %broadcast_in_dim3A_546, %select_n3A_541 : vector<8x4096xi1>, vector<8x4096xi32>
    %slice3A_548 = vector.extract_strided_slice %add3A_20 {offsets = [712, 0], sizes = [8, 4096], strides = [1, 1]} : vector<1024x4096xf32> to vector<8x4096xf32>
    %lt3A_549 = arith.cmpf olt, %slice3A_548, %select_n3A_544 : vector<8x4096xf32>
    %select_n3A_550 = arith.select %lt3A_549, %slice3A_548, %select_n3A_544 : vector<8x4096xi1>, vector<8x4096xf32>
    %jit3A_551 = arith.constant 89 : i32
    %broadcast_in_dim3A_552 = vector.broadcast %jit3A_551 : i32 to vector<8x4096xi32>
    %select_n3A_553 = arith.select %lt3A_549, %broadcast_in_dim3A_552, %select_n3A_547 : vector<8x4096xi1>, vector<8x4096xi32>
    %slice3A_554 = vector.extract_strided_slice %add3A_20 {offsets = [720, 0], sizes = [8, 4096], strides = [1, 1]} : vector<1024x4096xf32> to vector<8x4096xf32>
    %lt3A_555 = arith.cmpf olt, %slice3A_554, %select_n3A_550 : vector<8x4096xf32>
    %select_n3A_556 = arith.select %lt3A_555, %slice3A_554, %select_n3A_550 : vector<8x4096xi1>, vector<8x4096xf32>
    %jit3A_557 = arith.constant 90 : i32
    %broadcast_in_dim3A_558 = vector.broadcast %jit3A_557 : i32 to vector<8x4096xi32>
    %select_n3A_559 = arith.select %lt3A_555, %broadcast_in_dim3A_558, %select_n3A_553 : vector<8x4096xi1>, vector<8x4096xi32>
    %slice3A_560 = vector.extract_strided_slice %add3A_20 {offsets = [728, 0], sizes = [8, 4096], strides = [1, 1]} : vector<1024x4096xf32> to vector<8x4096xf32>
    %lt3A_561 = arith.cmpf olt, %slice3A_560, %select_n3A_556 : vector<8x4096xf32>
    %select_n3A_562 = arith.select %lt3A_561, %slice3A_560, %select_n3A_556 : vector<8x4096xi1>, vector<8x4096xf32>
    %jit3A_563 = arith.constant 91 : i32
    %broadcast_in_dim3A_564 = vector.broadcast %jit3A_563 : i32 to vector<8x4096xi32>
    %select_n3A_565 = arith.select %lt3A_561, %broadcast_in_dim3A_564, %select_n3A_559 : vector<8x4096xi1>, vector<8x4096xi32>
    %slice3A_566 = vector.extract_strided_slice %add3A_20 {offsets = [736, 0], sizes = [8, 4096], strides = [1, 1]} : vector<1024x4096xf32> to vector<8x4096xf32>
    %lt3A_567 = arith.cmpf olt, %slice3A_566, %select_n3A_562 : vector<8x4096xf32>
    %select_n3A_568 = arith.select %lt3A_567, %slice3A_566, %select_n3A_562 : vector<8x4096xi1>, vector<8x4096xf32>
    %jit3A_569 = arith.constant 92 : i32
    %broadcast_in_dim3A_570 = vector.broadcast %jit3A_569 : i32 to vector<8x4096xi32>
    %select_n3A_571 = arith.select %lt3A_567, %broadcast_in_dim3A_570, %select_n3A_565 : vector<8x4096xi1>, vector<8x4096xi32>
    %slice3A_572 = vector.extract_strided_slice %add3A_20 {offsets = [744, 0], sizes = [8, 4096], strides = [1, 1]} : vector<1024x4096xf32> to vector<8x4096xf32>
    %lt3A_573 = arith.cmpf olt, %slice3A_572, %select_n3A_568 : vector<8x4096xf32>
    %select_n3A_574 = arith.select %lt3A_573, %slice3A_572, %select_n3A_568 : vector<8x4096xi1>, vector<8x4096xf32>
    %jit3A_575 = arith.constant 93 : i32
    %broadcast_in_dim3A_576 = vector.broadcast %jit3A_575 : i32 to vector<8x4096xi32>
    %select_n3A_577 = arith.select %lt3A_573, %broadcast_in_dim3A_576, %select_n3A_571 : vector<8x4096xi1>, vector<8x4096xi32>
    %slice3A_578 = vector.extract_strided_slice %add3A_20 {offsets = [752, 0], sizes = [8, 4096], strides = [1, 1]} : vector<1024x4096xf32> to vector<8x4096xf32>
    %lt3A_579 = arith.cmpf olt, %slice3A_578, %select_n3A_574 : vector<8x4096xf32>
    %select_n3A_580 = arith.select %lt3A_579, %slice3A_578, %select_n3A_574 : vector<8x4096xi1>, vector<8x4096xf32>
    %jit3A_581 = arith.constant 94 : i32
    %broadcast_in_dim3A_582 = vector.broadcast %jit3A_581 : i32 to vector<8x4096xi32>
    %select_n3A_583 = arith.select %lt3A_579, %broadcast_in_dim3A_582, %select_n3A_577 : vector<8x4096xi1>, vector<8x4096xi32>
    %slice3A_584 = vector.extract_strided_slice %add3A_20 {offsets = [760, 0], sizes = [8, 4096], strides = [1, 1]} : vector<1024x4096xf32> to vector<8x4096xf32>
    %lt3A_585 = arith.cmpf olt, %slice3A_584, %select_n3A_580 : vector<8x4096xf32>
    %select_n3A_586 = arith.select %lt3A_585, %slice3A_584, %select_n3A_580 : vector<8x4096xi1>, vector<8x4096xf32>
    %jit3A_587 = arith.constant 95 : i32
    %broadcast_in_dim3A_588 = vector.broadcast %jit3A_587 : i32 to vector<8x4096xi32>
    %select_n3A_589 = arith.select %lt3A_585, %broadcast_in_dim3A_588, %select_n3A_583 : vector<8x4096xi1>, vector<8x4096xi32>
    %slice3A_590 = vector.extract_strided_slice %add3A_20 {offsets = [768, 0], sizes = [8, 4096], strides = [1, 1]} : vector<1024x4096xf32> to vector<8x4096xf32>
    %lt3A_591 = arith.cmpf olt, %slice3A_590, %select_n3A_586 : vector<8x4096xf32>
    %select_n3A_592 = arith.select %lt3A_591, %slice3A_590, %select_n3A_586 : vector<8x4096xi1>, vector<8x4096xf32>
    %jit3A_593 = arith.constant 96 : i32
    %broadcast_in_dim3A_594 = vector.broadcast %jit3A_593 : i32 to vector<8x4096xi32>
    %select_n3A_595 = arith.select %lt3A_591, %broadcast_in_dim3A_594, %select_n3A_589 : vector<8x4096xi1>, vector<8x4096xi32>
    %slice3A_596 = vector.extract_strided_slice %add3A_20 {offsets = [776, 0], sizes = [8, 4096], strides = [1, 1]} : vector<1024x4096xf32> to vector<8x4096xf32>
    %lt3A_597 = arith.cmpf olt, %slice3A_596, %select_n3A_592 : vector<8x4096xf32>
    %select_n3A_598 = arith.select %lt3A_597, %slice3A_596, %select_n3A_592 : vector<8x4096xi1>, vector<8x4096xf32>
    %jit3A_599 = arith.constant 97 : i32
    %broadcast_in_dim3A_600 = vector.broadcast %jit3A_599 : i32 to vector<8x4096xi32>
    %select_n3A_601 = arith.select %lt3A_597, %broadcast_in_dim3A_600, %select_n3A_595 : vector<8x4096xi1>, vector<8x4096xi32>
    %slice3A_602 = vector.extract_strided_slice %add3A_20 {offsets = [784, 0], sizes = [8, 4096], strides = [1, 1]} : vector<1024x4096xf32> to vector<8x4096xf32>
    %lt3A_603 = arith.cmpf olt, %slice3A_602, %select_n3A_598 : vector<8x4096xf32>
    %select_n3A_604 = arith.select %lt3A_603, %slice3A_602, %select_n3A_598 : vector<8x4096xi1>, vector<8x4096xf32>
    %jit3A_605 = arith.constant 98 : i32
    %broadcast_in_dim3A_606 = vector.broadcast %jit3A_605 : i32 to vector<8x4096xi32>
    %select_n3A_607 = arith.select %lt3A_603, %broadcast_in_dim3A_606, %select_n3A_601 : vector<8x4096xi1>, vector<8x4096xi32>
    %slice3A_608 = vector.extract_strided_slice %add3A_20 {offsets = [792, 0], sizes = [8, 4096], strides = [1, 1]} : vector<1024x4096xf32> to vector<8x4096xf32>
    %lt3A_609 = arith.cmpf olt, %slice3A_608, %select_n3A_604 : vector<8x4096xf32>
    %select_n3A_610 = arith.select %lt3A_609, %slice3A_608, %select_n3A_604 : vector<8x4096xi1>, vector<8x4096xf32>
    %jit3A_611 = arith.constant 99 : i32
    %broadcast_in_dim3A_612 = vector.broadcast %jit3A_611 : i32 to vector<8x4096xi32>
    %select_n3A_613 = arith.select %lt3A_609, %broadcast_in_dim3A_612, %select_n3A_607 : vector<8x4096xi1>, vector<8x4096xi32>
    %slice3A_614 = vector.extract_strided_slice %add3A_20 {offsets = [800, 0], sizes = [8, 4096], strides = [1, 1]} : vector<1024x4096xf32> to vector<8x4096xf32>
    %lt3A_615 = arith.cmpf olt, %slice3A_614, %select_n3A_610 : vector<8x4096xf32>
    %select_n3A_616 = arith.select %lt3A_615, %slice3A_614, %select_n3A_610 : vector<8x4096xi1>, vector<8x4096xf32>
    %jit3A_617 = arith.constant 100 : i32
    %broadcast_in_dim3A_618 = vector.broadcast %jit3A_617 : i32 to vector<8x4096xi32>
    %select_n3A_619 = arith.select %lt3A_615, %broadcast_in_dim3A_618, %select_n3A_613 : vector<8x4096xi1>, vector<8x4096xi32>
    %slice3A_620 = vector.extract_strided_slice %add3A_20 {offsets = [808, 0], sizes = [8, 4096], strides = [1, 1]} : vector<1024x4096xf32> to vector<8x4096xf32>
    %lt3A_621 = arith.cmpf olt, %slice3A_620, %select_n3A_616 : vector<8x4096xf32>
    %select_n3A_622 = arith.select %lt3A_621, %slice3A_620, %select_n3A_616 : vector<8x4096xi1>, vector<8x4096xf32>
    %jit3A_623 = arith.constant 101 : i32
    %broadcast_in_dim3A_624 = vector.broadcast %jit3A_623 : i32 to vector<8x4096xi32>
    %select_n3A_625 = arith.select %lt3A_621, %broadcast_in_dim3A_624, %select_n3A_619 : vector<8x4096xi1>, vector<8x4096xi32>
    %slice3A_626 = vector.extract_strided_slice %add3A_20 {offsets = [816, 0], sizes = [8, 4096], strides = [1, 1]} : vector<1024x4096xf32> to vector<8x4096xf32>
    %lt3A_627 = arith.cmpf olt, %slice3A_626, %select_n3A_622 : vector<8x4096xf32>
    %select_n3A_628 = arith.select %lt3A_627, %slice3A_626, %select_n3A_622 : vector<8x4096xi1>, vector<8x4096xf32>
    %jit3A_629 = arith.constant 102 : i32
    %broadcast_in_dim3A_630 = vector.broadcast %jit3A_629 : i32 to vector<8x4096xi32>
    %select_n3A_631 = arith.select %lt3A_627, %broadcast_in_dim3A_630, %select_n3A_625 : vector<8x4096xi1>, vector<8x4096xi32>
    %slice3A_632 = vector.extract_strided_slice %add3A_20 {offsets = [824, 0], sizes = [8, 4096], strides = [1, 1]} : vector<1024x4096xf32> to vector<8x4096xf32>
    %lt3A_633 = arith.cmpf olt, %slice3A_632, %select_n3A_628 : vector<8x4096xf32>
    %select_n3A_634 = arith.select %lt3A_633, %slice3A_632, %select_n3A_628 : vector<8x4096xi1>, vector<8x4096xf32>
    %jit3A_635 = arith.constant 103 : i32
    %broadcast_in_dim3A_636 = vector.broadcast %jit3A_635 : i32 to vector<8x4096xi32>
    %select_n3A_637 = arith.select %lt3A_633, %broadcast_in_dim3A_636, %select_n3A_631 : vector<8x4096xi1>, vector<8x4096xi32>
    %slice3A_638 = vector.extract_strided_slice %add3A_20 {offsets = [832, 0], sizes = [8, 4096], strides = [1, 1]} : vector<1024x4096xf32> to vector<8x4096xf32>
    %lt3A_639 = arith.cmpf olt, %slice3A_638, %select_n3A_634 : vector<8x4096xf32>
    %select_n3A_640 = arith.select %lt3A_639, %slice3A_638, %select_n3A_634 : vector<8x4096xi1>, vector<8x4096xf32>
    %jit3A_641 = arith.constant 104 : i32
    %broadcast_in_dim3A_642 = vector.broadcast %jit3A_641 : i32 to vector<8x4096xi32>
    %select_n3A_643 = arith.select %lt3A_639, %broadcast_in_dim3A_642, %select_n3A_637 : vector<8x4096xi1>, vector<8x4096xi32>
    %slice3A_644 = vector.extract_strided_slice %add3A_20 {offsets = [840, 0], sizes = [8, 4096], strides = [1, 1]} : vector<1024x4096xf32> to vector<8x4096xf32>
    %lt3A_645 = arith.cmpf olt, %slice3A_644, %select_n3A_640 : vector<8x4096xf32>
    %select_n3A_646 = arith.select %lt3A_645, %slice3A_644, %select_n3A_640 : vector<8x4096xi1>, vector<8x4096xf32>
    %jit3A_647 = arith.constant 105 : i32
    %broadcast_in_dim3A_648 = vector.broadcast %jit3A_647 : i32 to vector<8x4096xi32>
    %select_n3A_649 = arith.select %lt3A_645, %broadcast_in_dim3A_648, %select_n3A_643 : vector<8x4096xi1>, vector<8x4096xi32>
    %slice3A_650 = vector.extract_strided_slice %add3A_20 {offsets = [848, 0], sizes = [8, 4096], strides = [1, 1]} : vector<1024x4096xf32> to vector<8x4096xf32>
    %lt3A_651 = arith.cmpf olt, %slice3A_650, %select_n3A_646 : vector<8x4096xf32>
    %select_n3A_652 = arith.select %lt3A_651, %slice3A_650, %select_n3A_646 : vector<8x4096xi1>, vector<8x4096xf32>
    %jit3A_653 = arith.constant 106 : i32
    %broadcast_in_dim3A_654 = vector.broadcast %jit3A_653 : i32 to vector<8x4096xi32>
    %select_n3A_655 = arith.select %lt3A_651, %broadcast_in_dim3A_654, %select_n3A_649 : vector<8x4096xi1>, vector<8x4096xi32>
    %slice3A_656 = vector.extract_strided_slice %add3A_20 {offsets = [856, 0], sizes = [8, 4096], strides = [1, 1]} : vector<1024x4096xf32> to vector<8x4096xf32>
    %lt3A_657 = arith.cmpf olt, %slice3A_656, %select_n3A_652 : vector<8x4096xf32>
    %select_n3A_658 = arith.select %lt3A_657, %slice3A_656, %select_n3A_652 : vector<8x4096xi1>, vector<8x4096xf32>
    %jit3A_659 = arith.constant 107 : i32
    %broadcast_in_dim3A_660 = vector.broadcast %jit3A_659 : i32 to vector<8x4096xi32>
    %select_n3A_661 = arith.select %lt3A_657, %broadcast_in_dim3A_660, %select_n3A_655 : vector<8x4096xi1>, vector<8x4096xi32>
    %slice3A_662 = vector.extract_strided_slice %add3A_20 {offsets = [864, 0], sizes = [8, 4096], strides = [1, 1]} : vector<1024x4096xf32> to vector<8x4096xf32>
    %lt3A_663 = arith.cmpf olt, %slice3A_662, %select_n3A_658 : vector<8x4096xf32>
    %select_n3A_664 = arith.select %lt3A_663, %slice3A_662, %select_n3A_658 : vector<8x4096xi1>, vector<8x4096xf32>
    %jit3A_665 = arith.constant 108 : i32
    %broadcast_in_dim3A_666 = vector.broadcast %jit3A_665 : i32 to vector<8x4096xi32>
    %select_n3A_667 = arith.select %lt3A_663, %broadcast_in_dim3A_666, %select_n3A_661 : vector<8x4096xi1>, vector<8x4096xi32>
    %slice3A_668 = vector.extract_strided_slice %add3A_20 {offsets = [872, 0], sizes = [8, 4096], strides = [1, 1]} : vector<1024x4096xf32> to vector<8x4096xf32>
    %lt3A_669 = arith.cmpf olt, %slice3A_668, %select_n3A_664 : vector<8x4096xf32>
    %select_n3A_670 = arith.select %lt3A_669, %slice3A_668, %select_n3A_664 : vector<8x4096xi1>, vector<8x4096xf32>
    %jit3A_671 = arith.constant 109 : i32
    %broadcast_in_dim3A_672 = vector.broadcast %jit3A_671 : i32 to vector<8x4096xi32>
    %select_n3A_673 = arith.select %lt3A_669, %broadcast_in_dim3A_672, %select_n3A_667 : vector<8x4096xi1>, vector<8x4096xi32>
    %slice3A_674 = vector.extract_strided_slice %add3A_20 {offsets = [880, 0], sizes = [8, 4096], strides = [1, 1]} : vector<1024x4096xf32> to vector<8x4096xf32>
    %lt3A_675 = arith.cmpf olt, %slice3A_674, %select_n3A_670 : vector<8x4096xf32>
    %select_n3A_676 = arith.select %lt3A_675, %slice3A_674, %select_n3A_670 : vector<8x4096xi1>, vector<8x4096xf32>
    %jit3A_677 = arith.constant 110 : i32
    %broadcast_in_dim3A_678 = vector.broadcast %jit3A_677 : i32 to vector<8x4096xi32>
    %select_n3A_679 = arith.select %lt3A_675, %broadcast_in_dim3A_678, %select_n3A_673 : vector<8x4096xi1>, vector<8x4096xi32>
    %slice3A_680 = vector.extract_strided_slice %add3A_20 {offsets = [888, 0], sizes = [8, 4096], strides = [1, 1]} : vector<1024x4096xf32> to vector<8x4096xf32>
    %lt3A_681 = arith.cmpf olt, %slice3A_680, %select_n3A_676 : vector<8x4096xf32>
    %select_n3A_682 = arith.select %lt3A_681, %slice3A_680, %select_n3A_676 : vector<8x4096xi1>, vector<8x4096xf32>
    %jit3A_683 = arith.constant 111 : i32
    %broadcast_in_dim3A_684 = vector.broadcast %jit3A_683 : i32 to vector<8x4096xi32>
    %select_n3A_685 = arith.select %lt3A_681, %broadcast_in_dim3A_684, %select_n3A_679 : vector<8x4096xi1>, vector<8x4096xi32>
    %slice3A_686 = vector.extract_strided_slice %add3A_20 {offsets = [896, 0], sizes = [8, 4096], strides = [1, 1]} : vector<1024x4096xf32> to vector<8x4096xf32>
    %lt3A_687 = arith.cmpf olt, %slice3A_686, %select_n3A_682 : vector<8x4096xf32>
    %select_n3A_688 = arith.select %lt3A_687, %slice3A_686, %select_n3A_682 : vector<8x4096xi1>, vector<8x4096xf32>
    %jit3A_689 = arith.constant 112 : i32
    %broadcast_in_dim3A_690 = vector.broadcast %jit3A_689 : i32 to vector<8x4096xi32>
    %select_n3A_691 = arith.select %lt3A_687, %broadcast_in_dim3A_690, %select_n3A_685 : vector<8x4096xi1>, vector<8x4096xi32>
    %slice3A_692 = vector.extract_strided_slice %add3A_20 {offsets = [904, 0], sizes = [8, 4096], strides = [1, 1]} : vector<1024x4096xf32> to vector<8x4096xf32>
    %lt3A_693 = arith.cmpf olt, %slice3A_692, %select_n3A_688 : vector<8x4096xf32>
    %select_n3A_694 = arith.select %lt3A_693, %slice3A_692, %select_n3A_688 : vector<8x4096xi1>, vector<8x4096xf32>
    %jit3A_695 = arith.constant 113 : i32
    %broadcast_in_dim3A_696 = vector.broadcast %jit3A_695 : i32 to vector<8x4096xi32>
    %select_n3A_697 = arith.select %lt3A_693, %broadcast_in_dim3A_696, %select_n3A_691 : vector<8x4096xi1>, vector<8x4096xi32>
    %slice3A_698 = vector.extract_strided_slice %add3A_20 {offsets = [912, 0], sizes = [8, 4096], strides = [1, 1]} : vector<1024x4096xf32> to vector<8x4096xf32>
    %lt3A_699 = arith.cmpf olt, %slice3A_698, %select_n3A_694 : vector<8x4096xf32>
    %select_n3A_700 = arith.select %lt3A_699, %slice3A_698, %select_n3A_694 : vector<8x4096xi1>, vector<8x4096xf32>
    %jit3A_701 = arith.constant 114 : i32
    %broadcast_in_dim3A_702 = vector.broadcast %jit3A_701 : i32 to vector<8x4096xi32>
    %select_n3A_703 = arith.select %lt3A_699, %broadcast_in_dim3A_702, %select_n3A_697 : vector<8x4096xi1>, vector<8x4096xi32>
    %slice3A_704 = vector.extract_strided_slice %add3A_20 {offsets = [920, 0], sizes = [8, 4096], strides = [1, 1]} : vector<1024x4096xf32> to vector<8x4096xf32>
    %lt3A_705 = arith.cmpf olt, %slice3A_704, %select_n3A_700 : vector<8x4096xf32>
    %select_n3A_706 = arith.select %lt3A_705, %slice3A_704, %select_n3A_700 : vector<8x4096xi1>, vector<8x4096xf32>
    %jit3A_707 = arith.constant 115 : i32
    %broadcast_in_dim3A_708 = vector.broadcast %jit3A_707 : i32 to vector<8x4096xi32>
    %select_n3A_709 = arith.select %lt3A_705, %broadcast_in_dim3A_708, %select_n3A_703 : vector<8x4096xi1>, vector<8x4096xi32>
    %slice3A_710 = vector.extract_strided_slice %add3A_20 {offsets = [928, 0], sizes = [8, 4096], strides = [1, 1]} : vector<1024x4096xf32> to vector<8x4096xf32>
    %lt3A_711 = arith.cmpf olt, %slice3A_710, %select_n3A_706 : vector<8x4096xf32>
    %select_n3A_712 = arith.select %lt3A_711, %slice3A_710, %select_n3A_706 : vector<8x4096xi1>, vector<8x4096xf32>
    %jit3A_713 = arith.constant 116 : i32
    %broadcast_in_dim3A_714 = vector.broadcast %jit3A_713 : i32 to vector<8x4096xi32>
    %select_n3A_715 = arith.select %lt3A_711, %broadcast_in_dim3A_714, %select_n3A_709 : vector<8x4096xi1>, vector<8x4096xi32>
    %slice3A_716 = vector.extract_strided_slice %add3A_20 {offsets = [936, 0], sizes = [8, 4096], strides = [1, 1]} : vector<1024x4096xf32> to vector<8x4096xf32>
    %lt3A_717 = arith.cmpf olt, %slice3A_716, %select_n3A_712 : vector<8x4096xf32>
    %select_n3A_718 = arith.select %lt3A_717, %slice3A_716, %select_n3A_712 : vector<8x4096xi1>, vector<8x4096xf32>
    %jit3A_719 = arith.constant 117 : i32
    %broadcast_in_dim3A_720 = vector.broadcast %jit3A_719 : i32 to vector<8x4096xi32>
    %select_n3A_721 = arith.select %lt3A_717, %broadcast_in_dim3A_720, %select_n3A_715 : vector<8x4096xi1>, vector<8x4096xi32>
    %slice3A_722 = vector.extract_strided_slice %add3A_20 {offsets = [944, 0], sizes = [8, 4096], strides = [1, 1]} : vector<1024x4096xf32> to vector<8x4096xf32>
    %lt3A_723 = arith.cmpf olt, %slice3A_722, %select_n3A_718 : vector<8x4096xf32>
    %select_n3A_724 = arith.select %lt3A_723, %slice3A_722, %select_n3A_718 : vector<8x4096xi1>, vector<8x4096xf32>
    %jit3A_725 = arith.constant 118 : i32
    %broadcast_in_dim3A_726 = vector.broadcast %jit3A_725 : i32 to vector<8x4096xi32>
    %select_n3A_727 = arith.select %lt3A_723, %broadcast_in_dim3A_726, %select_n3A_721 : vector<8x4096xi1>, vector<8x4096xi32>
    %slice3A_728 = vector.extract_strided_slice %add3A_20 {offsets = [952, 0], sizes = [8, 4096], strides = [1, 1]} : vector<1024x4096xf32> to vector<8x4096xf32>
    %lt3A_729 = arith.cmpf olt, %slice3A_728, %select_n3A_724 : vector<8x4096xf32>
    %select_n3A_730 = arith.select %lt3A_729, %slice3A_728, %select_n3A_724 : vector<8x4096xi1>, vector<8x4096xf32>
    %jit3A_731 = arith.constant 119 : i32
    %broadcast_in_dim3A_732 = vector.broadcast %jit3A_731 : i32 to vector<8x4096xi32>
    %select_n3A_733 = arith.select %lt3A_729, %broadcast_in_dim3A_732, %select_n3A_727 : vector<8x4096xi1>, vector<8x4096xi32>
    %slice3A_734 = vector.extract_strided_slice %add3A_20 {offsets = [960, 0], sizes = [8, 4096], strides = [1, 1]} : vector<1024x4096xf32> to vector<8x4096xf32>
    %lt3A_735 = arith.cmpf olt, %slice3A_734, %select_n3A_730 : vector<8x4096xf32>
    %select_n3A_736 = arith.select %lt3A_735, %slice3A_734, %select_n3A_730 : vector<8x4096xi1>, vector<8x4096xf32>
    %jit3A_737 = arith.constant 120 : i32
    %broadcast_in_dim3A_738 = vector.broadcast %jit3A_737 : i32 to vector<8x4096xi32>
    %select_n3A_739 = arith.select %lt3A_735, %broadcast_in_dim3A_738, %select_n3A_733 : vector<8x4096xi1>, vector<8x4096xi32>
    %slice3A_740 = vector.extract_strided_slice %add3A_20 {offsets = [968, 0], sizes = [8, 4096], strides = [1, 1]} : vector<1024x4096xf32> to vector<8x4096xf32>
    %lt3A_741 = arith.cmpf olt, %slice3A_740, %select_n3A_736 : vector<8x4096xf32>
    %select_n3A_742 = arith.select %lt3A_741, %slice3A_740, %select_n3A_736 : vector<8x4096xi1>, vector<8x4096xf32>
    %jit3A_743 = arith.constant 121 : i32
    %broadcast_in_dim3A_744 = vector.broadcast %jit3A_743 : i32 to vector<8x4096xi32>
    %select_n3A_745 = arith.select %lt3A_741, %broadcast_in_dim3A_744, %select_n3A_739 : vector<8x4096xi1>, vector<8x4096xi32>
    %slice3A_746 = vector.extract_strided_slice %add3A_20 {offsets = [976, 0], sizes = [8, 4096], strides = [1, 1]} : vector<1024x4096xf32> to vector<8x4096xf32>
    %lt3A_747 = arith.cmpf olt, %slice3A_746, %select_n3A_742 : vector<8x4096xf32>
    %select_n3A_748 = arith.select %lt3A_747, %slice3A_746, %select_n3A_742 : vector<8x4096xi1>, vector<8x4096xf32>
    %jit3A_749 = arith.constant 122 : i32
    %broadcast_in_dim3A_750 = vector.broadcast %jit3A_749 : i32 to vector<8x4096xi32>
    %select_n3A_751 = arith.select %lt3A_747, %broadcast_in_dim3A_750, %select_n3A_745 : vector<8x4096xi1>, vector<8x4096xi32>
    %slice3A_752 = vector.extract_strided_slice %add3A_20 {offsets = [984, 0], sizes = [8, 4096], strides = [1, 1]} : vector<1024x4096xf32> to vector<8x4096xf32>
    %lt3A_753 = arith.cmpf olt, %slice3A_752, %select_n3A_748 : vector<8x4096xf32>
    %select_n3A_754 = arith.select %lt3A_753, %slice3A_752, %select_n3A_748 : vector<8x4096xi1>, vector<8x4096xf32>
    %jit3A_755 = arith.constant 123 : i32
    %broadcast_in_dim3A_756 = vector.broadcast %jit3A_755 : i32 to vector<8x4096xi32>
    %select_n3A_757 = arith.select %lt3A_753, %broadcast_in_dim3A_756, %select_n3A_751 : vector<8x4096xi1>, vector<8x4096xi32>
    %slice3A_758 = vector.extract_strided_slice %add3A_20 {offsets = [992, 0], sizes = [8, 4096], strides = [1, 1]} : vector<1024x4096xf32> to vector<8x4096xf32>
    %lt3A_759 = arith.cmpf olt, %slice3A_758, %select_n3A_754 : vector<8x4096xf32>
    %select_n3A_760 = arith.select %lt3A_759, %slice3A_758, %select_n3A_754 : vector<8x4096xi1>, vector<8x4096xf32>
    %jit3A_761 = arith.constant 124 : i32
    %broadcast_in_dim3A_762 = vector.broadcast %jit3A_761 : i32 to vector<8x4096xi32>
    %select_n3A_763 = arith.select %lt3A_759, %broadcast_in_dim3A_762, %select_n3A_757 : vector<8x4096xi1>, vector<8x4096xi32>
    %slice3A_764 = vector.extract_strided_slice %add3A_20 {offsets = [1000, 0], sizes = [8, 4096], strides = [1, 1]} : vector<1024x4096xf32> to vector<8x4096xf32>
    %lt3A_765 = arith.cmpf olt, %slice3A_764, %select_n3A_760 : vector<8x4096xf32>
    %select_n3A_766 = arith.select %lt3A_765, %slice3A_764, %select_n3A_760 : vector<8x4096xi1>, vector<8x4096xf32>
    %jit3A_767 = arith.constant 125 : i32
    %broadcast_in_dim3A_768 = vector.broadcast %jit3A_767 : i32 to vector<8x4096xi32>
    %select_n3A_769 = arith.select %lt3A_765, %broadcast_in_dim3A_768, %select_n3A_763 : vector<8x4096xi1>, vector<8x4096xi32>
    %slice3A_770 = vector.extract_strided_slice %add3A_20 {offsets = [1008, 0], sizes = [8, 4096], strides = [1, 1]} : vector<1024x4096xf32> to vector<8x4096xf32>
    %lt3A_771 = arith.cmpf olt, %slice3A_770, %select_n3A_766 : vector<8x4096xf32>
    %select_n3A_772 = arith.select %lt3A_771, %slice3A_770, %select_n3A_766 : vector<8x4096xi1>, vector<8x4096xf32>
    %jit3A_773 = arith.constant 126 : i32
    %broadcast_in_dim3A_774 = vector.broadcast %jit3A_773 : i32 to vector<8x4096xi32>
    %select_n3A_775 = arith.select %lt3A_771, %broadcast_in_dim3A_774, %select_n3A_769 : vector<8x4096xi1>, vector<8x4096xi32>
    %slice3A_776 = vector.extract_strided_slice %add3A_20 {offsets = [1016, 0], sizes = [8, 4096], strides = [1, 1]} : vector<1024x4096xf32> to vector<8x4096xf32>
    %lt3A_777 = arith.cmpf olt, %slice3A_776, %select_n3A_772 : vector<8x4096xf32>
    %select_n3A_778 = arith.select %lt3A_777, %slice3A_776, %select_n3A_772 : vector<8x4096xi1>, vector<8x4096xf32>
    %jit3A_779 = arith.constant 127 : i32
    %broadcast_in_dim3A_780 = vector.broadcast %jit3A_779 : i32 to vector<8x4096xi32>
    %select_n3A_781 = arith.select %lt3A_777, %broadcast_in_dim3A_780, %select_n3A_775 : vector<8x4096xi1>, vector<8x4096xi32>
    %mul3A_782 = arith.constant 8 : i32
    %mul3A_783 = vector.broadcast %mul3A_782 : i32 to vector<8x4096xi32>
    %mul3A_784 = arith.muli %select_n3A_781, %mul3A_783 : vector<8x4096xi32>
    %iota3A = tpu.iota {dimensions = array<i32: 0>} : vector<8x4096xi32>
    %add3A_785 = arith.addi %mul3A_784, %iota3A : vector<8x4096xi32>
    %reduce_min3A = arith.constant dense<0x7F800000> : vector<4096xf32>
    %reduce_min3A_786 = vector.multi_reduction <minimumf>, %select_n3A_778, %reduce_min3A [0] : vector<8x4096xf32> to vector<4096xf32>
    %broadcast_in_dim3A_787 = vector.shape_cast %reduce_min3A_786 : vector<4096xf32> to vector<1x4096xf32>
    %eq3A_788 = vector.broadcast %broadcast_in_dim3A_787 : vector<1x4096xf32> to vector<8x4096xf32>
    %eq3A_789 = arith.cmpf oeq, %select_n3A_778, %eq3A_788 : vector<8x4096xf32>
    %jit3A_790 = arith.constant 1024 : i32
    %broadcast_in_dim3A_791 = vector.broadcast %jit3A_790 : i32 to vector<8x4096xi32>
    %select_n3A_792 = arith.select %eq3A_789, %add3A_785, %broadcast_in_dim3A_791 : vector<8x4096xi1>, vector<8x4096xi32>
    %reduce_min3A_793 = arith.constant dense<2147483647> : vector<4096xi32>
    %reduce_min3A_794 = vector.multi_reduction <minsi>, %select_n3A_792, %reduce_min3A_793 [0] : vector<8x4096xi32> to vector<4096xi32>
    %swap3A = arith.constant 0 : index
    %swap3A_795 = arith.constant 0 : index
    %swap3A_796 = arith.constant 0 : index
    %swap3A_797 = vector.load %arg5[%swap3A, %swap3A_795, %swap3A_796] : memref<1x1x4096xi32, #tpu.memory_space<vmem>>, vector<1x1x4096xi32>
    %swap3A_798 = vector.shape_cast %swap3A_797 : vector<1x1x4096xi32> to vector<4096xi32>
    %swap3A_799 = vector.shape_cast %reduce_min3A_794 : vector<4096xi32> to vector<1x1x4096xi32>
    tpu.vector_store %arg5[%swap3A, %swap3A_795, %swap3A_796], %swap3A_799 {strides = array<i32>} : memref<1x1x4096xi32, #tpu.memory_space<vmem>>, vector<1x1x4096xi32>,
    %iota3A_800 = tpu.iota {dimensions = array<i32: 0>} : vector<1024x128xi32>
    %get3A_801 = arith.constant 0 : index
    %get3A_802 = arith.constant 0 : index
    %get3A_803 = vector.load %arg8[%get3A_801, %get3A_802] : memref<1024x128xf32, #tpu.memory_space<vmem>>, vector<1024x128xf32>
    %slice3A_804 = vector.extract_strided_slice %reduce_min3A_794 {offsets = [0], sizes = [128], strides = [1]} : vector<4096xi32> to vector<128xi32>
    %broadcast_in_dim3A_805 = vector.shape_cast %slice3A_804 : vector<128xi32> to vector<1x128xi32>
    %eq3A_806 = vector.broadcast %broadcast_in_dim3A_805 : vector<1x128xi32> to vector<1024x128xi32>
    %eq3A_807 = arith.cmpi eq, %iota3A_800, %eq3A_806 : vector<1024x128xi32>
    %convert_element_type3A_808 = arith.extui %eq3A_807 : vector<1024x128xi1> to vector<1024x128xi32>
    %convert_element_type3A_809 = arith.sitofp %convert_element_type3A_808 : vector<1024x128xi32> to vector<1024x128xf32>
    %add3A_810 = arith.addf %get3A_803, %convert_element_type3A_809 : vector<1024x128xf32>
    %swap3A_811 = arith.constant 0 : index
    %swap3A_812 = arith.constant 0 : index
    %swap3A_813 = vector.load %arg8[%swap3A_811, %swap3A_812] : memref<1024x128xf32, #tpu.memory_space<vmem>>, vector<1024x128xf32>
    tpu.vector_store %arg8[%swap3A_811, %swap3A_812], %add3A_810 {strides = array<i32>} : memref<1024x128xf32, #tpu.memory_space<vmem>>, vector<1024x128xf32>,
    %get3A_814 = arith.constant 0 : index
    %get3A_815 = arith.constant 0 : index
    %get3A_816 = vector.load %arg9[%get3A_814, %get3A_815] : memref<64x128xf32, #tpu.memory_space<vmem>>, vector<64x128xf32>
    %slice3A_817 = vector.extract_strided_slice %get3A_7 {offsets = [0, 0], sizes = [64, 128], strides = [1, 1]} : vector<64x4096xf32> to vector<64x128xf32>
    %add3A_818 = arith.addf %get3A_816, %slice3A_817 : vector<64x128xf32>
    %swap3A_819 = arith.constant 0 : index
    %swap3A_820 = arith.constant 0 : index
    %swap3A_821 = vector.load %arg9[%swap3A_819, %swap3A_820] : memref<64x128xf32, #tpu.memory_space<vmem>>, vector<64x128xf32>
    tpu.vector_store %arg9[%swap3A_819, %swap3A_820], %add3A_818 {strides = array<i32>} : memref<64x128xf32, #tpu.memory_space<vmem>>, vector<64x128xf32>,
    %get3A_822 = arith.constant 0 : index
    %get3A_823 = arith.constant 0 : index
    %get3A_824 = vector.load %arg8[%get3A_822, %get3A_823] : memref<1024x128xf32, #tpu.memory_space<vmem>>, vector<1024x128xf32>
    %slice3A_825 = vector.extract_strided_slice %reduce_min3A_794 {offsets = [128], sizes = [128], strides = [1]} : vector<4096xi32> to vector<128xi32>
    %broadcast_in_dim3A_826 = vector.shape_cast %slice3A_825 : vector<128xi32> to vector<1x128xi32>
    %eq3A_827 = vector.broadcast %broadcast_in_dim3A_826 : vector<1x128xi32> to vector<1024x128xi32>
    %eq3A_828 = arith.cmpi eq, %iota3A_800, %eq3A_827 : vector<1024x128xi32>
    %convert_element_type3A_829 = arith.extui %eq3A_828 : vector<1024x128xi1> to vector<1024x128xi32>
    %convert_element_type3A_830 = arith.sitofp %convert_element_type3A_829 : vector<1024x128xi32> to vector<1024x128xf32>
    %add3A_831 = arith.addf %get3A_824, %convert_element_type3A_830 : vector<1024x128xf32>
    %swap3A_832 = arith.constant 0 : index
    %swap3A_833 = arith.constant 0 : index
    %swap3A_834 = vector.load %arg8[%swap3A_832, %swap3A_833] : memref<1024x128xf32, #tpu.memory_space<vmem>>, vector<1024x128xf32>
    tpu.vector_store %arg8[%swap3A_832, %swap3A_833], %add3A_831 {strides = array<i32>} : memref<1024x128xf32, #tpu.memory_space<vmem>>, vector<1024x128xf32>,
    %get3A_835 = arith.constant 0 : index
    %get3A_836 = arith.constant 0 : index
    %get3A_837 = vector.load %arg9[%get3A_835, %get3A_836] : memref<64x128xf32, #tpu.memory_space<vmem>>, vector<64x128xf32>
    %slice3A_838 = vector.extract_strided_slice %get3A_7 {offsets = [0, 128], sizes = [64, 128], strides = [1, 1]} : vector<64x4096xf32> to vector<64x128xf32>
    %add3A_839 = arith.addf %get3A_837, %slice3A_838 : vector<64x128xf32>
    %swap3A_840 = arith.constant 0 : index
    %swap3A_841 = arith.constant 0 : index
    %swap3A_842 = vector.load %arg9[%swap3A_840, %swap3A_841] : memref<64x128xf32, #tpu.memory_space<vmem>>, vector<64x128xf32>
    tpu.vector_store %arg9[%swap3A_840, %swap3A_841], %add3A_839 {strides = array<i32>} : memref<64x128xf32, #tpu.memory_space<vmem>>, vector<64x128xf32>,
    %get3A_843 = arith.constant 0 : index
    %get3A_844 = arith.constant 0 : index
    %get3A_845 = vector.load %arg8[%get3A_843, %get3A_844] : memref<1024x128xf32, #tpu.memory_space<vmem>>, vector<1024x128xf32>
    %slice3A_846 = vector.extract_strided_slice %reduce_min3A_794 {offsets = [256], sizes = [128], strides = [1]} : vector<4096xi32> to vector<128xi32>
    %broadcast_in_dim3A_847 = vector.shape_cast %slice3A_846 : vector<128xi32> to vector<1x128xi32>
    %eq3A_848 = vector.broadcast %broadcast_in_dim3A_847 : vector<1x128xi32> to vector<1024x128xi32>
    %eq3A_849 = arith.cmpi eq, %iota3A_800, %eq3A_848 : vector<1024x128xi32>
    %convert_element_type3A_850 = arith.extui %eq3A_849 : vector<1024x128xi1> to vector<1024x128xi32>
    %convert_element_type3A_851 = arith.sitofp %convert_element_type3A_850 : vector<1024x128xi32> to vector<1024x128xf32>
    %add3A_852 = arith.addf %get3A_845, %convert_element_type3A_851 : vector<1024x128xf32>
    %swap3A_853 = arith.constant 0 : index
    %swap3A_854 = arith.constant 0 : index
    %swap3A_855 = vector.load %arg8[%swap3A_853, %swap3A_854] : memref<1024x128xf32, #tpu.memory_space<vmem>>, vector<1024x128xf32>
    tpu.vector_store %arg8[%swap3A_853, %swap3A_854], %add3A_852 {strides = array<i32>} : memref<1024x128xf32, #tpu.memory_space<vmem>>, vector<1024x128xf32>,
    %get3A_856 = arith.constant 0 : index
    %get3A_857 = arith.constant 0 : index
    %get3A_858 = vector.load %arg9[%get3A_856, %get3A_857] : memref<64x128xf32, #tpu.memory_space<vmem>>, vector<64x128xf32>
    %slice3A_859 = vector.extract_strided_slice %get3A_7 {offsets = [0, 256], sizes = [64, 128], strides = [1, 1]} : vector<64x4096xf32> to vector<64x128xf32>
    %add3A_860 = arith.addf %get3A_858, %slice3A_859 : vector<64x128xf32>
    %swap3A_861 = arith.constant 0 : index
    %swap3A_862 = arith.constant 0 : index
    %swap3A_863 = vector.load %arg9[%swap3A_861, %swap3A_862] : memref<64x128xf32, #tpu.memory_space<vmem>>, vector<64x128xf32>
    tpu.vector_store %arg9[%swap3A_861, %swap3A_862], %add3A_860 {strides = array<i32>} : memref<64x128xf32, #tpu.memory_space<vmem>>, vector<64x128xf32>,
    %get3A_864 = arith.constant 0 : index
    %get3A_865 = arith.constant 0 : index
    %get3A_866 = vector.load %arg8[%get3A_864, %get3A_865] : memref<1024x128xf32, #tpu.memory_space<vmem>>, vector<1024x128xf32>
    %slice3A_867 = vector.extract_strided_slice %reduce_min3A_794 {offsets = [384], sizes = [128], strides = [1]} : vector<4096xi32> to vector<128xi32>
    %broadcast_in_dim3A_868 = vector.shape_cast %slice3A_867 : vector<128xi32> to vector<1x128xi32>
    %eq3A_869 = vector.broadcast %broadcast_in_dim3A_868 : vector<1x128xi32> to vector<1024x128xi32>
    %eq3A_870 = arith.cmpi eq, %iota3A_800, %eq3A_869 : vector<1024x128xi32>
    %convert_element_type3A_871 = arith.extui %eq3A_870 : vector<1024x128xi1> to vector<1024x128xi32>
    %convert_element_type3A_872 = arith.sitofp %convert_element_type3A_871 : vector<1024x128xi32> to vector<1024x128xf32>
    %add3A_873 = arith.addf %get3A_866, %convert_element_type3A_872 : vector<1024x128xf32>
    %swap3A_874 = arith.constant 0 : index
    %swap3A_875 = arith.constant 0 : index
    %swap3A_876 = vector.load %arg8[%swap3A_874, %swap3A_875] : memref<1024x128xf32, #tpu.memory_space<vmem>>, vector<1024x128xf32>
    tpu.vector_store %arg8[%swap3A_874, %swap3A_875], %add3A_873 {strides = array<i32>} : memref<1024x128xf32, #tpu.memory_space<vmem>>, vector<1024x128xf32>,
    %get3A_877 = arith.constant 0 : index
    %get3A_878 = arith.constant 0 : index
    %get3A_879 = vector.load %arg9[%get3A_877, %get3A_878] : memref<64x128xf32, #tpu.memory_space<vmem>>, vector<64x128xf32>
    %slice3A_880 = vector.extract_strided_slice %get3A_7 {offsets = [0, 384], sizes = [64, 128], strides = [1, 1]} : vector<64x4096xf32> to vector<64x128xf32>
    %add3A_881 = arith.addf %get3A_879, %slice3A_880 : vector<64x128xf32>
    %swap3A_882 = arith.constant 0 : index
    %swap3A_883 = arith.constant 0 : index
    %swap3A_884 = vector.load %arg9[%swap3A_882, %swap3A_883] : memref<64x128xf32, #tpu.memory_space<vmem>>, vector<64x128xf32>
    tpu.vector_store %arg9[%swap3A_882, %swap3A_883], %add3A_881 {strides = array<i32>} : memref<64x128xf32, #tpu.memory_space<vmem>>, vector<64x128xf32>,
    %get3A_885 = arith.constant 0 : index
    %get3A_886 = arith.constant 0 : index
    %get3A_887 = vector.load %arg8[%get3A_885, %get3A_886] : memref<1024x128xf32, #tpu.memory_space<vmem>>, vector<1024x128xf32>
    %slice3A_888 = vector.extract_strided_slice %reduce_min3A_794 {offsets = [512], sizes = [128], strides = [1]} : vector<4096xi32> to vector<128xi32>
    %broadcast_in_dim3A_889 = vector.shape_cast %slice3A_888 : vector<128xi32> to vector<1x128xi32>
    %eq3A_890 = vector.broadcast %broadcast_in_dim3A_889 : vector<1x128xi32> to vector<1024x128xi32>
    %eq3A_891 = arith.cmpi eq, %iota3A_800, %eq3A_890 : vector<1024x128xi32>
    %convert_element_type3A_892 = arith.extui %eq3A_891 : vector<1024x128xi1> to vector<1024x128xi32>
    %convert_element_type3A_893 = arith.sitofp %convert_element_type3A_892 : vector<1024x128xi32> to vector<1024x128xf32>
    %add3A_894 = arith.addf %get3A_887, %convert_element_type3A_893 : vector<1024x128xf32>
    %swap3A_895 = arith.constant 0 : index
    %swap3A_896 = arith.constant 0 : index
    %swap3A_897 = vector.load %arg8[%swap3A_895, %swap3A_896] : memref<1024x128xf32, #tpu.memory_space<vmem>>, vector<1024x128xf32>
    tpu.vector_store %arg8[%swap3A_895, %swap3A_896], %add3A_894 {strides = array<i32>} : memref<1024x128xf32, #tpu.memory_space<vmem>>, vector<1024x128xf32>,
    %get3A_898 = arith.constant 0 : index
    %get3A_899 = arith.constant 0 : index
    %get3A_900 = vector.load %arg9[%get3A_898, %get3A_899] : memref<64x128xf32, #tpu.memory_space<vmem>>, vector<64x128xf32>
    %slice3A_901 = vector.extract_strided_slice %get3A_7 {offsets = [0, 512], sizes = [64, 128], strides = [1, 1]} : vector<64x4096xf32> to vector<64x128xf32>
    %add3A_902 = arith.addf %get3A_900, %slice3A_901 : vector<64x128xf32>
    %swap3A_903 = arith.constant 0 : index
    %swap3A_904 = arith.constant 0 : index
    %swap3A_905 = vector.load %arg9[%swap3A_903, %swap3A_904] : memref<64x128xf32, #tpu.memory_space<vmem>>, vector<64x128xf32>
    tpu.vector_store %arg9[%swap3A_903, %swap3A_904], %add3A_902 {strides = array<i32>} : memref<64x128xf32, #tpu.memory_space<vmem>>, vector<64x128xf32>,
    %get3A_906 = arith.constant 0 : index
    %get3A_907 = arith.constant 0 : index
    %get3A_908 = vector.load %arg8[%get3A_906, %get3A_907] : memref<1024x128xf32, #tpu.memory_space<vmem>>, vector<1024x128xf32>
    %slice3A_909 = vector.extract_strided_slice %reduce_min3A_794 {offsets = [640], sizes = [128], strides = [1]} : vector<4096xi32> to vector<128xi32>
    %broadcast_in_dim3A_910 = vector.shape_cast %slice3A_909 : vector<128xi32> to vector<1x128xi32>
    %eq3A_911 = vector.broadcast %broadcast_in_dim3A_910 : vector<1x128xi32> to vector<1024x128xi32>
    %eq3A_912 = arith.cmpi eq, %iota3A_800, %eq3A_911 : vector<1024x128xi32>
    %convert_element_type3A_913 = arith.extui %eq3A_912 : vector<1024x128xi1> to vector<1024x128xi32>
    %convert_element_type3A_914 = arith.sitofp %convert_element_type3A_913 : vector<1024x128xi32> to vector<1024x128xf32>
    %add3A_915 = arith.addf %get3A_908, %convert_element_type3A_914 : vector<1024x128xf32>
    %swap3A_916 = arith.constant 0 : index
    %swap3A_917 = arith.constant 0 : index
    %swap3A_918 = vector.load %arg8[%swap3A_916, %swap3A_917] : memref<1024x128xf32, #tpu.memory_space<vmem>>, vector<1024x128xf32>
    tpu.vector_store %arg8[%swap3A_916, %swap3A_917], %add3A_915 {strides = array<i32>} : memref<1024x128xf32, #tpu.memory_space<vmem>>, vector<1024x128xf32>,
    %get3A_919 = arith.constant 0 : index
    %get3A_920 = arith.constant 0 : index
    %get3A_921 = vector.load %arg9[%get3A_919, %get3A_920] : memref<64x128xf32, #tpu.memory_space<vmem>>, vector<64x128xf32>
    %slice3A_922 = vector.extract_strided_slice %get3A_7 {offsets = [0, 640], sizes = [64, 128], strides = [1, 1]} : vector<64x4096xf32> to vector<64x128xf32>
    %add3A_923 = arith.addf %get3A_921, %slice3A_922 : vector<64x128xf32>
    %swap3A_924 = arith.constant 0 : index
    %swap3A_925 = arith.constant 0 : index
    %swap3A_926 = vector.load %arg9[%swap3A_924, %swap3A_925] : memref<64x128xf32, #tpu.memory_space<vmem>>, vector<64x128xf32>
    tpu.vector_store %arg9[%swap3A_924, %swap3A_925], %add3A_923 {strides = array<i32>} : memref<64x128xf32, #tpu.memory_space<vmem>>, vector<64x128xf32>,
    %get3A_927 = arith.constant 0 : index
    %get3A_928 = arith.constant 0 : index
    %get3A_929 = vector.load %arg8[%get3A_927, %get3A_928] : memref<1024x128xf32, #tpu.memory_space<vmem>>, vector<1024x128xf32>
    %slice3A_930 = vector.extract_strided_slice %reduce_min3A_794 {offsets = [768], sizes = [128], strides = [1]} : vector<4096xi32> to vector<128xi32>
    %broadcast_in_dim3A_931 = vector.shape_cast %slice3A_930 : vector<128xi32> to vector<1x128xi32>
    %eq3A_932 = vector.broadcast %broadcast_in_dim3A_931 : vector<1x128xi32> to vector<1024x128xi32>
    %eq3A_933 = arith.cmpi eq, %iota3A_800, %eq3A_932 : vector<1024x128xi32>
    %convert_element_type3A_934 = arith.extui %eq3A_933 : vector<1024x128xi1> to vector<1024x128xi32>
    %convert_element_type3A_935 = arith.sitofp %convert_element_type3A_934 : vector<1024x128xi32> to vector<1024x128xf32>
    %add3A_936 = arith.addf %get3A_929, %convert_element_type3A_935 : vector<1024x128xf32>
    %swap3A_937 = arith.constant 0 : index
    %swap3A_938 = arith.constant 0 : index
    %swap3A_939 = vector.load %arg8[%swap3A_937, %swap3A_938] : memref<1024x128xf32, #tpu.memory_space<vmem>>, vector<1024x128xf32>
    tpu.vector_store %arg8[%swap3A_937, %swap3A_938], %add3A_936 {strides = array<i32>} : memref<1024x128xf32, #tpu.memory_space<vmem>>, vector<1024x128xf32>,
    %get3A_940 = arith.constant 0 : index
    %get3A_941 = arith.constant 0 : index
    %get3A_942 = vector.load %arg9[%get3A_940, %get3A_941] : memref<64x128xf32, #tpu.memory_space<vmem>>, vector<64x128xf32>
    %slice3A_943 = vector.extract_strided_slice %get3A_7 {offsets = [0, 768], sizes = [64, 128], strides = [1, 1]} : vector<64x4096xf32> to vector<64x128xf32>
    %add3A_944 = arith.addf %get3A_942, %slice3A_943 : vector<64x128xf32>
    %swap3A_945 = arith.constant 0 : index
    %swap3A_946 = arith.constant 0 : index
    %swap3A_947 = vector.load %arg9[%swap3A_945, %swap3A_946] : memref<64x128xf32, #tpu.memory_space<vmem>>, vector<64x128xf32>
    tpu.vector_store %arg9[%swap3A_945, %swap3A_946], %add3A_944 {strides = array<i32>} : memref<64x128xf32, #tpu.memory_space<vmem>>, vector<64x128xf32>,
    %get3A_948 = arith.constant 0 : index
    %get3A_949 = arith.constant 0 : index
    %get3A_950 = vector.load %arg8[%get3A_948, %get3A_949] : memref<1024x128xf32, #tpu.memory_space<vmem>>, vector<1024x128xf32>
    %slice3A_951 = vector.extract_strided_slice %reduce_min3A_794 {offsets = [896], sizes = [128], strides = [1]} : vector<4096xi32> to vector<128xi32>
    %broadcast_in_dim3A_952 = vector.shape_cast %slice3A_951 : vector<128xi32> to vector<1x128xi32>
    %eq3A_953 = vector.broadcast %broadcast_in_dim3A_952 : vector<1x128xi32> to vector<1024x128xi32>
    %eq3A_954 = arith.cmpi eq, %iota3A_800, %eq3A_953 : vector<1024x128xi32>
    %convert_element_type3A_955 = arith.extui %eq3A_954 : vector<1024x128xi1> to vector<1024x128xi32>
    %convert_element_type3A_956 = arith.sitofp %convert_element_type3A_955 : vector<1024x128xi32> to vector<1024x128xf32>
    %add3A_957 = arith.addf %get3A_950, %convert_element_type3A_956 : vector<1024x128xf32>
    %swap3A_958 = arith.constant 0 : index
    %swap3A_959 = arith.constant 0 : index
    %swap3A_960 = vector.load %arg8[%swap3A_958, %swap3A_959] : memref<1024x128xf32, #tpu.memory_space<vmem>>, vector<1024x128xf32>
    tpu.vector_store %arg8[%swap3A_958, %swap3A_959], %add3A_957 {strides = array<i32>} : memref<1024x128xf32, #tpu.memory_space<vmem>>, vector<1024x128xf32>,
    %get3A_961 = arith.constant 0 : index
    %get3A_962 = arith.constant 0 : index
    %get3A_963 = vector.load %arg9[%get3A_961, %get3A_962] : memref<64x128xf32, #tpu.memory_space<vmem>>, vector<64x128xf32>
    %slice3A_964 = vector.extract_strided_slice %get3A_7 {offsets = [0, 896], sizes = [64, 128], strides = [1, 1]} : vector<64x4096xf32> to vector<64x128xf32>
    %add3A_965 = arith.addf %get3A_963, %slice3A_964 : vector<64x128xf32>
    %swap3A_966 = arith.constant 0 : index
    %swap3A_967 = arith.constant 0 : index
    %swap3A_968 = vector.load %arg9[%swap3A_966, %swap3A_967] : memref<64x128xf32, #tpu.memory_space<vmem>>, vector<64x128xf32>
    tpu.vector_store %arg9[%swap3A_966, %swap3A_967], %add3A_965 {strides = array<i32>} : memref<64x128xf32, #tpu.memory_space<vmem>>, vector<64x128xf32>,
    %get3A_969 = arith.constant 0 : index
    %get3A_970 = arith.constant 0 : index
    %get3A_971 = vector.load %arg8[%get3A_969, %get3A_970] : memref<1024x128xf32, #tpu.memory_space<vmem>>, vector<1024x128xf32>
    %slice3A_972 = vector.extract_strided_slice %reduce_min3A_794 {offsets = [1024], sizes = [128], strides = [1]} : vector<4096xi32> to vector<128xi32>
    %broadcast_in_dim3A_973 = vector.shape_cast %slice3A_972 : vector<128xi32> to vector<1x128xi32>
    %eq3A_974 = vector.broadcast %broadcast_in_dim3A_973 : vector<1x128xi32> to vector<1024x128xi32>
    %eq3A_975 = arith.cmpi eq, %iota3A_800, %eq3A_974 : vector<1024x128xi32>
    %convert_element_type3A_976 = arith.extui %eq3A_975 : vector<1024x128xi1> to vector<1024x128xi32>
    %convert_element_type3A_977 = arith.sitofp %convert_element_type3A_976 : vector<1024x128xi32> to vector<1024x128xf32>
    %add3A_978 = arith.addf %get3A_971, %convert_element_type3A_977 : vector<1024x128xf32>
    %swap3A_979 = arith.constant 0 : index
    %swap3A_980 = arith.constant 0 : index
    %swap3A_981 = vector.load %arg8[%swap3A_979, %swap3A_980] : memref<1024x128xf32, #tpu.memory_space<vmem>>, vector<1024x128xf32>
    tpu.vector_store %arg8[%swap3A_979, %swap3A_980], %add3A_978 {strides = array<i32>} : memref<1024x128xf32, #tpu.memory_space<vmem>>, vector<1024x128xf32>,
    %get3A_982 = arith.constant 0 : index
    %get3A_983 = arith.constant 0 : index
    %get3A_984 = vector.load %arg9[%get3A_982, %get3A_983] : memref<64x128xf32, #tpu.memory_space<vmem>>, vector<64x128xf32>
    %slice3A_985 = vector.extract_strided_slice %get3A_7 {offsets = [0, 1024], sizes = [64, 128], strides = [1, 1]} : vector<64x4096xf32> to vector<64x128xf32>
    %add3A_986 = arith.addf %get3A_984, %slice3A_985 : vector<64x128xf32>
    %swap3A_987 = arith.constant 0 : index
    %swap3A_988 = arith.constant 0 : index
    %swap3A_989 = vector.load %arg9[%swap3A_987, %swap3A_988] : memref<64x128xf32, #tpu.memory_space<vmem>>, vector<64x128xf32>
    tpu.vector_store %arg9[%swap3A_987, %swap3A_988], %add3A_986 {strides = array<i32>} : memref<64x128xf32, #tpu.memory_space<vmem>>, vector<64x128xf32>,
    %get3A_990 = arith.constant 0 : index
    %get3A_991 = arith.constant 0 : index
    %get3A_992 = vector.load %arg8[%get3A_990, %get3A_991] : memref<1024x128xf32, #tpu.memory_space<vmem>>, vector<1024x128xf32>
    %slice3A_993 = vector.extract_strided_slice %reduce_min3A_794 {offsets = [1152], sizes = [128], strides = [1]} : vector<4096xi32> to vector<128xi32>
    %broadcast_in_dim3A_994 = vector.shape_cast %slice3A_993 : vector<128xi32> to vector<1x128xi32>
    %eq3A_995 = vector.broadcast %broadcast_in_dim3A_994 : vector<1x128xi32> to vector<1024x128xi32>
    %eq3A_996 = arith.cmpi eq, %iota3A_800, %eq3A_995 : vector<1024x128xi32>
    %convert_element_type3A_997 = arith.extui %eq3A_996 : vector<1024x128xi1> to vector<1024x128xi32>
    %convert_element_type3A_998 = arith.sitofp %convert_element_type3A_997 : vector<1024x128xi32> to vector<1024x128xf32>
    %add3A_999 = arith.addf %get3A_992, %convert_element_type3A_998 : vector<1024x128xf32>
    %swap3A_1000 = arith.constant 0 : index
    %swap3A_1001 = arith.constant 0 : index
    %swap3A_1002 = vector.load %arg8[%swap3A_1000, %swap3A_1001] : memref<1024x128xf32, #tpu.memory_space<vmem>>, vector<1024x128xf32>
    tpu.vector_store %arg8[%swap3A_1000, %swap3A_1001], %add3A_999 {strides = array<i32>} : memref<1024x128xf32, #tpu.memory_space<vmem>>, vector<1024x128xf32>,
    %get3A_1003 = arith.constant 0 : index
    %get3A_1004 = arith.constant 0 : index
    %get3A_1005 = vector.load %arg9[%get3A_1003, %get3A_1004] : memref<64x128xf32, #tpu.memory_space<vmem>>, vector<64x128xf32>
    %slice3A_1006 = vector.extract_strided_slice %get3A_7 {offsets = [0, 1152], sizes = [64, 128], strides = [1, 1]} : vector<64x4096xf32> to vector<64x128xf32>
    %add3A_1007 = arith.addf %get3A_1005, %slice3A_1006 : vector<64x128xf32>
    %swap3A_1008 = arith.constant 0 : index
    %swap3A_1009 = arith.constant 0 : index
    %swap3A_1010 = vector.load %arg9[%swap3A_1008, %swap3A_1009] : memref<64x128xf32, #tpu.memory_space<vmem>>, vector<64x128xf32>
    tpu.vector_store %arg9[%swap3A_1008, %swap3A_1009], %add3A_1007 {strides = array<i32>} : memref<64x128xf32, #tpu.memory_space<vmem>>, vector<64x128xf32>,
    %get3A_1011 = arith.constant 0 : index
    %get3A_1012 = arith.constant 0 : index
    %get3A_1013 = vector.load %arg8[%get3A_1011, %get3A_1012] : memref<1024x128xf32, #tpu.memory_space<vmem>>, vector<1024x128xf32>
    %slice3A_1014 = vector.extract_strided_slice %reduce_min3A_794 {offsets = [1280], sizes = [128], strides = [1]} : vector<4096xi32> to vector<128xi32>
    %broadcast_in_dim3A_1015 = vector.shape_cast %slice3A_1014 : vector<128xi32> to vector<1x128xi32>
    %eq3A_1016 = vector.broadcast %broadcast_in_dim3A_1015 : vector<1x128xi32> to vector<1024x128xi32>
    %eq3A_1017 = arith.cmpi eq, %iota3A_800, %eq3A_1016 : vector<1024x128xi32>
    %convert_element_type3A_1018 = arith.extui %eq3A_1017 : vector<1024x128xi1> to vector<1024x128xi32>
    %convert_element_type3A_1019 = arith.sitofp %convert_element_type3A_1018 : vector<1024x128xi32> to vector<1024x128xf32>
    %add3A_1020 = arith.addf %get3A_1013, %convert_element_type3A_1019 : vector<1024x128xf32>
    %swap3A_1021 = arith.constant 0 : index
    %swap3A_1022 = arith.constant 0 : index
    %swap3A_1023 = vector.load %arg8[%swap3A_1021, %swap3A_1022] : memref<1024x128xf32, #tpu.memory_space<vmem>>, vector<1024x128xf32>
    tpu.vector_store %arg8[%swap3A_1021, %swap3A_1022], %add3A_1020 {strides = array<i32>} : memref<1024x128xf32, #tpu.memory_space<vmem>>, vector<1024x128xf32>,
    %get3A_1024 = arith.constant 0 : index
    %get3A_1025 = arith.constant 0 : index
    %get3A_1026 = vector.load %arg9[%get3A_1024, %get3A_1025] : memref<64x128xf32, #tpu.memory_space<vmem>>, vector<64x128xf32>
    %slice3A_1027 = vector.extract_strided_slice %get3A_7 {offsets = [0, 1280], sizes = [64, 128], strides = [1, 1]} : vector<64x4096xf32> to vector<64x128xf32>
    %add3A_1028 = arith.addf %get3A_1026, %slice3A_1027 : vector<64x128xf32>
    %swap3A_1029 = arith.constant 0 : index
    %swap3A_1030 = arith.constant 0 : index
    %swap3A_1031 = vector.load %arg9[%swap3A_1029, %swap3A_1030] : memref<64x128xf32, #tpu.memory_space<vmem>>, vector<64x128xf32>
    tpu.vector_store %arg9[%swap3A_1029, %swap3A_1030], %add3A_1028 {strides = array<i32>} : memref<64x128xf32, #tpu.memory_space<vmem>>, vector<64x128xf32>,
    %get3A_1032 = arith.constant 0 : index
    %get3A_1033 = arith.constant 0 : index
    %get3A_1034 = vector.load %arg8[%get3A_1032, %get3A_1033] : memref<1024x128xf32, #tpu.memory_space<vmem>>, vector<1024x128xf32>
    %slice3A_1035 = vector.extract_strided_slice %reduce_min3A_794 {offsets = [1408], sizes = [128], strides = [1]} : vector<4096xi32> to vector<128xi32>
    %broadcast_in_dim3A_1036 = vector.shape_cast %slice3A_1035 : vector<128xi32> to vector<1x128xi32>
    %eq3A_1037 = vector.broadcast %broadcast_in_dim3A_1036 : vector<1x128xi32> to vector<1024x128xi32>
    %eq3A_1038 = arith.cmpi eq, %iota3A_800, %eq3A_1037 : vector<1024x128xi32>
    %convert_element_type3A_1039 = arith.extui %eq3A_1038 : vector<1024x128xi1> to vector<1024x128xi32>
    %convert_element_type3A_1040 = arith.sitofp %convert_element_type3A_1039 : vector<1024x128xi32> to vector<1024x128xf32>
    %add3A_1041 = arith.addf %get3A_1034, %convert_element_type3A_1040 : vector<1024x128xf32>
    %swap3A_1042 = arith.constant 0 : index
    %swap3A_1043 = arith.constant 0 : index
    %swap3A_1044 = vector.load %arg8[%swap3A_1042, %swap3A_1043] : memref<1024x128xf32, #tpu.memory_space<vmem>>, vector<1024x128xf32>
    tpu.vector_store %arg8[%swap3A_1042, %swap3A_1043], %add3A_1041 {strides = array<i32>} : memref<1024x128xf32, #tpu.memory_space<vmem>>, vector<1024x128xf32>,
    %get3A_1045 = arith.constant 0 : index
    %get3A_1046 = arith.constant 0 : index
    %get3A_1047 = vector.load %arg9[%get3A_1045, %get3A_1046] : memref<64x128xf32, #tpu.memory_space<vmem>>, vector<64x128xf32>
    %slice3A_1048 = vector.extract_strided_slice %get3A_7 {offsets = [0, 1408], sizes = [64, 128], strides = [1, 1]} : vector<64x4096xf32> to vector<64x128xf32>
    %add3A_1049 = arith.addf %get3A_1047, %slice3A_1048 : vector<64x128xf32>
    %swap3A_1050 = arith.constant 0 : index
    %swap3A_1051 = arith.constant 0 : index
    %swap3A_1052 = vector.load %arg9[%swap3A_1050, %swap3A_1051] : memref<64x128xf32, #tpu.memory_space<vmem>>, vector<64x128xf32>
    tpu.vector_store %arg9[%swap3A_1050, %swap3A_1051], %add3A_1049 {strides = array<i32>} : memref<64x128xf32, #tpu.memory_space<vmem>>, vector<64x128xf32>,
    %get3A_1053 = arith.constant 0 : index
    %get3A_1054 = arith.constant 0 : index
    %get3A_1055 = vector.load %arg8[%get3A_1053, %get3A_1054] : memref<1024x128xf32, #tpu.memory_space<vmem>>, vector<1024x128xf32>
    %slice3A_1056 = vector.extract_strided_slice %reduce_min3A_794 {offsets = [1536], sizes = [128], strides = [1]} : vector<4096xi32> to vector<128xi32>
    %broadcast_in_dim3A_1057 = vector.shape_cast %slice3A_1056 : vector<128xi32> to vector<1x128xi32>
    %eq3A_1058 = vector.broadcast %broadcast_in_dim3A_1057 : vector<1x128xi32> to vector<1024x128xi32>
    %eq3A_1059 = arith.cmpi eq, %iota3A_800, %eq3A_1058 : vector<1024x128xi32>
    %convert_element_type3A_1060 = arith.extui %eq3A_1059 : vector<1024x128xi1> to vector<1024x128xi32>
    %convert_element_type3A_1061 = arith.sitofp %convert_element_type3A_1060 : vector<1024x128xi32> to vector<1024x128xf32>
    %add3A_1062 = arith.addf %get3A_1055, %convert_element_type3A_1061 : vector<1024x128xf32>
    %swap3A_1063 = arith.constant 0 : index
    %swap3A_1064 = arith.constant 0 : index
    %swap3A_1065 = vector.load %arg8[%swap3A_1063, %swap3A_1064] : memref<1024x128xf32, #tpu.memory_space<vmem>>, vector<1024x128xf32>
    tpu.vector_store %arg8[%swap3A_1063, %swap3A_1064], %add3A_1062 {strides = array<i32>} : memref<1024x128xf32, #tpu.memory_space<vmem>>, vector<1024x128xf32>,
    %get3A_1066 = arith.constant 0 : index
    %get3A_1067 = arith.constant 0 : index
    %get3A_1068 = vector.load %arg9[%get3A_1066, %get3A_1067] : memref<64x128xf32, #tpu.memory_space<vmem>>, vector<64x128xf32>
    %slice3A_1069 = vector.extract_strided_slice %get3A_7 {offsets = [0, 1536], sizes = [64, 128], strides = [1, 1]} : vector<64x4096xf32> to vector<64x128xf32>
    %add3A_1070 = arith.addf %get3A_1068, %slice3A_1069 : vector<64x128xf32>
    %swap3A_1071 = arith.constant 0 : index
    %swap3A_1072 = arith.constant 0 : index
    %swap3A_1073 = vector.load %arg9[%swap3A_1071, %swap3A_1072] : memref<64x128xf32, #tpu.memory_space<vmem>>, vector<64x128xf32>
    tpu.vector_store %arg9[%swap3A_1071, %swap3A_1072], %add3A_1070 {strides = array<i32>} : memref<64x128xf32, #tpu.memory_space<vmem>>, vector<64x128xf32>,
    %get3A_1074 = arith.constant 0 : index
    %get3A_1075 = arith.constant 0 : index
    %get3A_1076 = vector.load %arg8[%get3A_1074, %get3A_1075] : memref<1024x128xf32, #tpu.memory_space<vmem>>, vector<1024x128xf32>
    %slice3A_1077 = vector.extract_strided_slice %reduce_min3A_794 {offsets = [1664], sizes = [128], strides = [1]} : vector<4096xi32> to vector<128xi32>
    %broadcast_in_dim3A_1078 = vector.shape_cast %slice3A_1077 : vector<128xi32> to vector<1x128xi32>
    %eq3A_1079 = vector.broadcast %broadcast_in_dim3A_1078 : vector<1x128xi32> to vector<1024x128xi32>
    %eq3A_1080 = arith.cmpi eq, %iota3A_800, %eq3A_1079 : vector<1024x128xi32>
    %convert_element_type3A_1081 = arith.extui %eq3A_1080 : vector<1024x128xi1> to vector<1024x128xi32>
    %convert_element_type3A_1082 = arith.sitofp %convert_element_type3A_1081 : vector<1024x128xi32> to vector<1024x128xf32>
    %add3A_1083 = arith.addf %get3A_1076, %convert_element_type3A_1082 : vector<1024x128xf32>
    %swap3A_1084 = arith.constant 0 : index
    %swap3A_1085 = arith.constant 0 : index
    %swap3A_1086 = vector.load %arg8[%swap3A_1084, %swap3A_1085] : memref<1024x128xf32, #tpu.memory_space<vmem>>, vector<1024x128xf32>
    tpu.vector_store %arg8[%swap3A_1084, %swap3A_1085], %add3A_1083 {strides = array<i32>} : memref<1024x128xf32, #tpu.memory_space<vmem>>, vector<1024x128xf32>,
    %get3A_1087 = arith.constant 0 : index
    %get3A_1088 = arith.constant 0 : index
    %get3A_1089 = vector.load %arg9[%get3A_1087, %get3A_1088] : memref<64x128xf32, #tpu.memory_space<vmem>>, vector<64x128xf32>
    %slice3A_1090 = vector.extract_strided_slice %get3A_7 {offsets = [0, 1664], sizes = [64, 128], strides = [1, 1]} : vector<64x4096xf32> to vector<64x128xf32>
    %add3A_1091 = arith.addf %get3A_1089, %slice3A_1090 : vector<64x128xf32>
    %swap3A_1092 = arith.constant 0 : index
    %swap3A_1093 = arith.constant 0 : index
    %swap3A_1094 = vector.load %arg9[%swap3A_1092, %swap3A_1093] : memref<64x128xf32, #tpu.memory_space<vmem>>, vector<64x128xf32>
    tpu.vector_store %arg9[%swap3A_1092, %swap3A_1093], %add3A_1091 {strides = array<i32>} : memref<64x128xf32, #tpu.memory_space<vmem>>, vector<64x128xf32>,
    %get3A_1095 = arith.constant 0 : index
    %get3A_1096 = arith.constant 0 : index
    %get3A_1097 = vector.load %arg8[%get3A_1095, %get3A_1096] : memref<1024x128xf32, #tpu.memory_space<vmem>>, vector<1024x128xf32>
    %slice3A_1098 = vector.extract_strided_slice %reduce_min3A_794 {offsets = [1792], sizes = [128], strides = [1]} : vector<4096xi32> to vector<128xi32>
    %broadcast_in_dim3A_1099 = vector.shape_cast %slice3A_1098 : vector<128xi32> to vector<1x128xi32>
    %eq3A_1100 = vector.broadcast %broadcast_in_dim3A_1099 : vector<1x128xi32> to vector<1024x128xi32>
    %eq3A_1101 = arith.cmpi eq, %iota3A_800, %eq3A_1100 : vector<1024x128xi32>
    %convert_element_type3A_1102 = arith.extui %eq3A_1101 : vector<1024x128xi1> to vector<1024x128xi32>
    %convert_element_type3A_1103 = arith.sitofp %convert_element_type3A_1102 : vector<1024x128xi32> to vector<1024x128xf32>
    %add3A_1104 = arith.addf %get3A_1097, %convert_element_type3A_1103 : vector<1024x128xf32>
    %swap3A_1105 = arith.constant 0 : index
    %swap3A_1106 = arith.constant 0 : index
    %swap3A_1107 = vector.load %arg8[%swap3A_1105, %swap3A_1106] : memref<1024x128xf32, #tpu.memory_space<vmem>>, vector<1024x128xf32>
    tpu.vector_store %arg8[%swap3A_1105, %swap3A_1106], %add3A_1104 {strides = array<i32>} : memref<1024x128xf32, #tpu.memory_space<vmem>>, vector<1024x128xf32>,
    %get3A_1108 = arith.constant 0 : index
    %get3A_1109 = arith.constant 0 : index
    %get3A_1110 = vector.load %arg9[%get3A_1108, %get3A_1109] : memref<64x128xf32, #tpu.memory_space<vmem>>, vector<64x128xf32>
    %slice3A_1111 = vector.extract_strided_slice %get3A_7 {offsets = [0, 1792], sizes = [64, 128], strides = [1, 1]} : vector<64x4096xf32> to vector<64x128xf32>
    %add3A_1112 = arith.addf %get3A_1110, %slice3A_1111 : vector<64x128xf32>
    %swap3A_1113 = arith.constant 0 : index
    %swap3A_1114 = arith.constant 0 : index
    %swap3A_1115 = vector.load %arg9[%swap3A_1113, %swap3A_1114] : memref<64x128xf32, #tpu.memory_space<vmem>>, vector<64x128xf32>
    tpu.vector_store %arg9[%swap3A_1113, %swap3A_1114], %add3A_1112 {strides = array<i32>} : memref<64x128xf32, #tpu.memory_space<vmem>>, vector<64x128xf32>,
    %get3A_1116 = arith.constant 0 : index
    %get3A_1117 = arith.constant 0 : index
    %get3A_1118 = vector.load %arg8[%get3A_1116, %get3A_1117] : memref<1024x128xf32, #tpu.memory_space<vmem>>, vector<1024x128xf32>
    %slice3A_1119 = vector.extract_strided_slice %reduce_min3A_794 {offsets = [1920], sizes = [128], strides = [1]} : vector<4096xi32> to vector<128xi32>
    %broadcast_in_dim3A_1120 = vector.shape_cast %slice3A_1119 : vector<128xi32> to vector<1x128xi32>
    %eq3A_1121 = vector.broadcast %broadcast_in_dim3A_1120 : vector<1x128xi32> to vector<1024x128xi32>
    %eq3A_1122 = arith.cmpi eq, %iota3A_800, %eq3A_1121 : vector<1024x128xi32>
    %convert_element_type3A_1123 = arith.extui %eq3A_1122 : vector<1024x128xi1> to vector<1024x128xi32>
    %convert_element_type3A_1124 = arith.sitofp %convert_element_type3A_1123 : vector<1024x128xi32> to vector<1024x128xf32>
    %add3A_1125 = arith.addf %get3A_1118, %convert_element_type3A_1124 : vector<1024x128xf32>
    %swap3A_1126 = arith.constant 0 : index
    %swap3A_1127 = arith.constant 0 : index
    %swap3A_1128 = vector.load %arg8[%swap3A_1126, %swap3A_1127] : memref<1024x128xf32, #tpu.memory_space<vmem>>, vector<1024x128xf32>
    tpu.vector_store %arg8[%swap3A_1126, %swap3A_1127], %add3A_1125 {strides = array<i32>} : memref<1024x128xf32, #tpu.memory_space<vmem>>, vector<1024x128xf32>,
    %get3A_1129 = arith.constant 0 : index
    %get3A_1130 = arith.constant 0 : index
    %get3A_1131 = vector.load %arg9[%get3A_1129, %get3A_1130] : memref<64x128xf32, #tpu.memory_space<vmem>>, vector<64x128xf32>
    %slice3A_1132 = vector.extract_strided_slice %get3A_7 {offsets = [0, 1920], sizes = [64, 128], strides = [1, 1]} : vector<64x4096xf32> to vector<64x128xf32>
    %add3A_1133 = arith.addf %get3A_1131, %slice3A_1132 : vector<64x128xf32>
    %swap3A_1134 = arith.constant 0 : index
    %swap3A_1135 = arith.constant 0 : index
    %swap3A_1136 = vector.load %arg9[%swap3A_1134, %swap3A_1135] : memref<64x128xf32, #tpu.memory_space<vmem>>, vector<64x128xf32>
    tpu.vector_store %arg9[%swap3A_1134, %swap3A_1135], %add3A_1133 {strides = array<i32>} : memref<64x128xf32, #tpu.memory_space<vmem>>, vector<64x128xf32>,
    %get3A_1137 = arith.constant 0 : index
    %get3A_1138 = arith.constant 0 : index
    %get3A_1139 = vector.load %arg8[%get3A_1137, %get3A_1138] : memref<1024x128xf32, #tpu.memory_space<vmem>>, vector<1024x128xf32>
    %slice3A_1140 = vector.extract_strided_slice %reduce_min3A_794 {offsets = [2048], sizes = [128], strides = [1]} : vector<4096xi32> to vector<128xi32>
    %broadcast_in_dim3A_1141 = vector.shape_cast %slice3A_1140 : vector<128xi32> to vector<1x128xi32>
    %eq3A_1142 = vector.broadcast %broadcast_in_dim3A_1141 : vector<1x128xi32> to vector<1024x128xi32>
    %eq3A_1143 = arith.cmpi eq, %iota3A_800, %eq3A_1142 : vector<1024x128xi32>
    %convert_element_type3A_1144 = arith.extui %eq3A_1143 : vector<1024x128xi1> to vector<1024x128xi32>
    %convert_element_type3A_1145 = arith.sitofp %convert_element_type3A_1144 : vector<1024x128xi32> to vector<1024x128xf32>
    %add3A_1146 = arith.addf %get3A_1139, %convert_element_type3A_1145 : vector<1024x128xf32>
    %swap3A_1147 = arith.constant 0 : index
    %swap3A_1148 = arith.constant 0 : index
    %swap3A_1149 = vector.load %arg8[%swap3A_1147, %swap3A_1148] : memref<1024x128xf32, #tpu.memory_space<vmem>>, vector<1024x128xf32>
    tpu.vector_store %arg8[%swap3A_1147, %swap3A_1148], %add3A_1146 {strides = array<i32>} : memref<1024x128xf32, #tpu.memory_space<vmem>>, vector<1024x128xf32>,
    %get3A_1150 = arith.constant 0 : index
    %get3A_1151 = arith.constant 0 : index
    %get3A_1152 = vector.load %arg9[%get3A_1150, %get3A_1151] : memref<64x128xf32, #tpu.memory_space<vmem>>, vector<64x128xf32>
    %slice3A_1153 = vector.extract_strided_slice %get3A_7 {offsets = [0, 2048], sizes = [64, 128], strides = [1, 1]} : vector<64x4096xf32> to vector<64x128xf32>
    %add3A_1154 = arith.addf %get3A_1152, %slice3A_1153 : vector<64x128xf32>
    %swap3A_1155 = arith.constant 0 : index
    %swap3A_1156 = arith.constant 0 : index
    %swap3A_1157 = vector.load %arg9[%swap3A_1155, %swap3A_1156] : memref<64x128xf32, #tpu.memory_space<vmem>>, vector<64x128xf32>
    tpu.vector_store %arg9[%swap3A_1155, %swap3A_1156], %add3A_1154 {strides = array<i32>} : memref<64x128xf32, #tpu.memory_space<vmem>>, vector<64x128xf32>,
    %get3A_1158 = arith.constant 0 : index
    %get3A_1159 = arith.constant 0 : index
    %get3A_1160 = vector.load %arg8[%get3A_1158, %get3A_1159] : memref<1024x128xf32, #tpu.memory_space<vmem>>, vector<1024x128xf32>
    %slice3A_1161 = vector.extract_strided_slice %reduce_min3A_794 {offsets = [2176], sizes = [128], strides = [1]} : vector<4096xi32> to vector<128xi32>
    %broadcast_in_dim3A_1162 = vector.shape_cast %slice3A_1161 : vector<128xi32> to vector<1x128xi32>
    %eq3A_1163 = vector.broadcast %broadcast_in_dim3A_1162 : vector<1x128xi32> to vector<1024x128xi32>
    %eq3A_1164 = arith.cmpi eq, %iota3A_800, %eq3A_1163 : vector<1024x128xi32>
    %convert_element_type3A_1165 = arith.extui %eq3A_1164 : vector<1024x128xi1> to vector<1024x128xi32>
    %convert_element_type3A_1166 = arith.sitofp %convert_element_type3A_1165 : vector<1024x128xi32> to vector<1024x128xf32>
    %add3A_1167 = arith.addf %get3A_1160, %convert_element_type3A_1166 : vector<1024x128xf32>
    %swap3A_1168 = arith.constant 0 : index
    %swap3A_1169 = arith.constant 0 : index
    %swap3A_1170 = vector.load %arg8[%swap3A_1168, %swap3A_1169] : memref<1024x128xf32, #tpu.memory_space<vmem>>, vector<1024x128xf32>
    tpu.vector_store %arg8[%swap3A_1168, %swap3A_1169], %add3A_1167 {strides = array<i32>} : memref<1024x128xf32, #tpu.memory_space<vmem>>, vector<1024x128xf32>,
    %get3A_1171 = arith.constant 0 : index
    %get3A_1172 = arith.constant 0 : index
    %get3A_1173 = vector.load %arg9[%get3A_1171, %get3A_1172] : memref<64x128xf32, #tpu.memory_space<vmem>>, vector<64x128xf32>
    %slice3A_1174 = vector.extract_strided_slice %get3A_7 {offsets = [0, 2176], sizes = [64, 128], strides = [1, 1]} : vector<64x4096xf32> to vector<64x128xf32>
    %add3A_1175 = arith.addf %get3A_1173, %slice3A_1174 : vector<64x128xf32>
    %swap3A_1176 = arith.constant 0 : index
    %swap3A_1177 = arith.constant 0 : index
    %swap3A_1178 = vector.load %arg9[%swap3A_1176, %swap3A_1177] : memref<64x128xf32, #tpu.memory_space<vmem>>, vector<64x128xf32>
    tpu.vector_store %arg9[%swap3A_1176, %swap3A_1177], %add3A_1175 {strides = array<i32>} : memref<64x128xf32, #tpu.memory_space<vmem>>, vector<64x128xf32>,
    %get3A_1179 = arith.constant 0 : index
    %get3A_1180 = arith.constant 0 : index
    %get3A_1181 = vector.load %arg8[%get3A_1179, %get3A_1180] : memref<1024x128xf32, #tpu.memory_space<vmem>>, vector<1024x128xf32>
    %slice3A_1182 = vector.extract_strided_slice %reduce_min3A_794 {offsets = [2304], sizes = [128], strides = [1]} : vector<4096xi32> to vector<128xi32>
    %broadcast_in_dim3A_1183 = vector.shape_cast %slice3A_1182 : vector<128xi32> to vector<1x128xi32>
    %eq3A_1184 = vector.broadcast %broadcast_in_dim3A_1183 : vector<1x128xi32> to vector<1024x128xi32>
    %eq3A_1185 = arith.cmpi eq, %iota3A_800, %eq3A_1184 : vector<1024x128xi32>
    %convert_element_type3A_1186 = arith.extui %eq3A_1185 : vector<1024x128xi1> to vector<1024x128xi32>
    %convert_element_type3A_1187 = arith.sitofp %convert_element_type3A_1186 : vector<1024x128xi32> to vector<1024x128xf32>
    %add3A_1188 = arith.addf %get3A_1181, %convert_element_type3A_1187 : vector<1024x128xf32>
    %swap3A_1189 = arith.constant 0 : index
    %swap3A_1190 = arith.constant 0 : index
    %swap3A_1191 = vector.load %arg8[%swap3A_1189, %swap3A_1190] : memref<1024x128xf32, #tpu.memory_space<vmem>>, vector<1024x128xf32>
    tpu.vector_store %arg8[%swap3A_1189, %swap3A_1190], %add3A_1188 {strides = array<i32>} : memref<1024x128xf32, #tpu.memory_space<vmem>>, vector<1024x128xf32>,
    %get3A_1192 = arith.constant 0 : index
    %get3A_1193 = arith.constant 0 : index
    %get3A_1194 = vector.load %arg9[%get3A_1192, %get3A_1193] : memref<64x128xf32, #tpu.memory_space<vmem>>, vector<64x128xf32>
    %slice3A_1195 = vector.extract_strided_slice %get3A_7 {offsets = [0, 2304], sizes = [64, 128], strides = [1, 1]} : vector<64x4096xf32> to vector<64x128xf32>
    %add3A_1196 = arith.addf %get3A_1194, %slice3A_1195 : vector<64x128xf32>
    %swap3A_1197 = arith.constant 0 : index
    %swap3A_1198 = arith.constant 0 : index
    %swap3A_1199 = vector.load %arg9[%swap3A_1197, %swap3A_1198] : memref<64x128xf32, #tpu.memory_space<vmem>>, vector<64x128xf32>
    tpu.vector_store %arg9[%swap3A_1197, %swap3A_1198], %add3A_1196 {strides = array<i32>} : memref<64x128xf32, #tpu.memory_space<vmem>>, vector<64x128xf32>,
    %get3A_1200 = arith.constant 0 : index
    %get3A_1201 = arith.constant 0 : index
    %get3A_1202 = vector.load %arg8[%get3A_1200, %get3A_1201] : memref<1024x128xf32, #tpu.memory_space<vmem>>, vector<1024x128xf32>
    %slice3A_1203 = vector.extract_strided_slice %reduce_min3A_794 {offsets = [2432], sizes = [128], strides = [1]} : vector<4096xi32> to vector<128xi32>
    %broadcast_in_dim3A_1204 = vector.shape_cast %slice3A_1203 : vector<128xi32> to vector<1x128xi32>
    %eq3A_1205 = vector.broadcast %broadcast_in_dim3A_1204 : vector<1x128xi32> to vector<1024x128xi32>
    %eq3A_1206 = arith.cmpi eq, %iota3A_800, %eq3A_1205 : vector<1024x128xi32>
    %convert_element_type3A_1207 = arith.extui %eq3A_1206 : vector<1024x128xi1> to vector<1024x128xi32>
    %convert_element_type3A_1208 = arith.sitofp %convert_element_type3A_1207 : vector<1024x128xi32> to vector<1024x128xf32>
    %add3A_1209 = arith.addf %get3A_1202, %convert_element_type3A_1208 : vector<1024x128xf32>
    %swap3A_1210 = arith.constant 0 : index
    %swap3A_1211 = arith.constant 0 : index
    %swap3A_1212 = vector.load %arg8[%swap3A_1210, %swap3A_1211] : memref<1024x128xf32, #tpu.memory_space<vmem>>, vector<1024x128xf32>
    tpu.vector_store %arg8[%swap3A_1210, %swap3A_1211], %add3A_1209 {strides = array<i32>} : memref<1024x128xf32, #tpu.memory_space<vmem>>, vector<1024x128xf32>,
    %get3A_1213 = arith.constant 0 : index
    %get3A_1214 = arith.constant 0 : index
    %get3A_1215 = vector.load %arg9[%get3A_1213, %get3A_1214] : memref<64x128xf32, #tpu.memory_space<vmem>>, vector<64x128xf32>
    %slice3A_1216 = vector.extract_strided_slice %get3A_7 {offsets = [0, 2432], sizes = [64, 128], strides = [1, 1]} : vector<64x4096xf32> to vector<64x128xf32>
    %add3A_1217 = arith.addf %get3A_1215, %slice3A_1216 : vector<64x128xf32>
    %swap3A_1218 = arith.constant 0 : index
    %swap3A_1219 = arith.constant 0 : index
    %swap3A_1220 = vector.load %arg9[%swap3A_1218, %swap3A_1219] : memref<64x128xf32, #tpu.memory_space<vmem>>, vector<64x128xf32>
    tpu.vector_store %arg9[%swap3A_1218, %swap3A_1219], %add3A_1217 {strides = array<i32>} : memref<64x128xf32, #tpu.memory_space<vmem>>, vector<64x128xf32>,
    %get3A_1221 = arith.constant 0 : index
    %get3A_1222 = arith.constant 0 : index
    %get3A_1223 = vector.load %arg8[%get3A_1221, %get3A_1222] : memref<1024x128xf32, #tpu.memory_space<vmem>>, vector<1024x128xf32>
    %slice3A_1224 = vector.extract_strided_slice %reduce_min3A_794 {offsets = [2560], sizes = [128], strides = [1]} : vector<4096xi32> to vector<128xi32>
    %broadcast_in_dim3A_1225 = vector.shape_cast %slice3A_1224 : vector<128xi32> to vector<1x128xi32>
    %eq3A_1226 = vector.broadcast %broadcast_in_dim3A_1225 : vector<1x128xi32> to vector<1024x128xi32>
    %eq3A_1227 = arith.cmpi eq, %iota3A_800, %eq3A_1226 : vector<1024x128xi32>
    %convert_element_type3A_1228 = arith.extui %eq3A_1227 : vector<1024x128xi1> to vector<1024x128xi32>
    %convert_element_type3A_1229 = arith.sitofp %convert_element_type3A_1228 : vector<1024x128xi32> to vector<1024x128xf32>
    %add3A_1230 = arith.addf %get3A_1223, %convert_element_type3A_1229 : vector<1024x128xf32>
    %swap3A_1231 = arith.constant 0 : index
    %swap3A_1232 = arith.constant 0 : index
    %swap3A_1233 = vector.load %arg8[%swap3A_1231, %swap3A_1232] : memref<1024x128xf32, #tpu.memory_space<vmem>>, vector<1024x128xf32>
    tpu.vector_store %arg8[%swap3A_1231, %swap3A_1232], %add3A_1230 {strides = array<i32>} : memref<1024x128xf32, #tpu.memory_space<vmem>>, vector<1024x128xf32>,
    %get3A_1234 = arith.constant 0 : index
    %get3A_1235 = arith.constant 0 : index
    %get3A_1236 = vector.load %arg9[%get3A_1234, %get3A_1235] : memref<64x128xf32, #tpu.memory_space<vmem>>, vector<64x128xf32>
    %slice3A_1237 = vector.extract_strided_slice %get3A_7 {offsets = [0, 2560], sizes = [64, 128], strides = [1, 1]} : vector<64x4096xf32> to vector<64x128xf32>
    %add3A_1238 = arith.addf %get3A_1236, %slice3A_1237 : vector<64x128xf32>
    %swap3A_1239 = arith.constant 0 : index
    %swap3A_1240 = arith.constant 0 : index
    %swap3A_1241 = vector.load %arg9[%swap3A_1239, %swap3A_1240] : memref<64x128xf32, #tpu.memory_space<vmem>>, vector<64x128xf32>
    tpu.vector_store %arg9[%swap3A_1239, %swap3A_1240], %add3A_1238 {strides = array<i32>} : memref<64x128xf32, #tpu.memory_space<vmem>>, vector<64x128xf32>,
    %get3A_1242 = arith.constant 0 : index
    %get3A_1243 = arith.constant 0 : index
    %get3A_1244 = vector.load %arg8[%get3A_1242, %get3A_1243] : memref<1024x128xf32, #tpu.memory_space<vmem>>, vector<1024x128xf32>
    %slice3A_1245 = vector.extract_strided_slice %reduce_min3A_794 {offsets = [2688], sizes = [128], strides = [1]} : vector<4096xi32> to vector<128xi32>
    %broadcast_in_dim3A_1246 = vector.shape_cast %slice3A_1245 : vector<128xi32> to vector<1x128xi32>
    %eq3A_1247 = vector.broadcast %broadcast_in_dim3A_1246 : vector<1x128xi32> to vector<1024x128xi32>
    %eq3A_1248 = arith.cmpi eq, %iota3A_800, %eq3A_1247 : vector<1024x128xi32>
    %convert_element_type3A_1249 = arith.extui %eq3A_1248 : vector<1024x128xi1> to vector<1024x128xi32>
    %convert_element_type3A_1250 = arith.sitofp %convert_element_type3A_1249 : vector<1024x128xi32> to vector<1024x128xf32>
    %add3A_1251 = arith.addf %get3A_1244, %convert_element_type3A_1250 : vector<1024x128xf32>
    %swap3A_1252 = arith.constant 0 : index
    %swap3A_1253 = arith.constant 0 : index
    %swap3A_1254 = vector.load %arg8[%swap3A_1252, %swap3A_1253] : memref<1024x128xf32, #tpu.memory_space<vmem>>, vector<1024x128xf32>
    tpu.vector_store %arg8[%swap3A_1252, %swap3A_1253], %add3A_1251 {strides = array<i32>} : memref<1024x128xf32, #tpu.memory_space<vmem>>, vector<1024x128xf32>,
    %get3A_1255 = arith.constant 0 : index
    %get3A_1256 = arith.constant 0 : index
    %get3A_1257 = vector.load %arg9[%get3A_1255, %get3A_1256] : memref<64x128xf32, #tpu.memory_space<vmem>>, vector<64x128xf32>
    %slice3A_1258 = vector.extract_strided_slice %get3A_7 {offsets = [0, 2688], sizes = [64, 128], strides = [1, 1]} : vector<64x4096xf32> to vector<64x128xf32>
    %add3A_1259 = arith.addf %get3A_1257, %slice3A_1258 : vector<64x128xf32>
    %swap3A_1260 = arith.constant 0 : index
    %swap3A_1261 = arith.constant 0 : index
    %swap3A_1262 = vector.load %arg9[%swap3A_1260, %swap3A_1261] : memref<64x128xf32, #tpu.memory_space<vmem>>, vector<64x128xf32>
    tpu.vector_store %arg9[%swap3A_1260, %swap3A_1261], %add3A_1259 {strides = array<i32>} : memref<64x128xf32, #tpu.memory_space<vmem>>, vector<64x128xf32>,
    %get3A_1263 = arith.constant 0 : index
    %get3A_1264 = arith.constant 0 : index
    %get3A_1265 = vector.load %arg8[%get3A_1263, %get3A_1264] : memref<1024x128xf32, #tpu.memory_space<vmem>>, vector<1024x128xf32>
    %slice3A_1266 = vector.extract_strided_slice %reduce_min3A_794 {offsets = [2816], sizes = [128], strides = [1]} : vector<4096xi32> to vector<128xi32>
    %broadcast_in_dim3A_1267 = vector.shape_cast %slice3A_1266 : vector<128xi32> to vector<1x128xi32>
    %eq3A_1268 = vector.broadcast %broadcast_in_dim3A_1267 : vector<1x128xi32> to vector<1024x128xi32>
    %eq3A_1269 = arith.cmpi eq, %iota3A_800, %eq3A_1268 : vector<1024x128xi32>
    %convert_element_type3A_1270 = arith.extui %eq3A_1269 : vector<1024x128xi1> to vector<1024x128xi32>
    %convert_element_type3A_1271 = arith.sitofp %convert_element_type3A_1270 : vector<1024x128xi32> to vector<1024x128xf32>
    %add3A_1272 = arith.addf %get3A_1265, %convert_element_type3A_1271 : vector<1024x128xf32>
    %swap3A_1273 = arith.constant 0 : index
    %swap3A_1274 = arith.constant 0 : index
    %swap3A_1275 = vector.load %arg8[%swap3A_1273, %swap3A_1274] : memref<1024x128xf32, #tpu.memory_space<vmem>>, vector<1024x128xf32>
    tpu.vector_store %arg8[%swap3A_1273, %swap3A_1274], %add3A_1272 {strides = array<i32>} : memref<1024x128xf32, #tpu.memory_space<vmem>>, vector<1024x128xf32>,
    %get3A_1276 = arith.constant 0 : index
    %get3A_1277 = arith.constant 0 : index
    %get3A_1278 = vector.load %arg9[%get3A_1276, %get3A_1277] : memref<64x128xf32, #tpu.memory_space<vmem>>, vector<64x128xf32>
    %slice3A_1279 = vector.extract_strided_slice %get3A_7 {offsets = [0, 2816], sizes = [64, 128], strides = [1, 1]} : vector<64x4096xf32> to vector<64x128xf32>
    %add3A_1280 = arith.addf %get3A_1278, %slice3A_1279 : vector<64x128xf32>
    %swap3A_1281 = arith.constant 0 : index
    %swap3A_1282 = arith.constant 0 : index
    %swap3A_1283 = vector.load %arg9[%swap3A_1281, %swap3A_1282] : memref<64x128xf32, #tpu.memory_space<vmem>>, vector<64x128xf32>
    tpu.vector_store %arg9[%swap3A_1281, %swap3A_1282], %add3A_1280 {strides = array<i32>} : memref<64x128xf32, #tpu.memory_space<vmem>>, vector<64x128xf32>,
    %get3A_1284 = arith.constant 0 : index
    %get3A_1285 = arith.constant 0 : index
    %get3A_1286 = vector.load %arg8[%get3A_1284, %get3A_1285] : memref<1024x128xf32, #tpu.memory_space<vmem>>, vector<1024x128xf32>
    %slice3A_1287 = vector.extract_strided_slice %reduce_min3A_794 {offsets = [2944], sizes = [128], strides = [1]} : vector<4096xi32> to vector<128xi32>
    %broadcast_in_dim3A_1288 = vector.shape_cast %slice3A_1287 : vector<128xi32> to vector<1x128xi32>
    %eq3A_1289 = vector.broadcast %broadcast_in_dim3A_1288 : vector<1x128xi32> to vector<1024x128xi32>
    %eq3A_1290 = arith.cmpi eq, %iota3A_800, %eq3A_1289 : vector<1024x128xi32>
    %convert_element_type3A_1291 = arith.extui %eq3A_1290 : vector<1024x128xi1> to vector<1024x128xi32>
    %convert_element_type3A_1292 = arith.sitofp %convert_element_type3A_1291 : vector<1024x128xi32> to vector<1024x128xf32>
    %add3A_1293 = arith.addf %get3A_1286, %convert_element_type3A_1292 : vector<1024x128xf32>
    %swap3A_1294 = arith.constant 0 : index
    %swap3A_1295 = arith.constant 0 : index
    %swap3A_1296 = vector.load %arg8[%swap3A_1294, %swap3A_1295] : memref<1024x128xf32, #tpu.memory_space<vmem>>, vector<1024x128xf32>
    tpu.vector_store %arg8[%swap3A_1294, %swap3A_1295], %add3A_1293 {strides = array<i32>} : memref<1024x128xf32, #tpu.memory_space<vmem>>, vector<1024x128xf32>,
    %get3A_1297 = arith.constant 0 : index
    %get3A_1298 = arith.constant 0 : index
    %get3A_1299 = vector.load %arg9[%get3A_1297, %get3A_1298] : memref<64x128xf32, #tpu.memory_space<vmem>>, vector<64x128xf32>
    %slice3A_1300 = vector.extract_strided_slice %get3A_7 {offsets = [0, 2944], sizes = [64, 128], strides = [1, 1]} : vector<64x4096xf32> to vector<64x128xf32>
    %add3A_1301 = arith.addf %get3A_1299, %slice3A_1300 : vector<64x128xf32>
    %swap3A_1302 = arith.constant 0 : index
    %swap3A_1303 = arith.constant 0 : index
    %swap3A_1304 = vector.load %arg9[%swap3A_1302, %swap3A_1303] : memref<64x128xf32, #tpu.memory_space<vmem>>, vector<64x128xf32>
    tpu.vector_store %arg9[%swap3A_1302, %swap3A_1303], %add3A_1301 {strides = array<i32>} : memref<64x128xf32, #tpu.memory_space<vmem>>, vector<64x128xf32>,
    %get3A_1305 = arith.constant 0 : index
    %get3A_1306 = arith.constant 0 : index
    %get3A_1307 = vector.load %arg8[%get3A_1305, %get3A_1306] : memref<1024x128xf32, #tpu.memory_space<vmem>>, vector<1024x128xf32>
    %slice3A_1308 = vector.extract_strided_slice %reduce_min3A_794 {offsets = [3072], sizes = [128], strides = [1]} : vector<4096xi32> to vector<128xi32>
    %broadcast_in_dim3A_1309 = vector.shape_cast %slice3A_1308 : vector<128xi32> to vector<1x128xi32>
    %eq3A_1310 = vector.broadcast %broadcast_in_dim3A_1309 : vector<1x128xi32> to vector<1024x128xi32>
    %eq3A_1311 = arith.cmpi eq, %iota3A_800, %eq3A_1310 : vector<1024x128xi32>
    %convert_element_type3A_1312 = arith.extui %eq3A_1311 : vector<1024x128xi1> to vector<1024x128xi32>
    %convert_element_type3A_1313 = arith.sitofp %convert_element_type3A_1312 : vector<1024x128xi32> to vector<1024x128xf32>
    %add3A_1314 = arith.addf %get3A_1307, %convert_element_type3A_1313 : vector<1024x128xf32>
    %swap3A_1315 = arith.constant 0 : index
    %swap3A_1316 = arith.constant 0 : index
    %swap3A_1317 = vector.load %arg8[%swap3A_1315, %swap3A_1316] : memref<1024x128xf32, #tpu.memory_space<vmem>>, vector<1024x128xf32>
    tpu.vector_store %arg8[%swap3A_1315, %swap3A_1316], %add3A_1314 {strides = array<i32>} : memref<1024x128xf32, #tpu.memory_space<vmem>>, vector<1024x128xf32>,
    %get3A_1318 = arith.constant 0 : index
    %get3A_1319 = arith.constant 0 : index
    %get3A_1320 = vector.load %arg9[%get3A_1318, %get3A_1319] : memref<64x128xf32, #tpu.memory_space<vmem>>, vector<64x128xf32>
    %slice3A_1321 = vector.extract_strided_slice %get3A_7 {offsets = [0, 3072], sizes = [64, 128], strides = [1, 1]} : vector<64x4096xf32> to vector<64x128xf32>
    %add3A_1322 = arith.addf %get3A_1320, %slice3A_1321 : vector<64x128xf32>
    %swap3A_1323 = arith.constant 0 : index
    %swap3A_1324 = arith.constant 0 : index
    %swap3A_1325 = vector.load %arg9[%swap3A_1323, %swap3A_1324] : memref<64x128xf32, #tpu.memory_space<vmem>>, vector<64x128xf32>
    tpu.vector_store %arg9[%swap3A_1323, %swap3A_1324], %add3A_1322 {strides = array<i32>} : memref<64x128xf32, #tpu.memory_space<vmem>>, vector<64x128xf32>,
    %get3A_1326 = arith.constant 0 : index
    %get3A_1327 = arith.constant 0 : index
    %get3A_1328 = vector.load %arg8[%get3A_1326, %get3A_1327] : memref<1024x128xf32, #tpu.memory_space<vmem>>, vector<1024x128xf32>
    %slice3A_1329 = vector.extract_strided_slice %reduce_min3A_794 {offsets = [3200], sizes = [128], strides = [1]} : vector<4096xi32> to vector<128xi32>
    %broadcast_in_dim3A_1330 = vector.shape_cast %slice3A_1329 : vector<128xi32> to vector<1x128xi32>
    %eq3A_1331 = vector.broadcast %broadcast_in_dim3A_1330 : vector<1x128xi32> to vector<1024x128xi32>
    %eq3A_1332 = arith.cmpi eq, %iota3A_800, %eq3A_1331 : vector<1024x128xi32>
    %convert_element_type3A_1333 = arith.extui %eq3A_1332 : vector<1024x128xi1> to vector<1024x128xi32>
    %convert_element_type3A_1334 = arith.sitofp %convert_element_type3A_1333 : vector<1024x128xi32> to vector<1024x128xf32>
    %add3A_1335 = arith.addf %get3A_1328, %convert_element_type3A_1334 : vector<1024x128xf32>
    %swap3A_1336 = arith.constant 0 : index
    %swap3A_1337 = arith.constant 0 : index
    %swap3A_1338 = vector.load %arg8[%swap3A_1336, %swap3A_1337] : memref<1024x128xf32, #tpu.memory_space<vmem>>, vector<1024x128xf32>
    tpu.vector_store %arg8[%swap3A_1336, %swap3A_1337], %add3A_1335 {strides = array<i32>} : memref<1024x128xf32, #tpu.memory_space<vmem>>, vector<1024x128xf32>,
    %get3A_1339 = arith.constant 0 : index
    %get3A_1340 = arith.constant 0 : index
    %get3A_1341 = vector.load %arg9[%get3A_1339, %get3A_1340] : memref<64x128xf32, #tpu.memory_space<vmem>>, vector<64x128xf32>
    %slice3A_1342 = vector.extract_strided_slice %get3A_7 {offsets = [0, 3200], sizes = [64, 128], strides = [1, 1]} : vector<64x4096xf32> to vector<64x128xf32>
    %add3A_1343 = arith.addf %get3A_1341, %slice3A_1342 : vector<64x128xf32>
    %swap3A_1344 = arith.constant 0 : index
    %swap3A_1345 = arith.constant 0 : index
    %swap3A_1346 = vector.load %arg9[%swap3A_1344, %swap3A_1345] : memref<64x128xf32, #tpu.memory_space<vmem>>, vector<64x128xf32>
    tpu.vector_store %arg9[%swap3A_1344, %swap3A_1345], %add3A_1343 {strides = array<i32>} : memref<64x128xf32, #tpu.memory_space<vmem>>, vector<64x128xf32>,
    %get3A_1347 = arith.constant 0 : index
    %get3A_1348 = arith.constant 0 : index
    %get3A_1349 = vector.load %arg8[%get3A_1347, %get3A_1348] : memref<1024x128xf32, #tpu.memory_space<vmem>>, vector<1024x128xf32>
    %slice3A_1350 = vector.extract_strided_slice %reduce_min3A_794 {offsets = [3328], sizes = [128], strides = [1]} : vector<4096xi32> to vector<128xi32>
    %broadcast_in_dim3A_1351 = vector.shape_cast %slice3A_1350 : vector<128xi32> to vector<1x128xi32>
    %eq3A_1352 = vector.broadcast %broadcast_in_dim3A_1351 : vector<1x128xi32> to vector<1024x128xi32>
    %eq3A_1353 = arith.cmpi eq, %iota3A_800, %eq3A_1352 : vector<1024x128xi32>
    %convert_element_type3A_1354 = arith.extui %eq3A_1353 : vector<1024x128xi1> to vector<1024x128xi32>
    %convert_element_type3A_1355 = arith.sitofp %convert_element_type3A_1354 : vector<1024x128xi32> to vector<1024x128xf32>
    %add3A_1356 = arith.addf %get3A_1349, %convert_element_type3A_1355 : vector<1024x128xf32>
    %swap3A_1357 = arith.constant 0 : index
    %swap3A_1358 = arith.constant 0 : index
    %swap3A_1359 = vector.load %arg8[%swap3A_1357, %swap3A_1358] : memref<1024x128xf32, #tpu.memory_space<vmem>>, vector<1024x128xf32>
    tpu.vector_store %arg8[%swap3A_1357, %swap3A_1358], %add3A_1356 {strides = array<i32>} : memref<1024x128xf32, #tpu.memory_space<vmem>>, vector<1024x128xf32>,
    %get3A_1360 = arith.constant 0 : index
    %get3A_1361 = arith.constant 0 : index
    %get3A_1362 = vector.load %arg9[%get3A_1360, %get3A_1361] : memref<64x128xf32, #tpu.memory_space<vmem>>, vector<64x128xf32>
    %slice3A_1363 = vector.extract_strided_slice %get3A_7 {offsets = [0, 3328], sizes = [64, 128], strides = [1, 1]} : vector<64x4096xf32> to vector<64x128xf32>
    %add3A_1364 = arith.addf %get3A_1362, %slice3A_1363 : vector<64x128xf32>
    %swap3A_1365 = arith.constant 0 : index
    %swap3A_1366 = arith.constant 0 : index
    %swap3A_1367 = vector.load %arg9[%swap3A_1365, %swap3A_1366] : memref<64x128xf32, #tpu.memory_space<vmem>>, vector<64x128xf32>
    tpu.vector_store %arg9[%swap3A_1365, %swap3A_1366], %add3A_1364 {strides = array<i32>} : memref<64x128xf32, #tpu.memory_space<vmem>>, vector<64x128xf32>,
    %get3A_1368 = arith.constant 0 : index
    %get3A_1369 = arith.constant 0 : index
    %get3A_1370 = vector.load %arg8[%get3A_1368, %get3A_1369] : memref<1024x128xf32, #tpu.memory_space<vmem>>, vector<1024x128xf32>
    %slice3A_1371 = vector.extract_strided_slice %reduce_min3A_794 {offsets = [3456], sizes = [128], strides = [1]} : vector<4096xi32> to vector<128xi32>
    %broadcast_in_dim3A_1372 = vector.shape_cast %slice3A_1371 : vector<128xi32> to vector<1x128xi32>
    %eq3A_1373 = vector.broadcast %broadcast_in_dim3A_1372 : vector<1x128xi32> to vector<1024x128xi32>
    %eq3A_1374 = arith.cmpi eq, %iota3A_800, %eq3A_1373 : vector<1024x128xi32>
    %convert_element_type3A_1375 = arith.extui %eq3A_1374 : vector<1024x128xi1> to vector<1024x128xi32>
    %convert_element_type3A_1376 = arith.sitofp %convert_element_type3A_1375 : vector<1024x128xi32> to vector<1024x128xf32>
    %add3A_1377 = arith.addf %get3A_1370, %convert_element_type3A_1376 : vector<1024x128xf32>
    %swap3A_1378 = arith.constant 0 : index
    %swap3A_1379 = arith.constant 0 : index
    %swap3A_1380 = vector.load %arg8[%swap3A_1378, %swap3A_1379] : memref<1024x128xf32, #tpu.memory_space<vmem>>, vector<1024x128xf32>
    tpu.vector_store %arg8[%swap3A_1378, %swap3A_1379], %add3A_1377 {strides = array<i32>} : memref<1024x128xf32, #tpu.memory_space<vmem>>, vector<1024x128xf32>,
    %get3A_1381 = arith.constant 0 : index
    %get3A_1382 = arith.constant 0 : index
    %get3A_1383 = vector.load %arg9[%get3A_1381, %get3A_1382] : memref<64x128xf32, #tpu.memory_space<vmem>>, vector<64x128xf32>
    %slice3A_1384 = vector.extract_strided_slice %get3A_7 {offsets = [0, 3456], sizes = [64, 128], strides = [1, 1]} : vector<64x4096xf32> to vector<64x128xf32>
    %add3A_1385 = arith.addf %get3A_1383, %slice3A_1384 : vector<64x128xf32>
    %swap3A_1386 = arith.constant 0 : index
    %swap3A_1387 = arith.constant 0 : index
    %swap3A_1388 = vector.load %arg9[%swap3A_1386, %swap3A_1387] : memref<64x128xf32, #tpu.memory_space<vmem>>, vector<64x128xf32>
    tpu.vector_store %arg9[%swap3A_1386, %swap3A_1387], %add3A_1385 {strides = array<i32>} : memref<64x128xf32, #tpu.memory_space<vmem>>, vector<64x128xf32>,
    %get3A_1389 = arith.constant 0 : index
    %get3A_1390 = arith.constant 0 : index
    %get3A_1391 = vector.load %arg8[%get3A_1389, %get3A_1390] : memref<1024x128xf32, #tpu.memory_space<vmem>>, vector<1024x128xf32>
    %slice3A_1392 = vector.extract_strided_slice %reduce_min3A_794 {offsets = [3584], sizes = [128], strides = [1]} : vector<4096xi32> to vector<128xi32>
    %broadcast_in_dim3A_1393 = vector.shape_cast %slice3A_1392 : vector<128xi32> to vector<1x128xi32>
    %eq3A_1394 = vector.broadcast %broadcast_in_dim3A_1393 : vector<1x128xi32> to vector<1024x128xi32>
    %eq3A_1395 = arith.cmpi eq, %iota3A_800, %eq3A_1394 : vector<1024x128xi32>
    %convert_element_type3A_1396 = arith.extui %eq3A_1395 : vector<1024x128xi1> to vector<1024x128xi32>
    %convert_element_type3A_1397 = arith.sitofp %convert_element_type3A_1396 : vector<1024x128xi32> to vector<1024x128xf32>
    %add3A_1398 = arith.addf %get3A_1391, %convert_element_type3A_1397 : vector<1024x128xf32>
    %swap3A_1399 = arith.constant 0 : index
    %swap3A_1400 = arith.constant 0 : index
    %swap3A_1401 = vector.load %arg8[%swap3A_1399, %swap3A_1400] : memref<1024x128xf32, #tpu.memory_space<vmem>>, vector<1024x128xf32>
    tpu.vector_store %arg8[%swap3A_1399, %swap3A_1400], %add3A_1398 {strides = array<i32>} : memref<1024x128xf32, #tpu.memory_space<vmem>>, vector<1024x128xf32>,
    %get3A_1402 = arith.constant 0 : index
    %get3A_1403 = arith.constant 0 : index
    %get3A_1404 = vector.load %arg9[%get3A_1402, %get3A_1403] : memref<64x128xf32, #tpu.memory_space<vmem>>, vector<64x128xf32>
    %slice3A_1405 = vector.extract_strided_slice %get3A_7 {offsets = [0, 3584], sizes = [64, 128], strides = [1, 1]} : vector<64x4096xf32> to vector<64x128xf32>
    %add3A_1406 = arith.addf %get3A_1404, %slice3A_1405 : vector<64x128xf32>
    %swap3A_1407 = arith.constant 0 : index
    %swap3A_1408 = arith.constant 0 : index
    %swap3A_1409 = vector.load %arg9[%swap3A_1407, %swap3A_1408] : memref<64x128xf32, #tpu.memory_space<vmem>>, vector<64x128xf32>
    tpu.vector_store %arg9[%swap3A_1407, %swap3A_1408], %add3A_1406 {strides = array<i32>} : memref<64x128xf32, #tpu.memory_space<vmem>>, vector<64x128xf32>,
    %get3A_1410 = arith.constant 0 : index
    %get3A_1411 = arith.constant 0 : index
    %get3A_1412 = vector.load %arg8[%get3A_1410, %get3A_1411] : memref<1024x128xf32, #tpu.memory_space<vmem>>, vector<1024x128xf32>
    %slice3A_1413 = vector.extract_strided_slice %reduce_min3A_794 {offsets = [3712], sizes = [128], strides = [1]} : vector<4096xi32> to vector<128xi32>
    %broadcast_in_dim3A_1414 = vector.shape_cast %slice3A_1413 : vector<128xi32> to vector<1x128xi32>
    %eq3A_1415 = vector.broadcast %broadcast_in_dim3A_1414 : vector<1x128xi32> to vector<1024x128xi32>
    %eq3A_1416 = arith.cmpi eq, %iota3A_800, %eq3A_1415 : vector<1024x128xi32>
    %convert_element_type3A_1417 = arith.extui %eq3A_1416 : vector<1024x128xi1> to vector<1024x128xi32>
    %convert_element_type3A_1418 = arith.sitofp %convert_element_type3A_1417 : vector<1024x128xi32> to vector<1024x128xf32>
    %add3A_1419 = arith.addf %get3A_1412, %convert_element_type3A_1418 : vector<1024x128xf32>
    %swap3A_1420 = arith.constant 0 : index
    %swap3A_1421 = arith.constant 0 : index
    %swap3A_1422 = vector.load %arg8[%swap3A_1420, %swap3A_1421] : memref<1024x128xf32, #tpu.memory_space<vmem>>, vector<1024x128xf32>
    tpu.vector_store %arg8[%swap3A_1420, %swap3A_1421], %add3A_1419 {strides = array<i32>} : memref<1024x128xf32, #tpu.memory_space<vmem>>, vector<1024x128xf32>,
    %get3A_1423 = arith.constant 0 : index
    %get3A_1424 = arith.constant 0 : index
    %get3A_1425 = vector.load %arg9[%get3A_1423, %get3A_1424] : memref<64x128xf32, #tpu.memory_space<vmem>>, vector<64x128xf32>
    %slice3A_1426 = vector.extract_strided_slice %get3A_7 {offsets = [0, 3712], sizes = [64, 128], strides = [1, 1]} : vector<64x4096xf32> to vector<64x128xf32>
    %add3A_1427 = arith.addf %get3A_1425, %slice3A_1426 : vector<64x128xf32>
    %swap3A_1428 = arith.constant 0 : index
    %swap3A_1429 = arith.constant 0 : index
    %swap3A_1430 = vector.load %arg9[%swap3A_1428, %swap3A_1429] : memref<64x128xf32, #tpu.memory_space<vmem>>, vector<64x128xf32>
    tpu.vector_store %arg9[%swap3A_1428, %swap3A_1429], %add3A_1427 {strides = array<i32>} : memref<64x128xf32, #tpu.memory_space<vmem>>, vector<64x128xf32>,
    %get3A_1431 = arith.constant 0 : index
    %get3A_1432 = arith.constant 0 : index
    %get3A_1433 = vector.load %arg8[%get3A_1431, %get3A_1432] : memref<1024x128xf32, #tpu.memory_space<vmem>>, vector<1024x128xf32>
    %slice3A_1434 = vector.extract_strided_slice %reduce_min3A_794 {offsets = [3840], sizes = [128], strides = [1]} : vector<4096xi32> to vector<128xi32>
    %broadcast_in_dim3A_1435 = vector.shape_cast %slice3A_1434 : vector<128xi32> to vector<1x128xi32>
    %eq3A_1436 = vector.broadcast %broadcast_in_dim3A_1435 : vector<1x128xi32> to vector<1024x128xi32>
    %eq3A_1437 = arith.cmpi eq, %iota3A_800, %eq3A_1436 : vector<1024x128xi32>
    %convert_element_type3A_1438 = arith.extui %eq3A_1437 : vector<1024x128xi1> to vector<1024x128xi32>
    %convert_element_type3A_1439 = arith.sitofp %convert_element_type3A_1438 : vector<1024x128xi32> to vector<1024x128xf32>
    %add3A_1440 = arith.addf %get3A_1433, %convert_element_type3A_1439 : vector<1024x128xf32>
    %swap3A_1441 = arith.constant 0 : index
    %swap3A_1442 = arith.constant 0 : index
    %swap3A_1443 = vector.load %arg8[%swap3A_1441, %swap3A_1442] : memref<1024x128xf32, #tpu.memory_space<vmem>>, vector<1024x128xf32>
    tpu.vector_store %arg8[%swap3A_1441, %swap3A_1442], %add3A_1440 {strides = array<i32>} : memref<1024x128xf32, #tpu.memory_space<vmem>>, vector<1024x128xf32>,
    %get3A_1444 = arith.constant 0 : index
    %get3A_1445 = arith.constant 0 : index
    %get3A_1446 = vector.load %arg9[%get3A_1444, %get3A_1445] : memref<64x128xf32, #tpu.memory_space<vmem>>, vector<64x128xf32>
    %slice3A_1447 = vector.extract_strided_slice %get3A_7 {offsets = [0, 3840], sizes = [64, 128], strides = [1, 1]} : vector<64x4096xf32> to vector<64x128xf32>
    %add3A_1448 = arith.addf %get3A_1446, %slice3A_1447 : vector<64x128xf32>
    %swap3A_1449 = arith.constant 0 : index
    %swap3A_1450 = arith.constant 0 : index
    %swap3A_1451 = vector.load %arg9[%swap3A_1449, %swap3A_1450] : memref<64x128xf32, #tpu.memory_space<vmem>>, vector<64x128xf32>
    tpu.vector_store %arg9[%swap3A_1449, %swap3A_1450], %add3A_1448 {strides = array<i32>} : memref<64x128xf32, #tpu.memory_space<vmem>>, vector<64x128xf32>,
    %get3A_1452 = arith.constant 0 : index
    %get3A_1453 = arith.constant 0 : index
    %get3A_1454 = vector.load %arg8[%get3A_1452, %get3A_1453] : memref<1024x128xf32, #tpu.memory_space<vmem>>, vector<1024x128xf32>
    %slice3A_1455 = vector.extract_strided_slice %reduce_min3A_794 {offsets = [3968], sizes = [128], strides = [1]} : vector<4096xi32> to vector<128xi32>
    %broadcast_in_dim3A_1456 = vector.shape_cast %slice3A_1455 : vector<128xi32> to vector<1x128xi32>
    %eq3A_1457 = vector.broadcast %broadcast_in_dim3A_1456 : vector<1x128xi32> to vector<1024x128xi32>
    %eq3A_1458 = arith.cmpi eq, %iota3A_800, %eq3A_1457 : vector<1024x128xi32>
    %convert_element_type3A_1459 = arith.extui %eq3A_1458 : vector<1024x128xi1> to vector<1024x128xi32>
    %convert_element_type3A_1460 = arith.sitofp %convert_element_type3A_1459 : vector<1024x128xi32> to vector<1024x128xf32>
    %add3A_1461 = arith.addf %get3A_1454, %convert_element_type3A_1460 : vector<1024x128xf32>
    %swap3A_1462 = arith.constant 0 : index
    %swap3A_1463 = arith.constant 0 : index
    %swap3A_1464 = vector.load %arg8[%swap3A_1462, %swap3A_1463] : memref<1024x128xf32, #tpu.memory_space<vmem>>, vector<1024x128xf32>
    tpu.vector_store %arg8[%swap3A_1462, %swap3A_1463], %add3A_1461 {strides = array<i32>} : memref<1024x128xf32, #tpu.memory_space<vmem>>, vector<1024x128xf32>,
    %get3A_1465 = arith.constant 0 : index
    %get3A_1466 = arith.constant 0 : index
    %get3A_1467 = vector.load %arg9[%get3A_1465, %get3A_1466] : memref<64x128xf32, #tpu.memory_space<vmem>>, vector<64x128xf32>
    %slice3A_1468 = vector.extract_strided_slice %get3A_7 {offsets = [0, 3968], sizes = [64, 128], strides = [1, 1]} : vector<64x4096xf32> to vector<64x128xf32>
    %add3A_1469 = arith.addf %get3A_1467, %slice3A_1468 : vector<64x128xf32>
    %swap3A_1470 = arith.constant 0 : index
    %swap3A_1471 = arith.constant 0 : index
    %swap3A_1472 = vector.load %arg9[%swap3A_1470, %swap3A_1471] : memref<64x128xf32, #tpu.memory_space<vmem>>, vector<64x128xf32>
    tpu.vector_store %arg9[%swap3A_1470, %swap3A_1471], %add3A_1469 {strides = array<i32>} : memref<64x128xf32, #tpu.memory_space<vmem>>, vector<64x128xf32>,
    %get3A_1473 = arith.constant 0 : index
    %get3A_1474 = arith.constant 0 : index
    %get3A_1475 = memref.load %arg10[%get3A_1473, %get3A_1474] : memref<1x1xf32, #tpu.memory_space<smem>>
    %mul3A_1476 = arith.mulf %get3A_7, %get3A_7 : vector<64x4096xf32>
    %reduce_sum3A_1477 = vector.shape_cast %mul3A_1476 : vector<64x4096xf32> to vector<1x64x4096xf32>
    %reduce_sum3A_1478 = arith.constant dense<0.000000e+00> : vector<1xf32>
    %reduce_sum3A_1479 = vector.multi_reduction <add>, %reduce_sum3A_1477, %reduce_sum3A_1478 [1, 2] : vector<1x64x4096xf32> to vector<1xf32>
    %reduce_sum3A_1480 = vector.shape_cast %reduce_sum3A_1479 : vector<1xf32> to vector<1x1x1xf32>
    %reduce_sum3A_1481 = vector.extract %reduce_sum3A_1480[0, 0, 0] : f32 from vector<1x1x1xf32>
    %add3A_1482 = arith.addf %get3A_1475, %reduce_sum3A_1481 : f32
    %swap3A_1483 = arith.constant 0 : index
    %swap3A_1484 = arith.constant 0 : index
    %swap3A_1485 = memref.load %arg10[%swap3A_1483, %swap3A_1484] : memref<1x1xf32, #tpu.memory_space<smem>>
    memref.store %add3A_1482, %arg10[%swap3A_1483, %swap3A_1484] : memref<1x1xf32, #tpu.memory_space<smem>>
    %eq3A_1486 = arith.constant 3 : i32
    %eq3A_1487 = arith.cmpi eq, %arg0, %eq3A_1486 : i32
    %eq3A_1488 = arith.constant 1 : i32
    %eq3A_1489 = arith.cmpi eq, %arg1, %eq3A_1488 : i32
    %and3A_1490 = arith.andi %eq3A_1487, %eq3A_1489 : i1
    %convert_element_type3A_1491 = arith.extui %and3A_1490 : i1 to i32
    %cond3A_1492 = arith.constant 0 : i32
    %cond3A_1493 = arith.cmpi ne, %convert_element_type3A_1491, %cond3A_1492 : i32
    scf.if %cond3A_1493 {
      %get3A_1494 = arith.constant 0 : index
      %get3A_1495 = arith.constant 0 : index
      %get3A_1496 = vector.load %arg8[%get3A_1494, %get3A_1495] : memref<1024x128xf32, #tpu.memory_space<vmem>>, vector<1024x128xf32>
      %reduce_sum3A_1497 = arith.constant dense<0.000000e+00> : vector<1024xf32>
      %reduce_sum3A_1498 = vector.multi_reduction <add>, %get3A_1496, %reduce_sum3A_1497 [1] : vector<1024x128xf32> to vector<1024xf32>
      %broadcast_in_dim3A_1499 = vector.shape_cast %reduce_sum3A_1498 : vector<1024xf32> to vector<1024x1xf32>
      %mul3A_1500 = arith.constant 3.05175781E-5 : f32
      %mul3A_1501 = vector.broadcast %mul3A_1500 : f32 to vector<1024x1xf32>
      %mul3A_1502 = arith.mulf %broadcast_in_dim3A_1499, %mul3A_1501 : vector<1024x1xf32>
      %add3A_1503 = arith.constant 1.000000e-10 : f32
      %add3A_1504 = vector.broadcast %add3A_1503 : f32 to vector<1024x1xf32>
      %add3A_1505 = arith.addf %mul3A_1502, %add3A_1504 : vector<1024x1xf32>
      %log3A = math.log %add3A_1505 : vector<1024x1xf32>
      %mul3A_1506 = arith.mulf %mul3A_1502, %log3A : vector<1024x1xf32>
      %reduce_sum3A_1507 = vector.shape_cast %mul3A_1506 : vector<1024x1xf32> to vector<1x1024x1xf32>
      %reduce_sum3A_1508 = arith.constant dense<0.000000e+00> : vector<1xf32>
      %reduce_sum3A_1509 = vector.multi_reduction <add>, %reduce_sum3A_1507, %reduce_sum3A_1508 [1, 2] : vector<1x1024x1xf32> to vector<1xf32>
      %reduce_sum3A_1510 = vector.shape_cast %reduce_sum3A_1509 : vector<1xf32> to vector<1x1x1xf32>
      %reduce_sum3A_1511 = vector.extract %reduce_sum3A_1510[0, 0, 0] : f32 from vector<1x1x1xf32>
      %neg3A = arith.constant 0.000000e+00 : f32
      %neg3A_1512 = arith.subf %neg3A, %reduce_sum3A_1511 : f32
      %exp3A = math.exp %neg3A_1512 : f32
      %swap3A_1513 = arith.constant 0 : index
      %swap3A_1514 = arith.constant 0 : index
      %swap3A_1515 = memref.load %arg6[%swap3A_1513, %swap3A_1514] : memref<1x1xf32, #tpu.memory_space<smem>>
      memref.store %exp3A, %arg6[%swap3A_1513, %swap3A_1514] : memref<1x1xf32, #tpu.memory_space<smem>>
      %get3A_1516 = arith.constant 0 : index
      %get3A_1517 = arith.constant 0 : index
      %get3A_1518 = vector.load %arg3[%get3A_1516, %get3A_1517] : memref<1024x64xf32, #tpu.memory_space<vmem>>, vector<1024x64xf32>
      %get3A_1519 = arith.constant 0 : index
      %get3A_1520 = arith.constant 0 : index
      %get3A_1521 = vector.load %arg4[%get3A_1519, %get3A_1520] : memref<1024x1xf32, #tpu.memory_space<vmem>>, vector<1024x1xf32>
      %reduce_sum3A_1522 = vector.shape_cast %get3A_1521 : vector<1024x1xf32> to vector<1x1024x1xf32>
      %reduce_sum3A_1523 = arith.constant dense<0.000000e+00> : vector<1xf32>
      %reduce_sum3A_1524 = vector.multi_reduction <add>, %reduce_sum3A_1522, %reduce_sum3A_1523 [1, 2] : vector<1x1024x1xf32> to vector<1xf32>
      %reduce_sum3A_1525 = vector.shape_cast %reduce_sum3A_1524 : vector<1xf32> to vector<1x1x1xf32>
      %reduce_sum3A_1526 = vector.extract %reduce_sum3A_1525[0, 0, 0] : f32 from vector<1x1x1xf32>
      %get3A_1527 = arith.constant 0 : index
      %get3A_1528 = arith.constant 0 : index
      %get3A_1529 = vector.load %arg9[%get3A_1527, %get3A_1528] : memref<64x128xf32, #tpu.memory_space<vmem>>, vector<64x128xf32>
      %reduce_sum3A_1530 = arith.constant dense<0.000000e+00> : vector<64xf32>
      %reduce_sum3A_1531 = vector.multi_reduction <add>, %get3A_1529, %reduce_sum3A_1530 [1] : vector<64x128xf32> to vector<64xf32>
      %broadcast_in_dim3A_1532 = vector.shape_cast %reduce_sum3A_1531 : vector<64xf32> to vector<64x1xf32>
      %reduce_sum3A_1533 = arith.constant dense<0.000000e+00> : vector<64xf32>
      %reduce_sum3A_1534 = vector.multi_reduction <add>, %get3A_1518, %reduce_sum3A_1533 [0] : vector<1024x64xf32> to vector<64xf32>
      %broadcast_in_dim3A_1535 = vector.shape_cast %reduce_sum3A_1534 : vector<64xf32> to vector<1x64xf32>
      %transpose3A = tpu.transpose %broadcast_in_dim3A_1532, [1, 0] : vector<64x1xf32> -> vector<1x64xf32>
      %mul3A_1536 = arith.mulf %broadcast_in_dim3A_1535, %transpose3A : vector<1x64xf32>
      %reduce_sum3A_1537 = vector.shape_cast %mul3A_1536 : vector<1x64xf32> to vector<1x1x64xf32>
      %reduce_sum3A_1538 = arith.constant dense<0.000000e+00> : vector<1xf32>
      %reduce_sum3A_1539 = vector.multi_reduction <add>, %reduce_sum3A_1537, %reduce_sum3A_1538 [1, 2] : vector<1x1x64xf32> to vector<1xf32>
      %reduce_sum3A_1540 = vector.shape_cast %reduce_sum3A_1539 : vector<1xf32> to vector<1x1x1xf32>
      %reduce_sum3A_1541 = vector.extract %reduce_sum3A_1540[0, 0, 0] : f32 from vector<1x1x1xf32>
      %get3A_1542 = arith.constant 0 : index
      %get3A_1543 = arith.constant 0 : index
      %get3A_1544 = memref.load %arg10[%get3A_1542, %get3A_1543] : memref<1x1xf32, #tpu.memory_space<smem>>
      %mul3A_1545 = arith.constant 1.024000e+03 : f32
      %mul3A_1546 = arith.mulf %mul3A_1545, %get3A_1544 : f32
      %mul3A_1547 = arith.constant 3.276800e+04 : f32
      %mul3A_1548 = arith.mulf %mul3A_1547, %reduce_sum3A_1526 : f32
      %add3A_1549 = arith.addf %mul3A_1546, %mul3A_1548 : f32
      %mul3A_1550 = arith.constant 2.000000e+00 : f32
      %mul3A_1551 = arith.mulf %mul3A_1550, %reduce_sum3A_1541 : f32
      %sub3A_1552 = arith.subf %add3A_1549, %mul3A_1551 : f32
      %mul3A_1553 = arith.constant 2.98023224E-8 : f32
      %mul3A_1554 = arith.mulf %sub3A_1552, %mul3A_1553 : f32
      %swap3A_1555 = arith.constant 0 : index
      %swap3A_1556 = arith.constant 0 : index
      %swap3A_1557 = memref.load %arg7[%swap3A_1555, %swap3A_1556] : memref<1x1xf32, #tpu.memory_space<smem>>
      memref.store %mul3A_1554, %arg7[%swap3A_1555, %swap3A_1556] : memref<1x1xf32, #tpu.memory_space<smem>>
    } else {
    }
    return
  }
  func.func @transform_0(%arg0: i32, %arg1: i32) -> (i32, i32, i32) {
    %c0_i32 = arith.constant 0 : i32
    %c0_i32_0 = arith.constant 0 : i32
    return %arg0, %c0_i32, %arg1 : i32, i32, i32
  }
  func.func @transform_1(%arg0: i32, %arg1: i32) -> (i32, i32) {
    %c0_i32 = arith.constant 0 : i32
    %c0_i32_0 = arith.constant 0 : i32
    %c0_i32_1 = arith.constant 0 : i32
    return %c0_i32, %c0_i32_0 : i32, i32
  }
  func.func @transform_2(%arg0: i32, %arg1: i32) -> (i32, i32) {
    %c0_i32 = arith.constant 0 : i32
    %c0_i32_0 = arith.constant 0 : i32
    %c0_i32_1 = arith.constant 0 : i32
    return %c0_i32, %c0_i32_0 : i32, i32
  }
  func.func @transform_3(%arg0: i32, %arg1: i32) -> (i32, i32, i32) {
    %mul3A = arith.constant 2 : i32
    %mul3A_0 = arith.muli %arg0, %mul3A : i32
    %add3A = arith.addi %mul3A_0, %arg1 : i32
    %c0_i32 = arith.constant 0 : i32
    %c0_i32_1 = arith.constant 0 : i32
    %c0_i32_2 = arith.constant 0 : i32
    return %add3A, %c0_i32, %c0_i32_1 : i32, i32, i32
  }
  func.func @transform_4(%arg0: i32, %arg1: i32) -> (i32, i32) {
    %c0_i32 = arith.constant 0 : i32
    %c0_i32_0 = arith.constant 0 : i32
    %c0_i32_1 = arith.constant 0 : i32
    return %c0_i32, %c0_i32_0 : i32, i32
  }
  func.func @transform_5(%arg0: i32, %arg1: i32) -> (i32, i32) {
    %c0_i32 = arith.constant 0 : i32
    %c0_i32_0 = arith.constant 0 : i32
    %c0_i32_1 = arith.constant 0 : i32
    return %c0_i32, %c0_i32_0 : i32, i32
  }
}

</mosaic_0001>

<sc_bundles>
// kernel: kernel.4.cloned.1.call-start
scs
__scs_entry_jumppad:
0x0: {  	(pc) =	sbr.rel $0x88, $3  }
0x1: {  	(tag) =	ssettag $0x0;
	lr =	simm.s32 $0x1  }
0x2: {  	[smem:$0x3F9F] =	sst lr;
	_ =	strace $0xD0000000  }
0x3: {  	_ = 	snop  }
0x4: {  	_ = 	snop  }
0x5: {  	_ = 	snop  }
0x6: {  	_ = 	snop  }
0x7: {  	_ = 	snop  }
__scs_overlays_trampoline_lowered:
0x8: {  	[smem:$0x3FAE] =	sst s0  }
0x9: {  	[smem:$0x3FAF] =	sst s1  }
0xa: {  	[smem:$0x3FB0] =	sst s2  }
0xb: {  	[smem:$0x3FB1] =	sst s3  }
0xc: {  	[smem:$0x3FB2] =	sst s4  }
0xd: {  	[smem:$0x3FB3] =	sst s5  }
0xe: {  	[smem:$0x3FB4] =	sst s6  }
0xf: {  	[smem:$0x3FB5] =	sst s7  }
0x10: {  	[smem:$0x3FB6] =	sst s8  }
0x11: {  	[smem:$0x3FB7] =	sst s9;
	s0 =	simm.s32 @!p0 $0x0  }
0x12: {  	s1 =	sld [smem:$0x3F9D];
	s0 =	simm.s32 @p0 $0x1  }
0x13: {  	[smem:$0x3FB8] =	sst s0;
	s0 =	simm.s32 @!p1 $0x0  }
0x14: {  	s2 =	sld [smem:$0x3F9C];
	s0 =	simm.s32 @p1 $0x1  }
0x15: {  	[smem:$0x3FB9] =	sst s0;
	s0 =	simm.s32 @!p2 $0x0  }
0x16: {  	s3 =	sld [smem:$0x3FDB];
	s0 =	simm.s32 @p2 $0x1  }
0x17: {  	s4 =	simm.s32 $0x1BF5;
	[smem:$0x3FBB] =	sst s0  }
0x18: {  	s0 =	sld [smem:$0x3F9E];
	_ =	swait.ge [sflag:s4], $0x0  }
0x19: {  	s7 =	sld [smem:$0x3F9F]  }
0x1a: {  	s8 =	sadd.s32 $0xFFFFE003, lr  }
0x1b: {  	s9 =	sadd.s32 $0xFFFFFEF7, lr;
	s5 =	simm.s32 $0xFFFFFFFF;
	p2 =	slt.u32 s8, $0xFFFFF086  }
0x1c: {  	p1 =	slt.u32 s9, $0xF7A;
	s5 =	simm.s32 @!p2 $0x0  }
0x1d: {  	s5 =	simm.s32 @p1 $0x1;
	p0 =	seq.s32 s7, s2  }
0x1e: {  	s7 =	smul.u32 @!p0 $0xF7A, s2;
	p2 =	seq.s32 @!p0 s5, $0x0  }
0x1f: {  	s9 =	smul.u32 $0xF7A, s1;
	s8 =	simm.s32 @!p0 $0x1BF5;
	p2 =	por !p2, p0  }
0x20: {  	[sflag:s8] =	ssyncset.s32 @!p0 $0xFFFFF086;
	s6 =	sadd.s32 @!p0 s3, s7;
	s7 =	simm.s32 @!p0 $0x108  }
0x21: {  	s3 =	sadd.s32 s3, s9;
	s6 =	sadd.s32 @!p0 $0x88, s6;
	s7 =	simm.s32 @p2 $0x1082  }
0x22: {  	[simem:s7], [sflag:s8] =	dma.local @!p0 [hbm:s6], $0xF7A  }
0x23: {  	s9 =	sor.u32 $0xD0000000, s2;
	s6 =	simm.s32 $0x108;
	_ =	swait.ge @!p0 [sflag:s8], $0x0  }
0x24: {  	s3 =	sadd.s32 $0x88, s3;
	s6 =	simm.s32 @!p1 $0x1082;
	[sflag:s4] =	ssyncset.s32 $0xFFFFF086  }
0x25: {  	[simem:s6], [sflag:s4] =	dma.local [hbm:s3], $0xF7A  }
0x26: {  	[smem:$0x3F9F] =	sst s1;
	(tag) =	ssettag s2;
	_ =	strace s9  }
0x27: {  	s1 =	sld [smem:$0x3FAF]  }
0x28: {  	s2 =	sld [smem:$0x3FB0]  }
0x29: {  	s4 =	sld [smem:$0x3FB2]  }
0x2a: {  	p0 =	seq.s32 s5, $0x0;
	s5 =	sld [smem:$0x3FB3]  }
0x2b: {  	s6 =	sld [smem:$0x3FB4]  }
0x2c: {  	s7 =	sld [smem:$0x3FB5]  }
0x2d: {  	s3 =	simm.s32 $0x108;
	s8 =	sld [smem:$0x3FB6]  }
0x2e: {  	s3 =	simm.s32 @!p0 $0x1082;
	s9 =	sld [smem:$0x3FB7]  }
0x2f: {  	lr =	sadd.s32 s0, s3;
	s0 =	sld [smem:$0x3FAE]  }
0x30: {  	s3 =	sld [smem:$0x3FB1]  }
0x31: {  	[smem:$0x3FBA] =	sst s10  }
0x32: {  	s10 =	sld [smem:$0x3FB8];
	_ =	sdelay $0x3  }
0x33: {  	p0 =	seq.s32 s10, $0x1;
	s10 =	sld [smem:$0x3FBA];
	_ =	sdelay $0x3  }
0x34: {  	[smem:$0x3FBA] =	sst s10  }
0x35: {  	s10 =	sld [smem:$0x3FB9];
	_ =	sdelay $0x3  }
0x36: {  	p1 =	seq.s32 s10, $0x1;
	s10 =	sld [smem:$0x3FBA];
	_ =	sdelay $0x3  }
0x37: {  	[smem:$0x3FBA] =	sst s10  }
0x38: {  	s10 =	sld [smem:$0x3FBB]  }
0x39: {  	_ = 	snop;
	(pc) =	sbr.ind lr, $3  }
0x3a: {  	_ = 	snop  }
0x3b: {  	_ = 	snop  }
0x3c: {  	p2 =	seq.s32 s10, $0x1;
	s10 =	sld [smem:$0x3FBA]  }
0x3d: {  	_ =	shalt  }
0x3e: {  	_ =	shalt  }
0x3f: {  	_ =	shalt  }
0x40: {  	_ =	shalt  }
0x41: {  	_ =	shalt  }
0x42: {  	_ =	shalt  }
0x43: {  	_ =	shalt  }
0x44: {  	_ =	shalt  }
0x45: {  	_ =	shalt  }
0x46: {  	_ =	shalt  }
0x47: {  	_ =	shalt  }
0x48: {  	_ =	shalt  }
0x49: {  	_ =	shalt  }
0x4a: {  	_ =	shalt  }
0x4b: {  	_ =	shalt  }
0x4c: {  	_ =	shalt  }
0x4d: {  	_ =	shalt  }
0x4e: {  	_ =	shalt  }
0x4f: {  	_ =	shalt  }
0x50: {  	_ =	shalt  }
0x51: {  	_ =	shalt  }
0x52: {  	_ =	shalt  }
0x53: {  	_ =	shalt  }
0x54: {  	_ =	shalt  }
0x55: {  	_ =	shalt  }
0x56: {  	_ =	shalt  }
0x57: {  	_ =	shalt  }
0x58: {  	_ =	shalt  }
0x59: {  	_ =	shalt  }
0x5a: {  	_ =	shalt  }
0x5b: {  	_ =	shalt  }
0x5c: {  	_ =	shalt  }
0x5d: {  	_ =	shalt  }
0x5e: {  	_ =	shalt  }
0x5f: {  	_ =	shalt  }
0x60: {  	_ =	shalt  }
0x61: {  	_ =	shalt  }
0x62: {  	_ =	shalt  }
0x63: {  	_ =	shalt  }
0x64: {  	_ =	shalt  }
0x65: {  	_ =	shalt  }
0x66: {  	_ =	shalt  }
0x67: {  	_ =	shalt  }
0x68: {  	_ =	shalt  }
0x69: {  	_ =	shalt  }
0x6a: {  	_ =	shalt  }
0x6b: {  	_ =	shalt  }
0x6c: {  	_ =	shalt  }
0x6d: {  	_ =	shalt  }
0x6e: {  	_ =	shalt  }
0x6f: {  	_ =	shalt  }
0x70: {  	_ =	shalt  }
0x71: {  	_ =	shalt  }
0x72: {  	_ =	shalt  }
0x73: {  	_ =	shalt  }
0x74: {  	_ =	shalt  }
0x75: {  	_ =	shalt  }
0x76: {  	_ =	shalt  }
0x77: {  	_ =	shalt  }
0x78: {  	_ =	shalt  }
0x79: {  	_ =	shalt  }
0x7a: {  	_ =	shalt  }
0x7b: {  	_ =	shalt  }
0x7c: {  	_ =	shalt  }
0x7d: {  	_ =	shalt  }
0x7e: {  	_ =	shalt  }
0x7f: {  	_ =	shalt  }
0x80: {  	_ =	shalt  }
0x81: {  	_ =	shalt  }
0x82: {  	_ =	shalt  }
0x83: {  	_ =	shalt  }
0x84: {  	_ =	shalt  }
0x85: {  	_ =	shalt  }
0x86: {  	_ =	shalt  }
0x87: {  	_ =	shalt  }
.Lfunc_end0:
.L_simem_size_0:
called_computation_lowered:
.L_overlay_start_0:
0x88: {  	s2 =	sld [smem:$0x3FD9]  }
0x89: {  	s3 =	sld [smem:$0x3FFE];
	_ =	sdelay $0x1  }
0x8a: {  	s1 =	srdreg.scid  }
0x8b: {  	s0 =	sand.u32 $0x1, s1  }
0x8c: {  	s14 =	sshll.u32 s0, $0xA;
	s2 =	sadd.s32 s3, s2  }
0x8d: {  	s2 =	sadd.s32 s2, s14  }
0x8e: {  	[smem:$0x3FC6] =	sst s2  }
0x8f: {  	_ = 	snop  }
0x90: {  	s2 =	sld [smem:$0x3FD0];
	_ =	sdelay $0x2  }
0x91: {  	s15 =	simm.s32 $0xA;
	s4 =	simm.s32 $0x10  }
0x92: {  	[smem:s4], [sflag:s15] =	dma.local [hbm:s2], $0x1  }
0x93: {  	_ =	swait.eq [sflag:s15], $0x1  }
0x94: {  	[sflag:s15] =	ssyncset.done $0x0  }
0x95: {  	[sflag:s15] =	ssyncadd.s32 $0xFFFFFFFF  }
0x96: {  	s16 =	sld [smem:$0x10];
	(tm) =	ssettm $0x1  }
0x97: {  	s17 =	sld [smem:$0x3FFB];
	_ =	sdelay $0x3  }
0x98: {  	_ =	strace s17  }
0x99: {  	s3 =	sld [smem:$0x3FFC];
	_ =	sdelay $0x3  }
0x9a: {  	_ =	strace s3  }
0x9b: {  	s3 =	sld [smem:$0x3FFD];
	_ =	sdelay $0x3  }
0x9c: {  	_ =	strace s3  }
0x9d: {  	_ =	strace $0x8FFFFFFF  }
0x9e: {  	s18 =	sld [smem:$0x3FDB];
	_ =	sdelay $0x1  }
0x9f: {  	s19 =	simm.s32 $_scs_section_size  }
0xa0: {  	s5 =	simm.s32 $_size__tile_overlayer_lowered;
	s6 =	simm.s32 $_tile_overlayer_lowered  }
0xa1: {  	s22 =	simm.s32 $0x1BFF;
	s21 =	sshll.u32 s6, $0x1;
	s3 =	sadd.s32 s19, s18  }
0xa2: {  	s7 =	simm.s32 $0x0;
	s20 =	sshll.u32 s5, $0x1;
	s5 =	sadd.s32 s21, s3  }
0xa3: {  	[timem:s7], [sflag:s22] =	dma.local [hbm:s5], s20  }
0xa4: {  	_ =	swait.ge [sflag:s22], s20  }
0xa5: {  	s4 =	ssub.s32 $0x0, s20;
	[sflag:s22] =	ssyncset.done $0x0  }
0xa6: {  	[sflag:s22] =	ssyncadd.s32 s4;
	_ =	sdelay $0x1  }
0xa7: {  	s23 =	simm.s32 $0x1B8B  }
0xa8: {  	_ =	swait.ge [sflag:s23], $0x1  }
0xa9: {  	[sflag:s23] =	ssyncset.done $0x0  }
0xaa: {  	s25 =	simm.s32 $0x1B8E;
	s24 =	sld [smem:$0x3FFE];
	[sflag:s23] =	ssyncadd.s32 $0xFFFFFFFF  }
0xab: {  	s26 =	simm.s32 $execute0_lowered;
	[smem:$0x3FD2] =	sst s25  }
0xac: {  	s5 =	sshll.u32 s26, $0x1;
	_ =	strace $0x80000046;
	[dreg:$0x1] =	wrdreg $0xFFFFFFFF  }
0xad: {  	s28 =	simm.s32 $_size_execute0_lowered;
	s3 =	sadd.s32 s3, s5;
	[dreg:$0x0] =	wrdreg $0x0  }
0xae: {  	s5 =	sshll.u32 s28, $0x1;
	[dreg:$0x2] =	wrdreg s3  }
0xaf: {  	[dreg:$0x3] =	wrdreg s5  }
0xb0: {  	[dreg:$0x4] =	wrdreg $0xC0  }
0xb1: {  	_ =	task [dreg:s7], $0x5FFFF  }
0xb2: {  	[dreg:$0x1] =	wrdreg $0xFFFFFFFF  }
0xb3: {  	[dreg:$0x0] =	wrdreg $0x60  }
0xb4: {  	[dreg:$0x2] =	wrdreg s16  }
0xb5: {  	[dreg:$0x3] =	wrdreg s24  }
0xb6: {  	[dreg:$0x4] =	wrdreg $0x9  }
0xb7: {  	_ =	task.clear_ibuf [dreg:s7], $0x5FFFF;
	_ =	strace $0x90000046  }
0xb8: {  	s29 =	simm.s32 $0x9;
	_ =	strace $0x80000048  }
0xb9: {  	_ =	swait.ge [sflag:s29], $0x1  }
0xba: {  	[sflag:s29] =	ssyncadd.s32 $0xFFFFFFFF  }
0xbb: {  	_ =	strace $0x90000048  }
0xbc: {  	_ =	sfence  }
0xbd: {  	s30 =	sld [smem:$0x0];
	_ =	sdelay $0x2  }
0xbe: {  	s31 =	sshll.u32 s1, $0xD;
	s1 =	sshrl.u32 s1, $0x2  }
0xbf: {  	s3 =	sand.u32 $0x4000, s31;
	s1 =	sadd.s32 s1, s30  }
0xc0: {  	s0 =	sor.u32 s3, s0;
	s1 =	sshll.u32 s1, $0x11  }
0xc1: {  	s0 =	sor.u32 s1, s0  }
0xc2: {  	s0 =	sadd.s32 $0x8F2B, s0  }
0xc3: {  	[sflag:s0] =	ssyncadd.remote.s32 $0x1  }
0xc4: {  	_ =	sfence.sel $0xFFFF  }
0xc5: {  	[dreg:$0x0] =	wrdreg $0xFFFFFFFF;
	(pc) =	sbr.abs _section_cstart, $3  }
0xc6: {  	[dreg:$0x1] =	wrdreg $0xFFFFFFFF  }
0xc7: {  	_ =	task.clear_ibuf [dreg:s7], $0x2FFFF;
	_ =	strace $0x9FFFFFFF  }
0xc8: {  	(tm) =	ssettm $0x7FFFFFFF  }
0xc9: {  	_ =	shalt  }
tec
execute0_lowered:
.L_overlay_start_1:
0x0: {  	(tag) =	ssettag $0x1  }
0x1: {  	s3 =	rddreg [dreg:$0x0]  }
0x2: {  	s4 =	rddreg [dreg:$0x1]  }
0x3: {  	s0 =	rddreg [dreg:$0x2];
	s2 =	simm.s32 $0x0  }
0x4: {  	s1 =	stileid.u32;
	s7 =	srdreg.scid;
	s10 =	simm.s32 $0x0  }
0x5: {  	[smem:$0x7FF] =	sst s2;
	s5 =	sshrl.u32 s1, $0x2;
	s7 =	sand.u32 $0x1, s7  }
0x6: {  	s8 =	sshll.u32 s1, $0x1;
	_ =	strace $0x80000047;
	s6 =	sshll.u32 s5, $0xA  }
0x7: {  	s5 =	sshll.u32 s5, $0x10;
	s9 =	ssub.s32 $0x2, s7;
	s8 =	sand.u32 $0x6, s8  }
0x8: {  	s6 =	sadd.s32 s6, s4;
	s5 =	sadd.s32 s5, s4;
	s29 =	sshrl.u32 s9, $0x1  }
0x9: {  	s7 =	sor.u32 s7, s8;
	s8 =	simm.s32 $0x2000;
	s30 =	ssub.s32 s9, s29  }
0xa: {  	s31 =	sshll.u32 s7, $0xA;
	s7 =	sshll.u32 s7, $0xD;
	s4 =	sadd.s32 $0x200, s6  }
0xb: {  	s9 =	simm.s32 $0x4000;
	s3 =	sadd.s32 s3, s31;
	s5 =	sadd.s32 s7, s5  }
0xc: {  	s6 =	smax.u32 s30, $0x1;
	s7 =	simm.s32 $0x1;
	s5 =	sadd.s32 $0x1200, s5  }
.LBB2_1:
0xd: {  	[tilespmem:s2], [sflag:$0x1] =	stream.linear.gather [hbm4b:s3+s2], $0x2000, $0x38;
	[tilespmem:$0x14000] =	vst v63  }
0xe: {  	_ =	swait.ge [sflag:s7], $0x2000  }
0xf: {  	[sflag:s7] =	ssyncset.done $0x0  }
0x10: {  	[sflag:s7] =	ssyncadd.s32 $0xFFFFE000  }
0x11: {  	[tilespmem:s8], [sflag:$0x1] =	stream.linear.gather [hbm4b:s4+s2], $0x2000, $0x38;
	[tilespmem:$0x14000] =	vst v63  }
0x12: {  	_ =	swait.ge [sflag:s7], $0x2000  }
0x13: {  	[sflag:s7] =	ssyncset.done $0x0  }
0x14: {  	s11 =	simm.s32 $0x2040;
	[sflag:s7] =	ssyncadd.s32 $0xFFFFE000  }
0x15: {  	v7 =	vld [tilespmem:s11+$0x30]  }
0x16: {  	v5 =	vld [tilespmem:s11+$0xFFFFFFD0]  }
0x17: {  	v4 =	vld [tilespmem:s11+$0xFFFFFFE0]  }
0x18: {  	v3 =	vld [tilespmem:s11+$0xFFFFFFF0]  }
0x19: {  	v2 =	vld [tilespmem:s11+$0x0]  }
0x1a: {  	v1 =	vld [tilespmem:s11+$0x10]  }
0x1b: {  	v0 =	vld [tilespmem:s11+$0x20]  }
0x1c: {  	v6 =	vld [tilespmem:s11+$0xFFFFFFC0]  }
0x1d: {  	v8 =	vld.idx.msk [tilespmem:v7+s2+$0x0], $0xffff  }
0x1e: {  	v9 =	vld.idx.msk [tilespmem:v5+s2+$0x0], $0xffff  }
0x1f: {  	v10 =	vld.idx.msk [tilespmem:v4+s2+$0x0], $0xffff  }
0x20: {  	v11 =	vadd.s32 $0x400, v7;
	v12 =	vld.idx.msk [tilespmem:v3+s2+$0x0], $0xffff  }
0x21: {  	v13 =	vadd.s32 $0x400, v5;
	v14 =	vld.idx.msk [tilespmem:v2+s2+$0x0], $0xffff  }
0x22: {  	s11 =	simm.s32 $0x4200;
	v15 =	vadd.s32 $0x400, v4;
	v16 =	vld.idx.msk [tilespmem:v1+s2+$0x0], $0xffff  }
0x23: {  	v17 =	vadd.s32 $0x400, v3;
	v18 =	vld.idx.msk [tilespmem:v0+s2+$0x0], $0xffff;
	[tilespmem:s11+$0xFFFFFE70] =	vst v8  }
0x24: {  	v55 =	vadd.s32 $0x400, v1;
	v19 =	vld.idx.msk [tilespmem:v6+s2+$0x0], $0xffff;
	[tilespmem:s11+$0xFFFFFE10] =	vst v9  }
0x25: {  	v58 =	vadd.s32 $0x400, v6;
	[tilespmem:s11+$0xFFFFFE20] =	vst v10;
	v54 =	vld.idx.msk [tilespmem:v11+s2+$0x0], $0xffff  }
0x26: {  	v59 =	vadd.s32 $0x400, v0;
	[tilespmem:s11+$0xFFFFFE30] =	vst v12;
	v56 =	vld.idx.msk [tilespmem:v13+s2+$0x0], $0xffff  }
0x27: {  	v8 =	vadd.s32 $0x400, v2;
	[tilespmem:s11+$0xFFFFFE40] =	vst v14;
	v15 =	vld.idx.msk [tilespmem:v15+s2+$0x0], $0xffff  }
0x28: {  	v57 =	vadd.s32 $0x800, v7;
	[tilespmem:s11+$0xFFFFFE50] =	vst v16;
	v17 =	vld.idx.msk [tilespmem:v17+s2+$0x0], $0xffff  }
0x29: {  	v60 =	vadd.s32 $0x800, v5;
	[tilespmem:s11+$0xFFFFFE00] =	vst v19;
	v11 =	vld.idx.msk [tilespmem:v55+s2+$0x0], $0xffff  }
0x2a: {  	v61 =	vadd.s32 $0x800, v4;
	[tilespmem:s11+$0xFFFFFE60] =	vst v18;
	v13 =	vld.idx.msk [tilespmem:v58+s2+$0x0], $0xffff  }
0x2b: {  	v62 =	vadd.s32 $0x800, v3;
	v21 =	vld.idx.msk [tilespmem:v59+s2+$0x0], $0xffff;
	[tilespmem:s11+$0xFFFFFEF0] =	vst v54  }
0x2c: {  	v23 =	vadd.s32 $0x800, v6;
	v8 =	vld.idx.msk [tilespmem:v8+s2+$0x0], $0xffff;
	[tilespmem:s11+$0xFFFFFE90] =	vst v56  }
0x2d: {  	v24 =	vadd.s32 $0x800, v1;
	[tilespmem:s11+$0xFFFFFEA0] =	vst v15;
	v12 =	vld.idx.msk [tilespmem:v57+s2+$0x0], $0xffff  }
0x2e: {  	v63 =	vadd.s32 $0x800, v2;
	[tilespmem:s11+$0xFFFFFEB0] =	vst v17;
	v16 =	vld.idx.msk [tilespmem:v60+s2+$0x0], $0xffff  }
0x2f: {  	v22 =	vadd.s32 $0xC00, v7;
	[tilespmem:s11+$0xFFFFFED0] =	vst v11;
	v18 =	vld.idx.msk [tilespmem:v61+s2+$0x0], $0xffff  }
0x30: {  	v25 =	vadd.s32 $0xC00, v5;
	[tilespmem:s11+$0xFFFFFE80] =	vst v13;
	v9 =	vld.idx.msk [tilespmem:v62+s2+$0x0], $0xffff  }
0x31: {  	v26 =	vadd.s32 $0xC00, v4;
	[tilespmem:s11+$0xFFFFFEE0] =	vst v21;
	v15 =	vld.idx.msk [tilespmem:v23+s2+$0x0], $0xffff  }
0x32: {  	v28 =	vadd.s32 $0xC00, v3;
	v29 =	vld.idx.msk [tilespmem:v24+s2+$0x0], $0xffff;
	[tilespmem:s11+$0xFFFFFEC0] =	vst v8  }
0x33: {  	v31 =	vadd.s32 $0xC00, v6;
	v19 =	vld.idx.msk [tilespmem:v63+s2+$0x0], $0xffff;
	[tilespmem:s11+$0xFFFFFF70] =	vst v12  }
0x34: {  	v33 =	vadd.s32 $0xC00, v1;
	[tilespmem:s11+$0xFFFFFF10] =	vst v16;
	v27 =	vld.idx.msk [tilespmem:v22+s2+$0x0], $0xffff  }
0x35: {  	v8 =	vadd.s32 $0x800, v0;
	[tilespmem:s11+$0xFFFFFF20] =	vst v18;
	v11 =	vld.idx.msk [tilespmem:v25+s2+$0x0], $0xffff  }
0x36: {  	v32 =	vadd.s32 $0xC00, v2;
	[tilespmem:s11+$0xFFFFFF30] =	vst v9;
	v12 =	vld.idx.msk [tilespmem:v26+s2+$0x0], $0xffff  }
0x37: {  	v30 =	vadd.s32 $0x1000, v7;
	[tilespmem:s11+$0xFFFFFF00] =	vst v15;
	v14 =	vld.idx.msk [tilespmem:v28+s2+$0x0], $0xffff  }
0x38: {  	v35 =	vadd.s32 $0x1000, v5;
	[tilespmem:s11+$0xFFFFFF50] =	vst v29;
	v17 =	vld.idx.msk [tilespmem:v31+s2+$0x0], $0xffff  }
0x39: {  	v37 =	vadd.s32 $0x1000, v4;
	v9 =	vld.idx.msk [tilespmem:v33+s2+$0x0], $0xffff;
	[tilespmem:s11+$0xFFFFFF40] =	vst v19  }
0x3a: {  	v39 =	vadd.s32 $0x1000, v6;
	v8 =	vld.idx.msk [tilespmem:v8+s2+$0x0], $0xffff;
	[tilespmem:s11+$0xFFFFFFF0] =	vst v27  }
0x3b: {  	v40 =	vadd.s32 $0x1000, v3;
	v38 =	vld.idx.msk [tilespmem:v32+s2+$0x0], $0xffff;
	[tilespmem:s11+$0xFFFFFF90] =	vst v11  }
0x3c: {  	v43 =	vadd.s32 $0x1000, v1;
	[tilespmem:s11+$0xFFFFFFA0] =	vst v12;
	v36 =	vld.idx.msk [tilespmem:v30+s2+$0x0], $0xffff  }
0x3d: {  	v34 =	vadd.s32 $0xC00, v0;
	[tilespmem:s11+$0xFFFFFFB0] =	vst v14;
	v13 =	vld.idx.msk [tilespmem:v35+s2+$0x0], $0xffff  }
0x3e: {  	v42 =	vadd.s32 $0x1000, v2;
	[tilespmem:s11+$0xFFFFFF80] =	vst v17;
	v16 =	vld.idx.msk [tilespmem:v37+s2+$0x0], $0xffff  }
0x3f: {  	v18 =	vld.idx.msk [tilespmem:v39+s2+$0x0], $0xffff;
	[tilespmem:s11+$0xFFFFFF60] =	vst v8;
	v8 =	vadd.s32 $0x1400, v7  }
0x40: {  	v45 =	vadd.s32 $0x1400, v5;
	[tilespmem:s11+$0xFFFFFFD0] =	vst v9;
	v46 =	vld.idx.msk [tilespmem:v40+s2+$0x0], $0xffff  }
0x41: {  	v48 =	vadd.s32 $0x1400, v6;
	v50 =	vld.idx.msk [tilespmem:v43+s2+$0x0], $0xffff;
	[tilespmem:s11+$0xFFFFFFC0] =	vst v38  }
0x42: {  	v49 =	vadd.s32 $0x1400, v4;
	v41 =	vld.idx.msk [tilespmem:v34+s2+$0x0], $0xffff;
	[tilespmem:s11+$0x70] =	vst v36  }
0x43: {  	v44 =	vadd.s32 $0x1000, v0;
	v19 =	vld.idx.msk [tilespmem:v42+s2+$0x0], $0xffff;
	[tilespmem:s11+$0x10] =	vst v13  }
0x44: {  	v51 =	vadd.s32 $0x1400, v3;
	[tilespmem:s11+$0x20] =	vst v16;
	v8 =	vld.idx.msk [tilespmem:v8+s2+$0x0], $0xffff  }
0x45: {  	v47 =	vadd.s32 $0x1800, v7;
	[tilespmem:s11+$0x0] =	vst v18;
	v17 =	vld.idx.msk [tilespmem:v45+s2+$0x0], $0xffff  }
0x46: {  	v52 =	vadd.s32 $0x1400, v2;
	[tilespmem:s11+$0x30] =	vst v46;
	v11 =	vld.idx.msk [tilespmem:v48+s2+$0x0], $0xffff  }
0x47: {  	v55 =	vadd.s32 $0x1800, v6;
	v54 =	vld.idx.msk [tilespmem:v49+s2+$0x0], $0xffff;
	[tilespmem:s11+$0xFFFFFFE0] =	vst v41  }
0x48: {  	v56 =	vadd.s32 $0x1800, v5;
	[tilespmem:s11+$0x50] =	vst v50;
	v15 =	vld.idx.msk [tilespmem:v44+s2+$0x0], $0xffff  }
0x49: {  	v53 =	vadd.s32 $0x1400, v0;
	v14 =	vld.idx.msk [tilespmem:v51+s2+$0x0], $0xffff;
	[tilespmem:s11+$0xF0] =	vst v8  }
0x4a: {  	[tilespmem:s11+$0x40] =	vst v19;
	v8 =	vadd.s32 $0x1400, v1;
	v9 =	vld.idx.msk [tilespmem:v47+s2+$0x0], $0xffff  }
0x4b: {  	v7 =	vadd.s32 $0x1C00, v7;
	v16 =	vld.idx.msk [tilespmem:v52+s2+$0x0], $0xffff;
	[tilespmem:s11+$0x80] =	vst v11  }
0x4c: {  	v57 =	vadd.s32 $0x1800, v4;
	[tilespmem:s11+$0x90] =	vst v17;
	v12 =	vld.idx.msk [tilespmem:v55+s2+$0x0], $0xffff  }
0x4d: {  	v58 =	vadd.s32 $0x1800, v3;
	v13 =	vld.idx.msk [tilespmem:v56+s2+$0x0], $0xffff;
	[tilespmem:s11+$0x60] =	vst v15  }
0x4e: {  	v59 =	vadd.s32 $0x1800, v2;
	[tilespmem:s11+$0xA0] =	vst v54;
	v18 =	vld.idx.msk [tilespmem:v53+s2+$0x0], $0xffff  }
0x4f: {  	v6 =	vadd.s32 $0x1C00, v6;
	v8 =	vld.idx.msk [tilespmem:v8+s2+$0x0], $0xffff;
	[tilespmem:s11+$0x170] =	vst v9  }
0x50: {  	v60 =	vadd.s32 $0x1800, v1;
	[tilespmem:s11+$0xB0] =	vst v14;
	v7 =	vld.idx.msk [tilespmem:v7+s2+$0x0], $0xffff  }
0x51: {  	v61 =	vadd.s32 $0x1800, v0;
	v62 =	vld.idx.msk [tilespmem:v57+s2+$0x0], $0xffff;
	[tilespmem:s11+$0xC0] =	vst v16  }
0x52: {  	v5 =	vadd.s32 $0x1C00, v5;
	v63 =	vld.idx.msk [tilespmem:v58+s2+$0x0], $0xffff;
	[tilespmem:s11+$0x100] =	vst v12  }
0x53: {  	v3 =	vadd.s32 $0x1C00, v3;
	v9 =	vld.idx.msk [tilespmem:v59+s2+$0x0], $0xffff;
	[tilespmem:s11+$0xE0] =	vst v18  }
0x54: {  	v12 =	vld.idx.msk [tilespmem:v6+s2+$0x0], $0xffff;
	[tilespmem:s11+$0xD0] =	vst v8;
	v8 =	vadd.s32 $0x1C00, v4  }
0x55: {  	v11 =	vld.idx.msk [tilespmem:v60+s2+$0x0], $0xffff;
	[tilespmem:s11+$0x1F0] =	vst v7;
	v7 =	vadd.s32 $0x1C00, v2  }
0x56: {  	v1 =	vadd.s32 $0x1C00, v1;
	[tilespmem:s11+$0x110] =	vst v13;
	v10 =	vld.idx.msk [tilespmem:v61+s2+$0x0], $0xffff  }
0x57: {  	v0 =	vadd.s32 $0x1C00, v0;
	[tilespmem:s11+$0x130] =	vst v63;
	v4 =	vld.idx.msk [tilespmem:v5+s2+$0x0], $0xffff  }
0x58: {  	[tilespmem:s11+$0x120] =	vst v62;
	v2 =	vld.idx.msk [tilespmem:v3+s2+$0x0], $0xffff  }
0x59: {  	[tilespmem:s11+$0x140] =	vst v9;
	v5 =	vld.idx.msk [tilespmem:v8+s2+$0x0], $0xffff  }
0x5a: {  	[tilespmem:s11+$0x150] =	vst v11;
	v6 =	vld.idx.msk [tilespmem:v7+s2+$0x0], $0xffff  }
0x5b: {  	[tilespmem:s11+$0x160] =	vst v10;
	v3 =	vld.idx.msk [tilespmem:v1+s2+$0x0], $0xffff  }
0x5c: {  	s12 =	simm.s32 $0x0;
	s13 =	simm.s32 $0x20C0;
	[tilespmem:s11+$0x180] =	vst v12;
	v1 =	vld.idx.msk [tilespmem:v0+s2+$0x0], $0xffff  }
.LBB2_2:
0x5d: {  	v0 =	vld [tilespmem:s13+$0x30];
	s12 =	sadd.s32 $0x8, s12;
	[tilespmem:s11+$0x190] =	vst v4  }
0x5e: {  	v7 =	vld [tilespmem:s13+$0xFFFFFFD0];
	p0 =	slt.u32 s12, $0x1F8;
	[tilespmem:s11+$0x1A0] =	vst v5  }
0x5f: {  	v5 =	vld [tilespmem:s13+$0xFFFFFFE0];
	[tilespmem:s11+$0x1B0] =	vst v2  }
0x60: {  	v2 =	vld [tilespmem:s13+$0xFFFFFFF0];
	[tilespmem:s11+$0x1C0] =	vst v6  }
0x61: {  	v6 =	vld [tilespmem:s13+$0x0];
	[tilespmem:s11+$0x1D0] =	vst v3  }
0x62: {  	v3 =	vld [tilespmem:s13+$0x10];
	[tilespmem:s11+$0x1E0] =	vst v1  }
0x63: {  	v1 =	vadd.s32 $0x400, v7;
	v21 =	vadd.s32 $0x800, v7;
	v22 =	vadd.s32 $0xC00, v7;
	v23 =	vld [tilespmem:s13+$0x20]  }
0x64: {  	v4 =	vld [tilespmem:s13+$0xFFFFFFC0];
	v8 =	vadd.s32 $0x400, v5;
	v24 =	vadd.s32 $0x800, v5;
	v25 =	vadd.s32 $0xC00, v5  }
0x65: {  	v9 =	vadd.s32 $0x400, v2;
	v26 =	vadd.s32 $0x800, v2;
	v27 =	vadd.s32 $0xC00, v2;
	v10 =	vld.idx.msk [tilespmem:v0+s2+$0x0], $0xffff  }
0x66: {  	v11 =	vld.idx.msk [tilespmem:v7+s2+$0x0], $0xffff;
	v12 =	vadd.s32 $0x400, v6;
	v28 =	vadd.s32 $0x800, v6;
	v29 =	vadd.s32 $0xC00, v6  }
0x67: {  	v14 =	vadd.s32 $0x400, v0;
	v13 =	vld.idx.msk [tilespmem:v5+s2+$0x0], $0xffff;
	v30 =	vadd.s32 $0x400, v3;
	v31 =	vadd.s32 $0x800, v3  }
0x68: {  	v32 =	vadd.s32 $0xC00, v3;
	v16 =	vld.idx.msk [tilespmem:v2+s2+$0x0], $0xffff;
	v33 =	vadd.s32 $0x400, v23;
	v34 =	vadd.s32 $0x800, v23  }
0x69: {  	v35 =	vadd.s32 $0x400, v4;
	v36 =	vadd.s32 $0x800, v4;
	v37 =	vadd.s32 $0xC00, v4;
	v20 =	vld.idx.msk [tilespmem:v6+s2+$0x0], $0xffff  }
0x6a: {  	s11 =	sadd.s32 $0x400, s11;
	v39 =	vadd.s32 $0x1000, v7;
	v41 =	vadd.s32 $0xC00, v23;
	v38 =	vadd.s32 $0x1000, v4;
	v40 =	vld.idx.msk [tilespmem:v3+s2+$0x0], $0xffff  }
0x6b: {  	v42 =	vadd.s32 $0x1000, v5;
	v43 =	vadd.s32 $0x1000, v2;
	v44 =	vadd.s32 $0x1000, v6;
	v45 =	vld.idx.msk [tilespmem:v23+s2+$0x0], $0xffff;
	[tilespmem:s11+$0xFFFFFE70] =	vst v10  }
0x6c: {  	v46 =	vadd.s32 $0x1000, v3;
	v47 =	vadd.s32 $0x1000, v23;
	v15 =	vadd.s32 $0x1400, v4;
	[tilespmem:s11+$0xFFFFFE10] =	vst v11;
	v48 =	vld.idx.msk [tilespmem:v14+s2+$0x0], $0xffff  }
0x6d: {  	v50 =	vadd.s32 $0x1400, v7;
	v19 =	vadd.s32 $0x1400, v5;
	v17 =	vadd.s32 $0x1400, v2;
	v49 =	vld.idx.msk [tilespmem:v4+s2+$0x0], $0xffff;
	[tilespmem:s11+$0xFFFFFE20] =	vst v13  }
0x6e: {  	v52 =	vadd.s32 $0x800, v0;
	v18 =	vadd.s32 $0x1400, v6;
	v51 =	vld.idx.msk [tilespmem:v1+s2+$0x0], $0xffff;
	[tilespmem:s11+$0xFFFFFE30] =	vst v16;
	v16 =	vadd.s32 $0x1400, v3  }
0x6f: {  	v10 =	vadd.s32 $0x1800, v7;
	v13 =	vadd.s32 $0x1800, v4;
	v53 =	vld.idx.msk [tilespmem:v8+s2+$0x0], $0xffff;
	[tilespmem:s11+$0xFFFFFE40] =	vst v20;
	v20 =	vadd.s32 $0x1400, v23  }
0x70: {  	v14 =	vadd.s32 $0x1800, v5;
	v11 =	vadd.s32 $0x1800, v2;
	v8 =	vadd.s32 $0x1800, v6;
	v54 =	vld.idx.msk [tilespmem:v9+s2+$0x0], $0xffff;
	[tilespmem:s11+$0xFFFFFE50] =	vst v40  }
0x71: {  	v4 =	vadd.s32 $0x1C00, v4;
	v9 =	vadd.s32 $0x1800, v23;
	v40 =	vld.idx.msk [tilespmem:v12+s2+$0x0], $0xffff;
	v12 =	vadd.s32 $0x1800, v3;
	[tilespmem:s11+$0xFFFFFE60] =	vst v45  }
0x72: {  	v7 =	vadd.s32 $0x1C00, v7;
	v5 =	vadd.s32 $0x1C00, v5;
	v2 =	vadd.s32 $0x1C00, v2;
	v30 =	vld.idx.msk [tilespmem:v30+s2+$0x0], $0xffff;
	[tilespmem:s11+$0xFFFFFEF0] =	vst v48  }
0x73: {  	v1 =	vadd.s32 $0x1C00, v23;
	v6 =	vadd.s32 $0x1C00, v6;
	v3 =	vadd.s32 $0x1C00, v3;
	[tilespmem:s11+$0xFFFFFE00] =	vst v49;
	v23 =	vld.idx.msk [tilespmem:v52+s2+$0x0], $0xffff  }
0x74: {  	v35 =	vld.idx.msk [tilespmem:v35+s2+$0x0], $0xffff;
	[tilespmem:s11+$0xFFFFFE90] =	vst v51  }
0x75: {  	v45 =	vadd.s32 $0xC00, v0;
	[tilespmem:s11+$0xFFFFFEA0] =	vst v53;
	v33 =	vld.idx.msk [tilespmem:v33+s2+$0x0], $0xffff  }
0x76: {  	v21 =	vld.idx.msk [tilespmem:v21+s2+$0x0], $0xffff;
	[tilespmem:s11+$0xFFFFFEB0] =	vst v54  }
0x77: {  	v24 =	vld.idx.msk [tilespmem:v24+s2+$0x0], $0xffff;
	[tilespmem:s11+$0xFFFFFEC0] =	vst v40  }
0x78: {  	v26 =	vld.idx.msk [tilespmem:v26+s2+$0x0], $0xffff;
	[tilespmem:s11+$0xFFFFFED0] =	vst v30  }
0x79: {  	v28 =	vld.idx.msk [tilespmem:v28+s2+$0x0], $0xffff;
	[tilespmem:s11+$0xFFFFFF70] =	vst v23  }
0x7a: {  	[tilespmem:s11+$0xFFFFFE80] =	vst v35;
	v23 =	vld.idx.msk [tilespmem:v45+s2+$0x0], $0xffff  }
0x7b: {  	v30 =	vld.idx.msk [tilespmem:v36+s2+$0x0], $0xffff;
	[tilespmem:s11+$0xFFFFFEE0] =	vst v33  }
0x7c: {  	[tilespmem:s11+$0xFFFFFF10] =	vst v21;
	v21 =	vld.idx.msk [tilespmem:v31+s2+$0x0], $0xffff;
	v31 =	vadd.s32 $0x1000, v0  }
0x7d: {  	[tilespmem:s11+$0xFFFFFF20] =	vst v24;
	v24 =	vld.idx.msk [tilespmem:v34+s2+$0x0], $0xffff  }
0x7e: {  	v22 =	vld.idx.msk [tilespmem:v22+s2+$0x0], $0xffff;
	[tilespmem:s11+$0xFFFFFF30] =	vst v26  }
0x7f: {  	v25 =	vld.idx.msk [tilespmem:v25+s2+$0x0], $0xffff;
	[tilespmem:s11+$0xFFFFFF40] =	vst v28  }
0x80: {  	v26 =	vld.idx.msk [tilespmem:v27+s2+$0x0], $0xffff;
	[tilespmem:s11+$0xFFFFFFF0] =	vst v23  }
0x81: {  	[tilespmem:s11+$0xFFFFFF00] =	vst v30;
	v23 =	vld.idx.msk [tilespmem:v31+s2+$0x0], $0xffff  }
0x82: {  	v27 =	vld.idx.msk [tilespmem:v37+s2+$0x0], $0xffff;
	[tilespmem:s11+$0xFFFFFF50] =	vst v21  }
0x83: {  	v21 =	vld.idx.msk [tilespmem:v29+s2+$0x0], $0xffff;
	[tilespmem:s11+$0xFFFFFF60] =	vst v24;
	v24 =	vadd.s32 $0x1400, v0  }
0x84: {  	[tilespmem:s11+$0xFFFFFF90] =	vst v22;
	v22 =	vld.idx.msk [tilespmem:v32+s2+$0x0], $0xffff  }
0x85: {  	[tilespmem:s11+$0xFFFFFFA0] =	vst v25;
	v25 =	vld.idx.msk [tilespmem:v41+s2+$0x0], $0xffff  }
0x86: {  	v28 =	vld.idx.msk [tilespmem:v39+s2+$0x0], $0xffff;
	[tilespmem:s11+$0xFFFFFFB0] =	vst v26  }
0x87: {  	v26 =	vld.idx.msk [tilespmem:v42+s2+$0x0], $0xffff;
	[tilespmem:s11+$0x70] =	vst v23  }
0x88: {  	[tilespmem:s11+$0xFFFFFF80] =	vst v27;
	v23 =	vld.idx.msk [tilespmem:v24+s2+$0x0], $0xffff  }
0x89: {  	v24 =	vld.idx.msk [tilespmem:v38+s2+$0x0], $0xffff;
	[tilespmem:s11+$0xFFFFFFC0] =	vst v21  }
0x8a: {  	v21 =	vld.idx.msk [tilespmem:v43+s2+$0x0], $0xffff;
	[tilespmem:s11+$0xFFFFFFD0] =	vst v22;
	v22 =	vadd.s32 $0x1800, v0  }
0x8b: {  	v27 =	vld.idx.msk [tilespmem:v44+s2+$0x0], $0xffff;
	[tilespmem:s11+$0xFFFFFFE0] =	vst v25  }
0x8c: {  	[tilespmem:s11+$0x10] =	vst v28;
	v25 =	vld.idx.msk [tilespmem:v46+s2+$0x0], $0xffff  }
0x8d: {  	[tilespmem:s11+$0x20] =	vst v26;
	v26 =	vld.idx.msk [tilespmem:v47+s2+$0x0], $0xffff  }
0x8e: {  	v28 =	vld.idx.msk [tilespmem:v50+s2+$0x0], $0xffff;
	[tilespmem:s11+$0xF0] =	vst v23  }
0x8f: {  	[tilespmem:s11+$0x0] =	vst v24;
	v22 =	vld.idx.msk [tilespmem:v22+s2+$0x0], $0xffff  }
0x90: {  	v15 =	vld.idx.msk [tilespmem:v15+s2+$0x0], $0xffff;
	[tilespmem:s11+$0x30] =	vst v21  }
0x91: {  	v0 =	vadd.s32 $0x1C00, v0;
	v19 =	vld.idx.msk [tilespmem:v19+s2+$0x0], $0xffff;
	[tilespmem:s11+$0x40] =	vst v27  }
0x92: {  	v17 =	vld.idx.msk [tilespmem:v17+s2+$0x0], $0xffff;
	[tilespmem:s11+$0x50] =	vst v25  }
0x93: {  	v18 =	vld.idx.msk [tilespmem:v18+s2+$0x0], $0xffff;
	[tilespmem:s11+$0x60] =	vst v26  }
0x94: {  	[tilespmem:s11+$0x90] =	vst v28;
	v16 =	vld.idx.msk [tilespmem:v16+s2+$0x0], $0xffff  }
0x95: {  	v20 =	vld.idx.msk [tilespmem:v20+s2+$0x0], $0xffff;
	[tilespmem:s11+$0x170] =	vst v22  }
0x96: {  	[tilespmem:s11+$0x80] =	vst v15;
	v0 =	vld.idx.msk [tilespmem:v0+s2+$0x0], $0xffff  }
0x97: {  	v13 =	vld.idx.msk [tilespmem:v13+s2+$0x0], $0xffff;
	[tilespmem:s11+$0xA0] =	vst v19  }
0x98: {  	v10 =	vld.idx.msk [tilespmem:v10+s2+$0x0], $0xffff;
	[tilespmem:s11+$0xB0] =	vst v17  }
0x99: {  	v14 =	vld.idx.msk [tilespmem:v14+s2+$0x0], $0xffff;
	[tilespmem:s11+$0xC0] =	vst v18  }
0x9a: {  	v11 =	vld.idx.msk [tilespmem:v11+s2+$0x0], $0xffff;
	[tilespmem:s11+$0xD0] =	vst v16  }
0x9b: {  	v8 =	vld.idx.msk [tilespmem:v8+s2+$0x0], $0xffff;
	[tilespmem:s11+$0xE0] =	vst v20  }
0x9c: {  	v12 =	vld.idx.msk [tilespmem:v12+s2+$0x0], $0xffff;
	[tilespmem:s11+$0x1F0] =	vst v0  }
0x9d: {  	[tilespmem:s11+$0x100] =	vst v13;
	v0 =	vld.idx.msk [tilespmem:v9+s2+$0x0], $0xffff  }
0x9e: {  	v9 =	vld.idx.msk [tilespmem:v4+s2+$0x0], $0xffff;
	[tilespmem:s11+$0x110] =	vst v10  }
0x9f: {  	v4 =	vld.idx.msk [tilespmem:v7+s2+$0x0], $0xffff;
	[tilespmem:s11+$0x120] =	vst v14  }
.Ltmp0:
0xa0: {  	v5 =	vld.idx.msk [tilespmem:v5+s2+$0x0], $0xffff;
	[tilespmem:s11+$0x130] =	vst v11;
	(pc) =	sbr.rel @p0 .LBB2_2-.Ltmp0, $4  }
0xa1: {  	v2 =	vld.idx.msk [tilespmem:v2+s2+$0x0], $0xffff;
	[tilespmem:s11+$0x140] =	vst v8  }
0xa2: {  	v6 =	vld.idx.msk [tilespmem:v6+s2+$0x0], $0xffff;
	[tilespmem:s11+$0x150] =	vst v12  }
0xa3: {  	v3 =	vld.idx.msk [tilespmem:v3+s2+$0x0], $0xffff;
	[tilespmem:s11+$0x160] =	vst v0  }
0xa4: {  	s13 =	sadd.s32 $0x80, s13;
	[tilespmem:s11+$0x180] =	vst v9;
	v1 =	vld.idx.msk [tilespmem:v1+s2+$0x0], $0xffff  }
0xa5: {  	[tilespmem:s11+$0x190] =	vst v4  }
0xa6: {  	[tilespmem:s11+$0x1A0] =	vst v5  }
0xa7: {  	[tilespmem:s11+$0x1B0] =	vst v2  }
0xa8: {  	s10 =	sadd.s32 $0x1, s10;
	[tilespmem:s11+$0x1C0] =	vst v6  }
0xa9: {  	p0 =	sne.s32 s10, s6;
	[tilespmem:s11+$0x1D0] =	vst v3  }
.Ltmp1:
0xaa: {  	[tilespmem:s11+$0x1E0] =	vst v1;
	(pc) =	sbr.rel @p0 .LBB2_1-.Ltmp1, $4  }
0xab: {  	[hbm4b:s5+s2] =	stream.linear.scatter [tilespmem:s9], [sflag:$0x1], $0x10000, $0x38;
	[tilespmem:$0x14000] =	vst v63  }
0xac: {  	_ =	swait.ge [sflag:s7], $0x10000  }
0xad: {  	[sflag:s7] =	ssyncset.done $0x0  }
0xae: {  	[sflag:s7] =	ssyncadd.s32 $0xFFFF0000  }
0xaf: {  	_ =	sfence.sel $0x180000  }
0xb0: {  	[bflag:$0x0] =	sbarrier.arrive $0xFFFF  }
0xb1: {  	p0 =	sne.s32 s1, $0x0;
	_ =	strace $0x90000047  }
0xb2: {  	s0 =	sadd.s32 @!p0 $0x100000, s0;
	[bflag:$0x2] =	sbarrier.arrive $0xFFFF  }
0xb3: {  	[sflag:s0] =	ssyncadd.tile.s32 @!p0 $0x1;
	_ =	shalt  }
.Lfunc_end2:
_tile_overlayer_lowered:
.L_overlay_start_2:
0xb4: {  	(tag) =	ssettag $0x2  }
0xb5: {  	s0 =	rddreg [dreg:$0x0];
	s2 =	stileid.u32  }
0xb6: {  	s1 =	rddreg [dreg:$0x1];
	p0 =	sne.s32 s2, $0x0  }
0xb7: {  	s3 =	rddreg [dreg:$0x2];
	[bflag:$0x3] =	sbarrier.arrive $0xFFFF;
	s2 =	simm.s32 @!p0 $0x1C01  }
0xb8: {  	[timem:s3], [sflag:s2] =	dma.local @!p0 [hbm:s0], s1  }
0xb9: {  	s0 =	simm.s32 @!p0 $0x1  }
0xba: {  	_ =	swait.ge @!p0 [sflag:s0], s1  }
0xbb: {  	s1 =	ssub.s32 @!p0 $0x0, s1;
	[sflag:s0] =	ssyncset.done @!p0 $0x0  }
0xbc: {  	[sflag:s0] =	ssyncadd.s32 @!p0 s1  }
0xbd: {  	[bflag:$0x3] =	sbarrier.arrive $0xFFFF  }
0xbe: {  	_ =	shalt  }

</sc_bundles>
